<compile_context>
chip_gen: v7x
topology: tpu7x:2x2x1
jax: 0.10.2.dev20260603
libtpu: 0.0.44.dev20260713+nightly
codegen_flags: <defaults>
</compile_context>

<pallas_src>
import functools

import jax
import jax.numpy as jnp
import numpy as np
from jax import lax
from jax.experimental import pallas as pl
from jax.experimental.pallas import tpu as pltpu
from jax.experimental.pallas import tpu_sc as plsc

_DIM = 768
_FREQ_DIM = 256
_E = 16
_SPATIAL = 576
_NOISE_STD = 1.0 / _E
_B_BLK = 8
_B_SC = 16
_B_TC = 64 - _B_SC
_NW = 32
_ROWS_W = _SPATIAL * _B_SC // _NW
_CHUNK = 72
_NCHUNK = _ROWS_W // _CHUNK


def _noise_eager():
    for dev in (True, False):
        try:
            if dev:
                with jax.default_device(jax.devices("cpu")[0]):
                    return np.asarray(jax.random.normal(
                        jax.random.key(42), (64, _E), dtype=jnp.float32,
                    )) * np.float32(_NOISE_STD)
            return np.asarray(jax.random.normal(
                jax.random.key(42), (64, _E), dtype=jnp.float32,
            )) * np.float32(_NOISE_STD)
        except Exception:
            continue
    return None


_NOISE64 = _noise_eager()


def _tc_pool_kernel(x_ref, out_ref):
    out_ref[...] = jnp.sum(x_ref[...], axis=1)


_sc_mesh = plsc.VectorSubcoreMesh(core_axis_name="c", subcore_axis_name="s")


@functools.partial(
    pl.kernel,
    mesh=_sc_mesh,
    out_type=jax.ShapeDtypeStruct((_NW, 8, 128), jnp.float32),
    scratch_types=[
        pltpu.VMEM((_CHUNK, _DIM), jnp.float32),
        pltpu.VMEM((_CHUNK, _DIM), jnp.float32),
        pltpu.VMEM((8, 128), jnp.float32),
        pltpu.SemaphoreType.DMA,
        pltpu.SemaphoreType.DMA,
    ],
)
def _sc_pool(x_hbm, out_hbm, buf0, buf1, acc_v, sem0, sem1):
    wid = lax.axis_index("s") * 2 + lax.axis_index("c")
    batch = _B_TC + wid // 2
    row0 = (wid % 2) * _ROWS_W

    bufs = (buf0, buf1)
    sems = (sem0, sem1)
    copies = []
    for g in range(min(2, _NCHUNK)):
        copies.append(pltpu.async_copy(
            x_hbm.at[batch, pl.ds(row0 + g * _CHUNK, _CHUNK), :],
            bufs[g % 2], sems[g % 2]))

    accs = tuple(jnp.zeros((16,), jnp.float32) for _ in range(48))
    for g in range(_NCHUNK):
        copies[g].wait()
        buf = bufs[g % 2]

        def body(r, accs):
            return tuple(
                accs[k] + buf[r, pl.ds(k * 16, 16)] for k in range(48))

        accs = lax.fori_loop(0, _CHUNK, body, accs)
        if g + 2 < _NCHUNK:
            copies.append(pltpu.async_copy(
                x_hbm.at[batch, pl.ds(row0 + (g + 2) * _CHUNK, _CHUNK), :],
                bufs[g % 2], sems[g % 2]))

    for k in range(48):
        acc_v[k // 8, pl.ds((k % 8) * 16, 16)] = accs[k]
    pltpu.sync_copy(acc_v, out_hbm.at[wid])


def _finish_kernel(ptc_ref, psc_ref, freq_ref, wg_ref, wgsc_ref, wf_ref,
                   noise_ref, gates_ref, idx_ref, vals_ref):
    pooled_tc = ptc_ref[...] * (1.0 / _SPATIAL)
    logits_tc = jax.lax.dot_general(
        pooled_tc, wg_ref[...], (((1,), (1,)), ((), ())),
        preferred_element_type=jnp.float32)

    parts = psc_ref[...]
    psum = (parts[:, 0] + parts[:, 1]) * (1.0 / _SPATIAL)
    logits_sc = jnp.zeros((_B_SC, _E), jnp.float32)
    for r in range(6):
        logits_sc = logits_sc + jax.lax.dot_general(
            psum[:, r, :], wgsc_ref[:, r, :], (((1,), (1,)), ((), ())),
            preferred_element_type=jnp.float32)

    logits = jnp.concatenate([logits_tc, logits_sc], axis=0)
    logits = logits + jax.lax.dot_general(
        freq_ref[...], wf_ref[...], (((1,), (1,)), ((), ())),
        preferred_element_type=jnp.float32)
    logits = logits + noise_ref[...]

    m = jnp.max(logits, axis=1, keepdims=True)
    e = jnp.exp(logits - m)
    p = e / jnp.sum(e, axis=1, keepdims=True)

    lane = jax.lax.broadcasted_iota(jnp.int32, p.shape, 1)
    v1 = jnp.max(p, axis=1, keepdims=True)
    i1 = jnp.min(jnp.where(p == v1, lane, _E), axis=1, keepdims=True)
    p2 = jnp.where(lane == i1, -jnp.inf, p)
    v2 = jnp.max(p2, axis=1, keepdims=True)
    i2 = jnp.min(jnp.where(p2 == v2, lane, _E), axis=1, keepdims=True)

    gates_ref[...] = jnp.where(
        lane == i1, v1, jnp.where(lane == i2, v2, 0.0))
    idx_ref[...] = jnp.concatenate([i1, i2], axis=1)
    vals_ref[...] = jnp.concatenate([v1, v2], axis=1)


@jax.jit
def kernel(x, freq_emb, W_gate, W_freq):
    b = x.shape[0]
    xt = jnp.transpose(x, (0, 2, 3, 1)).reshape(b, _SPATIAL, _DIM)
    noise = jnp.asarray(_NOISE64)
    wg_sc = W_gate.reshape(_E, 6, 128)

    parts_sc = _sc_pool(xt).reshape(_B_SC, 2, 8, 128)

    pooled_tc = pl.pallas_call(
        _tc_pool_kernel,
        grid=(_B_TC // _B_BLK,),
        in_specs=[pl.BlockSpec((_B_BLK, _SPATIAL, _DIM), lambda i: (i, 0, 0))],
        out_specs=pl.BlockSpec((_B_BLK, _DIM), lambda i: (i, 0)),
        out_shape=jax.ShapeDtypeStruct((_B_TC, _DIM), jnp.float32),
    )(xt)

    gates, idx, vals = pl.pallas_call(
        _finish_kernel,
        out_shape=[
            jax.ShapeDtypeStruct((b, _E), jnp.float32),
            jax.ShapeDtypeStruct((b, 2), jnp.int32),
            jax.ShapeDtypeStruct((b, 2), jnp.float32),
        ],
    )(pooled_tc, parts_sc, freq_emb, W_gate, wg_sc, W_freq, noise)

    return (gates, idx, vals, jnp.float32(0.0))

# --- scband reference (transcript-rebuilt; emitter-appended) ---
"""Pipeline reference for scband-routing-function-28235115003998 (READ-ONLY COPY).

The authoritative reference and input builder live on the scoring server;
editing this copy changes nothing except your own understanding.
"""

import jax, jax.numpy as jnp
import numpy as np

DIM = 768
FREQ_DIM = 256
E = 16
K = 2
NOISE_STD = 1.0 / E


def setup_inputs(seed: int = 0) -> dict:
    key = jax.random.key(seed)
    k1, k2, k3, k4 = jax.random.split(key, 4)
    x = jax.random.normal(k1, (64, DIM, 24, 24), dtype=jnp.float32)
    freq_emb = jax.random.normal(k2, (64, FREQ_DIM), dtype=jnp.float32)
    # nn.Linear(dim, num_experts, bias=False) weight: [E, dim]
    W_gate = jax.random.normal(k3, (E, DIM), dtype=jnp.float32) * (1.0 / np.sqrt(DIM))
    # nn.Linear(freq_dim, num_experts, bias=False) weight: [E, freq_dim]
    W_freq = jax.random.normal(k4, (E, FREQ_DIM), dtype=jnp.float32) * (1.0 / np.sqrt(FREQ_DIM))
    return {"x": x, "freq_emb": freq_emb, "W_gate": W_gate, "W_freq": W_freq}


def reference(x, freq_emb, W_gate, W_freq):
    # gate: AdaptiveAvgPool2d(1) -> [b, c], then Linear(dim, E, bias=False)
    pooled = jnp.mean(x, axis=(2, 3))
    logits = pooled @ W_gate.T + freq_emb @ W_freq.T
    # eval mode: no aux loss terms; noise still applied per forward()
    noise = jax.random.normal(jax.random.key(42), logits.shape, dtype=logits.dtype) * NOISE_STD
    noisy_logits = logits + noise
    gating_scores = jax.nn.softmax(noisy_logits, axis=-1)
    top_k_values, top_k_indices = jax.lax.top_k(gating_scores, K)
    rows = jnp.arange(logits.shape[0])[:, None]
    gates = jnp.zeros_like(logits).at[rows, top_k_indices].set(top_k_values)
    aux_loss = jnp.float32(0.0)
    return (gates, top_k_indices, top_k_values, aux_loss)

if __name__ == "__main__":
    import jax
    _d = setup_inputs()
    print(jax.jit(kernel)(*tuple(_d.values())))

</pallas_src>

<mosaic_0001>
#map = affine_map<(d0, d1) -> (0, 0, 0)>
module attributes {stable_mosaic.version = 14 : i64} {
  func.func @_sc_pool(%arg0: i32, %arg1: i32, %arg2: memref<64x576x768xf32, #tpu.memory_space<hbm>>, %arg3: memref<32x8x128xf32, #tpu.memory_space<hbm>>, %arg4: memref<72x768xf32, #tpu.memory_space<vmem>>, %arg5: memref<72x768xf32, #tpu.memory_space<vmem>>, %arg6: memref<8x128xf32, #tpu.memory_space<vmem>>, %arg7: memref<!tpu.dma_semaphore, #tpu.memory_space<semaphore_mem>>, %arg8: memref<!tpu.dma_semaphore, #tpu.memory_space<semaphore_mem>>) attributes {dimension_semantics = [#tpu.dimension_semantics<core_parallel>, #tpu.dimension_semantics<subcore_parallel>], iteration_bounds = array<i64: 2, 16>, scalar_prefetch = 0 : i64, scratch_operands = 5 : i64, tpu.core_type = #tpu.core_type<sc_vector_subcore>, window_params = [{transform_indices = #map}, {transform_indices = #map}]} {
    %mul3A = arith.constant 2 : i32
    %mul3A_0 = arith.muli %arg1, %mul3A : i32
    %add3A = arith.addi %mul3A_0, %arg0 : i32
    %jit3A = arith.constant 2 : i32
    %div3A = arith.divsi %add3A, %jit3A : i32
    %sign3A = arith.constant 0 : i32
    %sign3A_1 = arith.cmpi sgt, %add3A, %sign3A : i32
    %sign3A_2 = arith.extui %sign3A_1 : i1 to i32
    %sign3A_3 = arith.constant 0 : i32
    %sign3A_4 = arith.cmpi slt, %add3A, %sign3A_3 : i32
    %sign3A_5 = arith.extui %sign3A_4 : i1 to i32
    %sign3A_6 = arith.subi %sign3A_2, %sign3A_5 : i32
    %sign3A_7 = arith.constant 0 : i32
    %sign3A_8 = arith.cmpi sgt, %jit3A, %sign3A_7 : i32
    %sign3A_9 = arith.extui %sign3A_8 : i1 to i32
    %sign3A_10 = arith.constant 0 : i32
    %sign3A_11 = arith.cmpi slt, %jit3A, %sign3A_10 : i32
    %sign3A_12 = arith.extui %sign3A_11 : i1 to i32
    %sign3A_13 = arith.subi %sign3A_9, %sign3A_12 : i32
    %ne3A = arith.cmpi ne, %sign3A_6, %sign3A_13 : i32
    %rem3A = arith.remsi %add3A, %jit3A : i32
    %ne3A_14 = arith.constant 0 : i32
    %ne3A_15 = arith.cmpi ne, %rem3A, %ne3A_14 : i32
    %and3A = arith.andi %ne3A, %ne3A_15 : i1
    %sub3A = arith.constant 1 : i32
    %sub3A_16 = arith.subi %div3A, %sub3A : i32
    %select_n3A = arith.select %and3A, %sub3A_16, %div3A : i32
    %add3A_17 = arith.constant 48 : i32
    %add3A_18 = arith.addi %add3A_17, %select_n3A : i32
    %jit3A_19 = arith.constant 2 : i32
    %eq3A = arith.constant 0 : i32
    %eq3A_20 = arith.cmpi eq, %jit3A_19, %eq3A : i32
    %jit3A_21 = arith.constant 1 : i32
    %select_n3A_22 = arith.select %eq3A_20, %jit3A_21, %jit3A_19 : i32
    %rem3A_23 = arith.remsi %add3A, %select_n3A_22 : i32
    %ne3A_24 = arith.constant 0 : i32
    %ne3A_25 = arith.cmpi ne, %rem3A_23, %ne3A_24 : i32
    %lt3A = arith.constant 0 : i32
    %lt3A_26 = arith.cmpi slt, %rem3A_23, %lt3A : i32
    %lt3A_27 = arith.constant 0 : i32
    %lt3A_28 = arith.cmpi slt, %select_n3A_22, %lt3A_27 : i32
    %ne3A_29 = arith.xori %lt3A_26, %lt3A_28 : i1
    %and3A_30 = arith.andi %ne3A_29, %ne3A_25 : i1
    %add3A_31 = arith.addi %rem3A_23, %select_n3A_22 : i32
    %select_n3A_32 = arith.select %and3A_30, %add3A_31, %rem3A_23 : i32
    %mul3A_33 = arith.constant 288 : i32
    %mul3A_34 = arith.muli %select_n3A_32, %mul3A_33 : i32
    %add3A_35 = arith.constant 0 : i32
    %add3A_36 = arith.addi %mul3A_34, %add3A_35 : i32
    %dma_start3A = arith.constant 0 : i32
    %dma_start3A_37 = tpu.memref_slice %arg2[%add3A_18, %add3A_36, %dma_start3A] : memref<64x576x768xf32, #tpu.memory_space<hbm>> -> memref<1x72x768xf32, #tpu.memory_space<hbm>>
    %dma_start3A_38 = tpu.memref_squeeze %dma_start3A_37 : memref<1x72x768xf32, #tpu.memory_space<hbm>> -> memref<72x768xf32, #tpu.memory_space<hbm>>
    %dma_start3A_39 = arith.constant 0 : i32
    %dma_start3A_40 = tpu.memref_slice %arg2[%add3A_18, %add3A_36, %dma_start3A_39] : memref<64x576x768xf32, #tpu.memory_space<hbm>> -> memref<1x72x768xf32, #tpu.memory_space<hbm>>
    %dma_start3A_41 = tpu.memref_squeeze %dma_start3A_40 : memref<1x72x768xf32, #tpu.memory_space<hbm>> -> memref<72x768xf32, #tpu.memory_space<hbm>>
    tpu.enqueue_dma source(%dma_start3A_41 : memref<72x768xf32, #tpu.memory_space<hbm>>) target(%arg4 : memref<72x768xf32, #tpu.memory_space<vmem>>) target_semaphore(%arg7 : memref<!tpu.dma_semaphore, #tpu.memory_space<semaphore_mem>>)
    %add3A_42 = arith.constant 72 : i32
    %add3A_43 = arith.addi %mul3A_34, %add3A_42 : i32
    %dma_start3A_44 = arith.constant 0 : i32
    %dma_start3A_45 = tpu.memref_slice %arg2[%add3A_18, %add3A_43, %dma_start3A_44] : memref<64x576x768xf32, #tpu.memory_space<hbm>> -> memref<1x72x768xf32, #tpu.memory_space<hbm>>
    %dma_start3A_46 = tpu.memref_squeeze %dma_start3A_45 : memref<1x72x768xf32, #tpu.memory_space<hbm>> -> memref<72x768xf32, #tpu.memory_space<hbm>>
    %dma_start3A_47 = arith.constant 0 : i32
    %dma_start3A_48 = tpu.memref_slice %arg2[%add3A_18, %add3A_43, %dma_start3A_47] : memref<64x576x768xf32, #tpu.memory_space<hbm>> -> memref<1x72x768xf32, #tpu.memory_space<hbm>>
    %dma_start3A_49 = tpu.memref_squeeze %dma_start3A_48 : memref<1x72x768xf32, #tpu.memory_space<hbm>> -> memref<72x768xf32, #tpu.memory_space<hbm>>
    tpu.enqueue_dma source(%dma_start3A_49 : memref<72x768xf32, #tpu.memory_space<hbm>>) target(%arg5 : memref<72x768xf32, #tpu.memory_space<vmem>>) target_semaphore(%arg8 : memref<!tpu.dma_semaphore, #tpu.memory_space<semaphore_mem>>)
    %broadcast_in_dim3A = arith.constant 0.000000e+00 : f32
    %broadcast_in_dim3A_50 = vector.broadcast %broadcast_in_dim3A : f32 to vector<16xf32>
    %broadcast_in_dim3A_51 = arith.constant 0.000000e+00 : f32
    %broadcast_in_dim3A_52 = vector.broadcast %broadcast_in_dim3A_51 : f32 to vector<16xf32>
    %broadcast_in_dim3A_53 = arith.constant 0.000000e+00 : f32
    %broadcast_in_dim3A_54 = vector.broadcast %broadcast_in_dim3A_53 : f32 to vector<16xf32>
    %broadcast_in_dim3A_55 = arith.constant 0.000000e+00 : f32
    %broadcast_in_dim3A_56 = vector.broadcast %broadcast_in_dim3A_55 : f32 to vector<16xf32>
    %broadcast_in_dim3A_57 = arith.constant 0.000000e+00 : f32
    %broadcast_in_dim3A_58 = vector.broadcast %broadcast_in_dim3A_57 : f32 to vector<16xf32>
    %broadcast_in_dim3A_59 = arith.constant 0.000000e+00 : f32
    %broadcast_in_dim3A_60 = vector.broadcast %broadcast_in_dim3A_59 : f32 to vector<16xf32>
    %broadcast_in_dim3A_61 = arith.constant 0.000000e+00 : f32
    %broadcast_in_dim3A_62 = vector.broadcast %broadcast_in_dim3A_61 : f32 to vector<16xf32>
    %broadcast_in_dim3A_63 = arith.constant 0.000000e+00 : f32
    %broadcast_in_dim3A_64 = vector.broadcast %broadcast_in_dim3A_63 : f32 to vector<16xf32>
    %broadcast_in_dim3A_65 = arith.constant 0.000000e+00 : f32
    %broadcast_in_dim3A_66 = vector.broadcast %broadcast_in_dim3A_65 : f32 to vector<16xf32>
    %broadcast_in_dim3A_67 = arith.constant 0.000000e+00 : f32
    %broadcast_in_dim3A_68 = vector.broadcast %broadcast_in_dim3A_67 : f32 to vector<16xf32>
    %broadcast_in_dim3A_69 = arith.constant 0.000000e+00 : f32
    %broadcast_in_dim3A_70 = vector.broadcast %broadcast_in_dim3A_69 : f32 to vector<16xf32>
    %broadcast_in_dim3A_71 = arith.constant 0.000000e+00 : f32
    %broadcast_in_dim3A_72 = vector.broadcast %broadcast_in_dim3A_71 : f32 to vector<16xf32>
    %broadcast_in_dim3A_73 = arith.constant 0.000000e+00 : f32
    %broadcast_in_dim3A_74 = vector.broadcast %broadcast_in_dim3A_73 : f32 to vector<16xf32>
    %broadcast_in_dim3A_75 = arith.constant 0.000000e+00 : f32
    %broadcast_in_dim3A_76 = vector.broadcast %broadcast_in_dim3A_75 : f32 to vector<16xf32>
    %broadcast_in_dim3A_77 = arith.constant 0.000000e+00 : f32
    %broadcast_in_dim3A_78 = vector.broadcast %broadcast_in_dim3A_77 : f32 to vector<16xf32>
    %broadcast_in_dim3A_79 = arith.constant 0.000000e+00 : f32
    %broadcast_in_dim3A_80 = vector.broadcast %broadcast_in_dim3A_79 : f32 to vector<16xf32>
    %broadcast_in_dim3A_81 = arith.constant 0.000000e+00 : f32
    %broadcast_in_dim3A_82 = vector.broadcast %broadcast_in_dim3A_81 : f32 to vector<16xf32>
    %broadcast_in_dim3A_83 = arith.constant 0.000000e+00 : f32
    %broadcast_in_dim3A_84 = vector.broadcast %broadcast_in_dim3A_83 : f32 to vector<16xf32>
    %broadcast_in_dim3A_85 = arith.constant 0.000000e+00 : f32
    %broadcast_in_dim3A_86 = vector.broadcast %broadcast_in_dim3A_85 : f32 to vector<16xf32>
    %broadcast_in_dim3A_87 = arith.constant 0.000000e+00 : f32
    %broadcast_in_dim3A_88 = vector.broadcast %broadcast_in_dim3A_87 : f32 to vector<16xf32>
    %broadcast_in_dim3A_89 = arith.constant 0.000000e+00 : f32
    %broadcast_in_dim3A_90 = vector.broadcast %broadcast_in_dim3A_89 : f32 to vector<16xf32>
    %broadcast_in_dim3A_91 = arith.constant 0.000000e+00 : f32
    %broadcast_in_dim3A_92 = vector.broadcast %broadcast_in_dim3A_91 : f32 to vector<16xf32>
    %broadcast_in_dim3A_93 = arith.constant 0.000000e+00 : f32
    %broadcast_in_dim3A_94 = vector.broadcast %broadcast_in_dim3A_93 : f32 to vector<16xf32>
    %broadcast_in_dim3A_95 = arith.constant 0.000000e+00 : f32
    %broadcast_in_dim3A_96 = vector.broadcast %broadcast_in_dim3A_95 : f32 to vector<16xf32>
    %broadcast_in_dim3A_97 = arith.constant 0.000000e+00 : f32
    %broadcast_in_dim3A_98 = vector.broadcast %broadcast_in_dim3A_97 : f32 to vector<16xf32>
    %broadcast_in_dim3A_99 = arith.constant 0.000000e+00 : f32
    %broadcast_in_dim3A_100 = vector.broadcast %broadcast_in_dim3A_99 : f32 to vector<16xf32>
    %broadcast_in_dim3A_101 = arith.constant 0.000000e+00 : f32
    %broadcast_in_dim3A_102 = vector.broadcast %broadcast_in_dim3A_101 : f32 to vector<16xf32>
    %broadcast_in_dim3A_103 = arith.constant 0.000000e+00 : f32
    %broadcast_in_dim3A_104 = vector.broadcast %broadcast_in_dim3A_103 : f32 to vector<16xf32>
    %broadcast_in_dim3A_105 = arith.constant 0.000000e+00 : f32
    %broadcast_in_dim3A_106 = vector.broadcast %broadcast_in_dim3A_105 : f32 to vector<16xf32>
    %broadcast_in_dim3A_107 = arith.constant 0.000000e+00 : f32
    %broadcast_in_dim3A_108 = vector.broadcast %broadcast_in_dim3A_107 : f32 to vector<16xf32>
    %broadcast_in_dim3A_109 = arith.constant 0.000000e+00 : f32
    %broadcast_in_dim3A_110 = vector.broadcast %broadcast_in_dim3A_109 : f32 to vector<16xf32>
    %broadcast_in_dim3A_111 = arith.constant 0.000000e+00 : f32
    %broadcast_in_dim3A_112 = vector.broadcast %broadcast_in_dim3A_111 : f32 to vector<16xf32>
    %broadcast_in_dim3A_113 = arith.constant 0.000000e+00 : f32
    %broadcast_in_dim3A_114 = vector.broadcast %broadcast_in_dim3A_113 : f32 to vector<16xf32>
    %broadcast_in_dim3A_115 = arith.constant 0.000000e+00 : f32
    %broadcast_in_dim3A_116 = vector.broadcast %broadcast_in_dim3A_115 : f32 to vector<16xf32>
    %broadcast_in_dim3A_117 = arith.constant 0.000000e+00 : f32
    %broadcast_in_dim3A_118 = vector.broadcast %broadcast_in_dim3A_117 : f32 to vector<16xf32>
    %broadcast_in_dim3A_119 = arith.constant 0.000000e+00 : f32
    %broadcast_in_dim3A_120 = vector.broadcast %broadcast_in_dim3A_119 : f32 to vector<16xf32>
    %broadcast_in_dim3A_121 = arith.constant 0.000000e+00 : f32
    %broadcast_in_dim3A_122 = vector.broadcast %broadcast_in_dim3A_121 : f32 to vector<16xf32>
    %broadcast_in_dim3A_123 = arith.constant 0.000000e+00 : f32
    %broadcast_in_dim3A_124 = vector.broadcast %broadcast_in_dim3A_123 : f32 to vector<16xf32>
    %broadcast_in_dim3A_125 = arith.constant 0.000000e+00 : f32
    %broadcast_in_dim3A_126 = vector.broadcast %broadcast_in_dim3A_125 : f32 to vector<16xf32>
    %broadcast_in_dim3A_127 = arith.constant 0.000000e+00 : f32
    %broadcast_in_dim3A_128 = vector.broadcast %broadcast_in_dim3A_127 : f32 to vector<16xf32>
    %broadcast_in_dim3A_129 = arith.constant 0.000000e+00 : f32
    %broadcast_in_dim3A_130 = vector.broadcast %broadcast_in_dim3A_129 : f32 to vector<16xf32>
    %broadcast_in_dim3A_131 = arith.constant 0.000000e+00 : f32
    %broadcast_in_dim3A_132 = vector.broadcast %broadcast_in_dim3A_131 : f32 to vector<16xf32>
    %broadcast_in_dim3A_133 = arith.constant 0.000000e+00 : f32
    %broadcast_in_dim3A_134 = vector.broadcast %broadcast_in_dim3A_133 : f32 to vector<16xf32>
    %broadcast_in_dim3A_135 = arith.constant 0.000000e+00 : f32
    %broadcast_in_dim3A_136 = vector.broadcast %broadcast_in_dim3A_135 : f32 to vector<16xf32>
    %broadcast_in_dim3A_137 = arith.constant 0.000000e+00 : f32
    %broadcast_in_dim3A_138 = vector.broadcast %broadcast_in_dim3A_137 : f32 to vector<16xf32>
    %broadcast_in_dim3A_139 = arith.constant 0.000000e+00 : f32
    %broadcast_in_dim3A_140 = vector.broadcast %broadcast_in_dim3A_139 : f32 to vector<16xf32>
    %broadcast_in_dim3A_141 = arith.constant 0.000000e+00 : f32
    %broadcast_in_dim3A_142 = vector.broadcast %broadcast_in_dim3A_141 : f32 to vector<16xf32>
    %broadcast_in_dim3A_143 = arith.constant 0.000000e+00 : f32
    %broadcast_in_dim3A_144 = vector.broadcast %broadcast_in_dim3A_143 : f32 to vector<16xf32>
    %dma_wait3A = arith.constant 0 : i32
    %dma_wait3A_145 = tpu.memref_slice %arg2[%add3A_18, %add3A_36, %dma_wait3A] : memref<64x576x768xf32, #tpu.memory_space<hbm>> -> memref<1x72x768xf32, #tpu.memory_space<hbm>>
    %dma_wait3A_146 = tpu.memref_squeeze %dma_wait3A_145 : memref<1x72x768xf32, #tpu.memory_space<hbm>> -> memref<72x768xf32, #tpu.memory_space<hbm>>
    %dma_wait3A_147 = arith.constant 0 : i32
    %dma_wait3A_148 = tpu.memref_slice %arg2[%add3A_18, %add3A_36, %dma_wait3A_147] : memref<64x576x768xf32, #tpu.memory_space<hbm>> -> memref<1x72x768xf32, #tpu.memory_space<hbm>>
    %dma_wait3A_149 = tpu.memref_squeeze %dma_wait3A_148 : memref<1x72x768xf32, #tpu.memory_space<hbm>> -> memref<72x768xf32, #tpu.memory_space<hbm>>
    tpu.wait_dma2 semaphore(%arg7 : memref<!tpu.dma_semaphore, #tpu.memory_space<semaphore_mem>>) src(%dma_wait3A_149 : memref<72x768xf32, #tpu.memory_space<hbm>>) dst(%arg4 : memref<72x768xf32, #tpu.memory_space<vmem>>)
    %scan3A = arith.constant 0 : i32
    %scan3A_150 = arith.constant 72 : i32
    %scan3A_151 = arith.addi %scan3A, %scan3A_150 : i32
    %scan3A_152 = arith.constant 1 : i32
    %scan3A_153:48 = scf.for %scan3A_494 = %scan3A to %scan3A_151 step %scan3A_152 iter_args(%scan3A_495 = %broadcast_in_dim3A_50, %scan3A_496 = %broadcast_in_dim3A_52, %scan3A_497 = %broadcast_in_dim3A_54, %scan3A_498 = %broadcast_in_dim3A_56, %scan3A_499 = %broadcast_in_dim3A_58, %scan3A_500 = %broadcast_in_dim3A_60, %scan3A_501 = %broadcast_in_dim3A_62, %scan3A_502 = %broadcast_in_dim3A_64, %scan3A_503 = %broadcast_in_dim3A_66, %scan3A_504 = %broadcast_in_dim3A_68, %scan3A_505 = %broadcast_in_dim3A_70, %scan3A_506 = %broadcast_in_dim3A_72, %scan3A_507 = %broadcast_in_dim3A_74, %scan3A_508 = %broadcast_in_dim3A_76, %scan3A_509 = %broadcast_in_dim3A_78, %scan3A_510 = %broadcast_in_dim3A_80, %scan3A_511 = %broadcast_in_dim3A_82, %scan3A_512 = %broadcast_in_dim3A_84, %scan3A_513 = %broadcast_in_dim3A_86, %scan3A_514 = %broadcast_in_dim3A_88, %scan3A_515 = %broadcast_in_dim3A_90, %scan3A_516 = %broadcast_in_dim3A_92, %scan3A_517 = %broadcast_in_dim3A_94, %scan3A_518 = %broadcast_in_dim3A_96, %scan3A_519 = %broadcast_in_dim3A_98, %scan3A_520 = %broadcast_in_dim3A_100, %scan3A_521 = %broadcast_in_dim3A_102, %scan3A_522 = %broadcast_in_dim3A_104, %scan3A_523 = %broadcast_in_dim3A_106, %scan3A_524 = %broadcast_in_dim3A_108, %scan3A_525 = %broadcast_in_dim3A_110, %scan3A_526 = %broadcast_in_dim3A_112, %scan3A_527 = %broadcast_in_dim3A_114, %scan3A_528 = %broadcast_in_dim3A_116, %scan3A_529 = %broadcast_in_dim3A_118, %scan3A_530 = %broadcast_in_dim3A_120, %scan3A_531 = %broadcast_in_dim3A_122, %scan3A_532 = %broadcast_in_dim3A_124, %scan3A_533 = %broadcast_in_dim3A_126, %scan3A_534 = %broadcast_in_dim3A_128, %scan3A_535 = %broadcast_in_dim3A_130, %scan3A_536 = %broadcast_in_dim3A_132, %scan3A_537 = %broadcast_in_dim3A_134, %scan3A_538 = %broadcast_in_dim3A_136, %scan3A_539 = %broadcast_in_dim3A_138, %scan3A_540 = %broadcast_in_dim3A_140, %scan3A_541 = %broadcast_in_dim3A_142, %scan3A_542 = %broadcast_in_dim3A_144) -> (vector<16xf32>, vector<16xf32>, vector<16xf32>, vector<16xf32>, vector<16xf32>, vector<16xf32>, vector<16xf32>, vector<16xf32>, vector<16xf32>, vector<16xf32>, vector<16xf32>, vector<16xf32>, vector<16xf32>, vector<16xf32>, vector<16xf32>, vector<16xf32>, vector<16xf32>, vector<16xf32>, vector<16xf32>, vector<16xf32>, vector<16xf32>, vector<16xf32>, vector<16xf32>, vector<16xf32>, vector<16xf32>, vector<16xf32>, vector<16xf32>, vector<16xf32>, vector<16xf32>, vector<16xf32>, vector<16xf32>, vector<16xf32>, vector<16xf32>, vector<16xf32>, vector<16xf32>, vector<16xf32>, vector<16xf32>, vector<16xf32>, vector<16xf32>, vector<16xf32>, vector<16xf32>, vector<16xf32>, vector<16xf32>, vector<16xf32>, vector<16xf32>, vector<16xf32>, vector<16xf32>, vector<16xf32>)  : i32 {
      %get3A = arith.index_cast %scan3A_494 : i32 to index
      %get3A_543 = arith.constant 0 : index
      %get3A_544 = tpu.vector_load %arg4[%get3A, %get3A_543] {strides = array<i32>} : memref<72x768xf32, #tpu.memory_space<vmem>>, vector<1x16xf32>,
      %get3A_545 = vector.shape_cast %get3A_544 : vector<1x16xf32> to vector<16xf32>
      %add3A_546 = arith.addf %scan3A_495, %get3A_545 : vector<16xf32>
      %get3A_547 = arith.index_cast %scan3A_494 : i32 to index
      %get3A_548 = arith.constant 16 : index
      %get3A_549 = tpu.vector_load %arg4[%get3A_547, %get3A_548] {strides = array<i32>} : memref<72x768xf32, #tpu.memory_space<vmem>>, vector<1x16xf32>,
      %get3A_550 = vector.shape_cast %get3A_549 : vector<1x16xf32> to vector<16xf32>
      %add3A_551 = arith.addf %scan3A_496, %get3A_550 : vector<16xf32>
      %get3A_552 = arith.index_cast %scan3A_494 : i32 to index
      %get3A_553 = arith.constant 32 : index
      %get3A_554 = tpu.vector_load %arg4[%get3A_552, %get3A_553] {strides = array<i32>} : memref<72x768xf32, #tpu.memory_space<vmem>>, vector<1x16xf32>,
      %get3A_555 = vector.shape_cast %get3A_554 : vector<1x16xf32> to vector<16xf32>
      %add3A_556 = arith.addf %scan3A_497, %get3A_555 : vector<16xf32>
      %get3A_557 = arith.index_cast %scan3A_494 : i32 to index
      %get3A_558 = arith.constant 48 : index
      %get3A_559 = tpu.vector_load %arg4[%get3A_557, %get3A_558] {strides = array<i32>} : memref<72x768xf32, #tpu.memory_space<vmem>>, vector<1x16xf32>,
      %get3A_560 = vector.shape_cast %get3A_559 : vector<1x16xf32> to vector<16xf32>
      %add3A_561 = arith.addf %scan3A_498, %get3A_560 : vector<16xf32>
      %get3A_562 = arith.index_cast %scan3A_494 : i32 to index
      %get3A_563 = arith.constant 64 : index
      %get3A_564 = tpu.vector_load %arg4[%get3A_562, %get3A_563] {strides = array<i32>} : memref<72x768xf32, #tpu.memory_space<vmem>>, vector<1x16xf32>,
      %get3A_565 = vector.shape_cast %get3A_564 : vector<1x16xf32> to vector<16xf32>
      %add3A_566 = arith.addf %scan3A_499, %get3A_565 : vector<16xf32>
      %get3A_567 = arith.index_cast %scan3A_494 : i32 to index
      %get3A_568 = arith.constant 80 : index
      %get3A_569 = tpu.vector_load %arg4[%get3A_567, %get3A_568] {strides = array<i32>} : memref<72x768xf32, #tpu.memory_space<vmem>>, vector<1x16xf32>,
      %get3A_570 = vector.shape_cast %get3A_569 : vector<1x16xf32> to vector<16xf32>
      %add3A_571 = arith.addf %scan3A_500, %get3A_570 : vector<16xf32>
      %get3A_572 = arith.index_cast %scan3A_494 : i32 to index
      %get3A_573 = arith.constant 96 : index
      %get3A_574 = tpu.vector_load %arg4[%get3A_572, %get3A_573] {strides = array<i32>} : memref<72x768xf32, #tpu.memory_space<vmem>>, vector<1x16xf32>,
      %get3A_575 = vector.shape_cast %get3A_574 : vector<1x16xf32> to vector<16xf32>
      %add3A_576 = arith.addf %scan3A_501, %get3A_575 : vector<16xf32>
      %get3A_577 = arith.index_cast %scan3A_494 : i32 to index
      %get3A_578 = arith.constant 112 : index
      %get3A_579 = tpu.vector_load %arg4[%get3A_577, %get3A_578] {strides = array<i32>} : memref<72x768xf32, #tpu.memory_space<vmem>>, vector<1x16xf32>,
      %get3A_580 = vector.shape_cast %get3A_579 : vector<1x16xf32> to vector<16xf32>
      %add3A_581 = arith.addf %scan3A_502, %get3A_580 : vector<16xf32>
      %get3A_582 = arith.index_cast %scan3A_494 : i32 to index
      %get3A_583 = arith.constant 128 : index
      %get3A_584 = tpu.vector_load %arg4[%get3A_582, %get3A_583] {strides = array<i32>} : memref<72x768xf32, #tpu.memory_space<vmem>>, vector<1x16xf32>,
      %get3A_585 = vector.shape_cast %get3A_584 : vector<1x16xf32> to vector<16xf32>
      %add3A_586 = arith.addf %scan3A_503, %get3A_585 : vector<16xf32>
      %get3A_587 = arith.index_cast %scan3A_494 : i32 to index
      %get3A_588 = arith.constant 144 : index
      %get3A_589 = tpu.vector_load %arg4[%get3A_587, %get3A_588] {strides = array<i32>} : memref<72x768xf32, #tpu.memory_space<vmem>>, vector<1x16xf32>,
      %get3A_590 = vector.shape_cast %get3A_589 : vector<1x16xf32> to vector<16xf32>
      %add3A_591 = arith.addf %scan3A_504, %get3A_590 : vector<16xf32>
      %get3A_592 = arith.index_cast %scan3A_494 : i32 to index
      %get3A_593 = arith.constant 160 : index
      %get3A_594 = tpu.vector_load %arg4[%get3A_592, %get3A_593] {strides = array<i32>} : memref<72x768xf32, #tpu.memory_space<vmem>>, vector<1x16xf32>,
      %get3A_595 = vector.shape_cast %get3A_594 : vector<1x16xf32> to vector<16xf32>
      %add3A_596 = arith.addf %scan3A_505, %get3A_595 : vector<16xf32>
      %get3A_597 = arith.index_cast %scan3A_494 : i32 to index
      %get3A_598 = arith.constant 176 : index
      %get3A_599 = tpu.vector_load %arg4[%get3A_597, %get3A_598] {strides = array<i32>} : memref<72x768xf32, #tpu.memory_space<vmem>>, vector<1x16xf32>,
      %get3A_600 = vector.shape_cast %get3A_599 : vector<1x16xf32> to vector<16xf32>
      %add3A_601 = arith.addf %scan3A_506, %get3A_600 : vector<16xf32>
      %get3A_602 = arith.index_cast %scan3A_494 : i32 to index
      %get3A_603 = arith.constant 192 : index
      %get3A_604 = tpu.vector_load %arg4[%get3A_602, %get3A_603] {strides = array<i32>} : memref<72x768xf32, #tpu.memory_space<vmem>>, vector<1x16xf32>,
      %get3A_605 = vector.shape_cast %get3A_604 : vector<1x16xf32> to vector<16xf32>
      %add3A_606 = arith.addf %scan3A_507, %get3A_605 : vector<16xf32>
      %get3A_607 = arith.index_cast %scan3A_494 : i32 to index
      %get3A_608 = arith.constant 208 : index
      %get3A_609 = tpu.vector_load %arg4[%get3A_607, %get3A_608] {strides = array<i32>} : memref<72x768xf32, #tpu.memory_space<vmem>>, vector<1x16xf32>,
      %get3A_610 = vector.shape_cast %get3A_609 : vector<1x16xf32> to vector<16xf32>
      %add3A_611 = arith.addf %scan3A_508, %get3A_610 : vector<16xf32>
      %get3A_612 = arith.index_cast %scan3A_494 : i32 to index
      %get3A_613 = arith.constant 224 : index
      %get3A_614 = tpu.vector_load %arg4[%get3A_612, %get3A_613] {strides = array<i32>} : memref<72x768xf32, #tpu.memory_space<vmem>>, vector<1x16xf32>,
      %get3A_615 = vector.shape_cast %get3A_614 : vector<1x16xf32> to vector<16xf32>
      %add3A_616 = arith.addf %scan3A_509, %get3A_615 : vector<16xf32>
      %get3A_617 = arith.index_cast %scan3A_494 : i32 to index
      %get3A_618 = arith.constant 240 : index
      %get3A_619 = tpu.vector_load %arg4[%get3A_617, %get3A_618] {strides = array<i32>} : memref<72x768xf32, #tpu.memory_space<vmem>>, vector<1x16xf32>,
      %get3A_620 = vector.shape_cast %get3A_619 : vector<1x16xf32> to vector<16xf32>
      %add3A_621 = arith.addf %scan3A_510, %get3A_620 : vector<16xf32>
      %get3A_622 = arith.index_cast %scan3A_494 : i32 to index
      %get3A_623 = arith.constant 256 : index
      %get3A_624 = tpu.vector_load %arg4[%get3A_622, %get3A_623] {strides = array<i32>} : memref<72x768xf32, #tpu.memory_space<vmem>>, vector<1x16xf32>,
      %get3A_625 = vector.shape_cast %get3A_624 : vector<1x16xf32> to vector<16xf32>
      %add3A_626 = arith.addf %scan3A_511, %get3A_625 : vector<16xf32>
      %get3A_627 = arith.index_cast %scan3A_494 : i32 to index
      %get3A_628 = arith.constant 272 : index
      %get3A_629 = tpu.vector_load %arg4[%get3A_627, %get3A_628] {strides = array<i32>} : memref<72x768xf32, #tpu.memory_space<vmem>>, vector<1x16xf32>,
      %get3A_630 = vector.shape_cast %get3A_629 : vector<1x16xf32> to vector<16xf32>
      %add3A_631 = arith.addf %scan3A_512, %get3A_630 : vector<16xf32>
      %get3A_632 = arith.index_cast %scan3A_494 : i32 to index
      %get3A_633 = arith.constant 288 : index
      %get3A_634 = tpu.vector_load %arg4[%get3A_632, %get3A_633] {strides = array<i32>} : memref<72x768xf32, #tpu.memory_space<vmem>>, vector<1x16xf32>,
      %get3A_635 = vector.shape_cast %get3A_634 : vector<1x16xf32> to vector<16xf32>
      %add3A_636 = arith.addf %scan3A_513, %get3A_635 : vector<16xf32>
      %get3A_637 = arith.index_cast %scan3A_494 : i32 to index
      %get3A_638 = arith.constant 304 : index
      %get3A_639 = tpu.vector_load %arg4[%get3A_637, %get3A_638] {strides = array<i32>} : memref<72x768xf32, #tpu.memory_space<vmem>>, vector<1x16xf32>,
      %get3A_640 = vector.shape_cast %get3A_639 : vector<1x16xf32> to vector<16xf32>
      %add3A_641 = arith.addf %scan3A_514, %get3A_640 : vector<16xf32>
      %get3A_642 = arith.index_cast %scan3A_494 : i32 to index
      %get3A_643 = arith.constant 320 : index
      %get3A_644 = tpu.vector_load %arg4[%get3A_642, %get3A_643] {strides = array<i32>} : memref<72x768xf32, #tpu.memory_space<vmem>>, vector<1x16xf32>,
      %get3A_645 = vector.shape_cast %get3A_644 : vector<1x16xf32> to vector<16xf32>
      %add3A_646 = arith.addf %scan3A_515, %get3A_645 : vector<16xf32>
      %get3A_647 = arith.index_cast %scan3A_494 : i32 to index
      %get3A_648 = arith.constant 336 : index
      %get3A_649 = tpu.vector_load %arg4[%get3A_647, %get3A_648] {strides = array<i32>} : memref<72x768xf32, #tpu.memory_space<vmem>>, vector<1x16xf32>,
      %get3A_650 = vector.shape_cast %get3A_649 : vector<1x16xf32> to vector<16xf32>
      %add3A_651 = arith.addf %scan3A_516, %get3A_650 : vector<16xf32>
      %get3A_652 = arith.index_cast %scan3A_494 : i32 to index
      %get3A_653 = arith.constant 352 : index
      %get3A_654 = tpu.vector_load %arg4[%get3A_652, %get3A_653] {strides = array<i32>} : memref<72x768xf32, #tpu.memory_space<vmem>>, vector<1x16xf32>,
      %get3A_655 = vector.shape_cast %get3A_654 : vector<1x16xf32> to vector<16xf32>
      %add3A_656 = arith.addf %scan3A_517, %get3A_655 : vector<16xf32>
      %get3A_657 = arith.index_cast %scan3A_494 : i32 to index
      %get3A_658 = arith.constant 368 : index
      %get3A_659 = tpu.vector_load %arg4[%get3A_657, %get3A_658] {strides = array<i32>} : memref<72x768xf32, #tpu.memory_space<vmem>>, vector<1x16xf32>,
      %get3A_660 = vector.shape_cast %get3A_659 : vector<1x16xf32> to vector<16xf32>
      %add3A_661 = arith.addf %scan3A_518, %get3A_660 : vector<16xf32>
      %get3A_662 = arith.index_cast %scan3A_494 : i32 to index
      %get3A_663 = arith.constant 384 : index
      %get3A_664 = tpu.vector_load %arg4[%get3A_662, %get3A_663] {strides = array<i32>} : memref<72x768xf32, #tpu.memory_space<vmem>>, vector<1x16xf32>,
      %get3A_665 = vector.shape_cast %get3A_664 : vector<1x16xf32> to vector<16xf32>
      %add3A_666 = arith.addf %scan3A_519, %get3A_665 : vector<16xf32>
      %get3A_667 = arith.index_cast %scan3A_494 : i32 to index
      %get3A_668 = arith.constant 400 : index
      %get3A_669 = tpu.vector_load %arg4[%get3A_667, %get3A_668] {strides = array<i32>} : memref<72x768xf32, #tpu.memory_space<vmem>>, vector<1x16xf32>,
      %get3A_670 = vector.shape_cast %get3A_669 : vector<1x16xf32> to vector<16xf32>
      %add3A_671 = arith.addf %scan3A_520, %get3A_670 : vector<16xf32>
      %get3A_672 = arith.index_cast %scan3A_494 : i32 to index
      %get3A_673 = arith.constant 416 : index
      %get3A_674 = tpu.vector_load %arg4[%get3A_672, %get3A_673] {strides = array<i32>} : memref<72x768xf32, #tpu.memory_space<vmem>>, vector<1x16xf32>,
      %get3A_675 = vector.shape_cast %get3A_674 : vector<1x16xf32> to vector<16xf32>
      %add3A_676 = arith.addf %scan3A_521, %get3A_675 : vector<16xf32>
      %get3A_677 = arith.index_cast %scan3A_494 : i32 to index
      %get3A_678 = arith.constant 432 : index
      %get3A_679 = tpu.vector_load %arg4[%get3A_677, %get3A_678] {strides = array<i32>} : memref<72x768xf32, #tpu.memory_space<vmem>>, vector<1x16xf32>,
      %get3A_680 = vector.shape_cast %get3A_679 : vector<1x16xf32> to vector<16xf32>
      %add3A_681 = arith.addf %scan3A_522, %get3A_680 : vector<16xf32>
      %get3A_682 = arith.index_cast %scan3A_494 : i32 to index
      %get3A_683 = arith.constant 448 : index
      %get3A_684 = tpu.vector_load %arg4[%get3A_682, %get3A_683] {strides = array<i32>} : memref<72x768xf32, #tpu.memory_space<vmem>>, vector<1x16xf32>,
      %get3A_685 = vector.shape_cast %get3A_684 : vector<1x16xf32> to vector<16xf32>
      %add3A_686 = arith.addf %scan3A_523, %get3A_685 : vector<16xf32>
      %get3A_687 = arith.index_cast %scan3A_494 : i32 to index
      %get3A_688 = arith.constant 464 : index
      %get3A_689 = tpu.vector_load %arg4[%get3A_687, %get3A_688] {strides = array<i32>} : memref<72x768xf32, #tpu.memory_space<vmem>>, vector<1x16xf32>,
      %get3A_690 = vector.shape_cast %get3A_689 : vector<1x16xf32> to vector<16xf32>
      %add3A_691 = arith.addf %scan3A_524, %get3A_690 : vector<16xf32>
      %get3A_692 = arith.index_cast %scan3A_494 : i32 to index
      %get3A_693 = arith.constant 480 : index
      %get3A_694 = tpu.vector_load %arg4[%get3A_692, %get3A_693] {strides = array<i32>} : memref<72x768xf32, #tpu.memory_space<vmem>>, vector<1x16xf32>,
      %get3A_695 = vector.shape_cast %get3A_694 : vector<1x16xf32> to vector<16xf32>
      %add3A_696 = arith.addf %scan3A_525, %get3A_695 : vector<16xf32>
      %get3A_697 = arith.index_cast %scan3A_494 : i32 to index
      %get3A_698 = arith.constant 496 : index
      %get3A_699 = tpu.vector_load %arg4[%get3A_697, %get3A_698] {strides = array<i32>} : memref<72x768xf32, #tpu.memory_space<vmem>>, vector<1x16xf32>,
      %get3A_700 = vector.shape_cast %get3A_699 : vector<1x16xf32> to vector<16xf32>
      %add3A_701 = arith.addf %scan3A_526, %get3A_700 : vector<16xf32>
      %get3A_702 = arith.index_cast %scan3A_494 : i32 to index
      %get3A_703 = arith.constant 512 : index
      %get3A_704 = tpu.vector_load %arg4[%get3A_702, %get3A_703] {strides = array<i32>} : memref<72x768xf32, #tpu.memory_space<vmem>>, vector<1x16xf32>,
      %get3A_705 = vector.shape_cast %get3A_704 : vector<1x16xf32> to vector<16xf32>
      %add3A_706 = arith.addf %scan3A_527, %get3A_705 : vector<16xf32>
      %get3A_707 = arith.index_cast %scan3A_494 : i32 to index
      %get3A_708 = arith.constant 528 : index
      %get3A_709 = tpu.vector_load %arg4[%get3A_707, %get3A_708] {strides = array<i32>} : memref<72x768xf32, #tpu.memory_space<vmem>>, vector<1x16xf32>,
      %get3A_710 = vector.shape_cast %get3A_709 : vector<1x16xf32> to vector<16xf32>
      %add3A_711 = arith.addf %scan3A_528, %get3A_710 : vector<16xf32>
      %get3A_712 = arith.index_cast %scan3A_494 : i32 to index
      %get3A_713 = arith.constant 544 : index
      %get3A_714 = tpu.vector_load %arg4[%get3A_712, %get3A_713] {strides = array<i32>} : memref<72x768xf32, #tpu.memory_space<vmem>>, vector<1x16xf32>,
      %get3A_715 = vector.shape_cast %get3A_714 : vector<1x16xf32> to vector<16xf32>
      %add3A_716 = arith.addf %scan3A_529, %get3A_715 : vector<16xf32>
      %get3A_717 = arith.index_cast %scan3A_494 : i32 to index
      %get3A_718 = arith.constant 560 : index
      %get3A_719 = tpu.vector_load %arg4[%get3A_717, %get3A_718] {strides = array<i32>} : memref<72x768xf32, #tpu.memory_space<vmem>>, vector<1x16xf32>,
      %get3A_720 = vector.shape_cast %get3A_719 : vector<1x16xf32> to vector<16xf32>
      %add3A_721 = arith.addf %scan3A_530, %get3A_720 : vector<16xf32>
      %get3A_722 = arith.index_cast %scan3A_494 : i32 to index
      %get3A_723 = arith.constant 576 : index
      %get3A_724 = tpu.vector_load %arg4[%get3A_722, %get3A_723] {strides = array<i32>} : memref<72x768xf32, #tpu.memory_space<vmem>>, vector<1x16xf32>,
      %get3A_725 = vector.shape_cast %get3A_724 : vector<1x16xf32> to vector<16xf32>
      %add3A_726 = arith.addf %scan3A_531, %get3A_725 : vector<16xf32>
      %get3A_727 = arith.index_cast %scan3A_494 : i32 to index
      %get3A_728 = arith.constant 592 : index
      %get3A_729 = tpu.vector_load %arg4[%get3A_727, %get3A_728] {strides = array<i32>} : memref<72x768xf32, #tpu.memory_space<vmem>>, vector<1x16xf32>,
      %get3A_730 = vector.shape_cast %get3A_729 : vector<1x16xf32> to vector<16xf32>
      %add3A_731 = arith.addf %scan3A_532, %get3A_730 : vector<16xf32>
      %get3A_732 = arith.index_cast %scan3A_494 : i32 to index
      %get3A_733 = arith.constant 608 : index
      %get3A_734 = tpu.vector_load %arg4[%get3A_732, %get3A_733] {strides = array<i32>} : memref<72x768xf32, #tpu.memory_space<vmem>>, vector<1x16xf32>,
      %get3A_735 = vector.shape_cast %get3A_734 : vector<1x16xf32> to vector<16xf32>
      %add3A_736 = arith.addf %scan3A_533, %get3A_735 : vector<16xf32>
      %get3A_737 = arith.index_cast %scan3A_494 : i32 to index
      %get3A_738 = arith.constant 624 : index
      %get3A_739 = tpu.vector_load %arg4[%get3A_737, %get3A_738] {strides = array<i32>} : memref<72x768xf32, #tpu.memory_space<vmem>>, vector<1x16xf32>,
      %get3A_740 = vector.shape_cast %get3A_739 : vector<1x16xf32> to vector<16xf32>
      %add3A_741 = arith.addf %scan3A_534, %get3A_740 : vector<16xf32>
      %get3A_742 = arith.index_cast %scan3A_494 : i32 to index
      %get3A_743 = arith.constant 640 : index
      %get3A_744 = tpu.vector_load %arg4[%get3A_742, %get3A_743] {strides = array<i32>} : memref<72x768xf32, #tpu.memory_space<vmem>>, vector<1x16xf32>,
      %get3A_745 = vector.shape_cast %get3A_744 : vector<1x16xf32> to vector<16xf32>
      %add3A_746 = arith.addf %scan3A_535, %get3A_745 : vector<16xf32>
      %get3A_747 = arith.index_cast %scan3A_494 : i32 to index
      %get3A_748 = arith.constant 656 : index
      %get3A_749 = tpu.vector_load %arg4[%get3A_747, %get3A_748] {strides = array<i32>} : memref<72x768xf32, #tpu.memory_space<vmem>>, vector<1x16xf32>,
      %get3A_750 = vector.shape_cast %get3A_749 : vector<1x16xf32> to vector<16xf32>
      %add3A_751 = arith.addf %scan3A_536, %get3A_750 : vector<16xf32>
      %get3A_752 = arith.index_cast %scan3A_494 : i32 to index
      %get3A_753 = arith.constant 672 : index
      %get3A_754 = tpu.vector_load %arg4[%get3A_752, %get3A_753] {strides = array<i32>} : memref<72x768xf32, #tpu.memory_space<vmem>>, vector<1x16xf32>,
      %get3A_755 = vector.shape_cast %get3A_754 : vector<1x16xf32> to vector<16xf32>
      %add3A_756 = arith.addf %scan3A_537, %get3A_755 : vector<16xf32>
      %get3A_757 = arith.index_cast %scan3A_494 : i32 to index
      %get3A_758 = arith.constant 688 : index
      %get3A_759 = tpu.vector_load %arg4[%get3A_757, %get3A_758] {strides = array<i32>} : memref<72x768xf32, #tpu.memory_space<vmem>>, vector<1x16xf32>,
      %get3A_760 = vector.shape_cast %get3A_759 : vector<1x16xf32> to vector<16xf32>
      %add3A_761 = arith.addf %scan3A_538, %get3A_760 : vector<16xf32>
      %get3A_762 = arith.index_cast %scan3A_494 : i32 to index
      %get3A_763 = arith.constant 704 : index
      %get3A_764 = tpu.vector_load %arg4[%get3A_762, %get3A_763] {strides = array<i32>} : memref<72x768xf32, #tpu.memory_space<vmem>>, vector<1x16xf32>,
      %get3A_765 = vector.shape_cast %get3A_764 : vector<1x16xf32> to vector<16xf32>
      %add3A_766 = arith.addf %scan3A_539, %get3A_765 : vector<16xf32>
      %get3A_767 = arith.index_cast %scan3A_494 : i32 to index
      %get3A_768 = arith.constant 720 : index
      %get3A_769 = tpu.vector_load %arg4[%get3A_767, %get3A_768] {strides = array<i32>} : memref<72x768xf32, #tpu.memory_space<vmem>>, vector<1x16xf32>,
      %get3A_770 = vector.shape_cast %get3A_769 : vector<1x16xf32> to vector<16xf32>
      %add3A_771 = arith.addf %scan3A_540, %get3A_770 : vector<16xf32>
      %get3A_772 = arith.index_cast %scan3A_494 : i32 to index
      %get3A_773 = arith.constant 736 : index
      %get3A_774 = tpu.vector_load %arg4[%get3A_772, %get3A_773] {strides = array<i32>} : memref<72x768xf32, #tpu.memory_space<vmem>>, vector<1x16xf32>,
      %get3A_775 = vector.shape_cast %get3A_774 : vector<1x16xf32> to vector<16xf32>
      %add3A_776 = arith.addf %scan3A_541, %get3A_775 : vector<16xf32>
      %get3A_777 = arith.index_cast %scan3A_494 : i32 to index
      %get3A_778 = arith.constant 752 : index
      %get3A_779 = tpu.vector_load %arg4[%get3A_777, %get3A_778] {strides = array<i32>} : memref<72x768xf32, #tpu.memory_space<vmem>>, vector<1x16xf32>,
      %get3A_780 = vector.shape_cast %get3A_779 : vector<1x16xf32> to vector<16xf32>
      %add3A_781 = arith.addf %scan3A_542, %get3A_780 : vector<16xf32>
      scf.yield %add3A_546, %add3A_551, %add3A_556, %add3A_561, %add3A_566, %add3A_571, %add3A_576, %add3A_581, %add3A_586, %add3A_591, %add3A_596, %add3A_601, %add3A_606, %add3A_611, %add3A_616, %add3A_621, %add3A_626, %add3A_631, %add3A_636, %add3A_641, %add3A_646, %add3A_651, %add3A_656, %add3A_661, %add3A_666, %add3A_671, %add3A_676, %add3A_681, %add3A_686, %add3A_691, %add3A_696, %add3A_701, %add3A_706, %add3A_711, %add3A_716, %add3A_721, %add3A_726, %add3A_731, %add3A_736, %add3A_741, %add3A_746, %add3A_751, %add3A_756, %add3A_761, %add3A_766, %add3A_771, %add3A_776, %add3A_781 : vector<16xf32>, vector<16xf32>, vector<16xf32>, vector<16xf32>, vector<16xf32>, vector<16xf32>, vector<16xf32>, vector<16xf32>, vector<16xf32>, vector<16xf32>, vector<16xf32>, vector<16xf32>, vector<16xf32>, vector<16xf32>, vector<16xf32>, vector<16xf32>, vector<16xf32>, vector<16xf32>, vector<16xf32>, vector<16xf32>, vector<16xf32>, vector<16xf32>, vector<16xf32>, vector<16xf32>, vector<16xf32>, vector<16xf32>, vector<16xf32>, vector<16xf32>, vector<16xf32>, vector<16xf32>, vector<16xf32>, vector<16xf32>, vector<16xf32>, vector<16xf32>, vector<16xf32>, vector<16xf32>, vector<16xf32>, vector<16xf32>, vector<16xf32>, vector<16xf32>, vector<16xf32>, vector<16xf32>, vector<16xf32>, vector<16xf32>, vector<16xf32>, vector<16xf32>, vector<16xf32>, vector<16xf32>
    }
    %scan3A_154 = arith.constant 72 : i32
    %add3A_155 = arith.constant 144 : i32
    %add3A_156 = arith.addi %mul3A_34, %add3A_155 : i32
    %dma_start3A_157 = arith.constant 0 : i32
    %dma_start3A_158 = tpu.memref_slice %arg2[%add3A_18, %add3A_156, %dma_start3A_157] : memref<64x576x768xf32, #tpu.memory_space<hbm>> -> memref<1x72x768xf32, #tpu.memory_space<hbm>>
    %dma_start3A_159 = tpu.memref_squeeze %dma_start3A_158 : memref<1x72x768xf32, #tpu.memory_space<hbm>> -> memref<72x768xf32, #tpu.memory_space<hbm>>
    %dma_start3A_160 = arith.constant 0 : i32
    %dma_start3A_161 = tpu.memref_slice %arg2[%add3A_18, %add3A_156, %dma_start3A_160] : memref<64x576x768xf32, #tpu.memory_space<hbm>> -> memref<1x72x768xf32, #tpu.memory_space<hbm>>
    %dma_start3A_162 = tpu.memref_squeeze %dma_start3A_161 : memref<1x72x768xf32, #tpu.memory_space<hbm>> -> memref<72x768xf32, #tpu.memory_space<hbm>>
    tpu.enqueue_dma source(%dma_start3A_162 : memref<72x768xf32, #tpu.memory_space<hbm>>) target(%arg4 : memref<72x768xf32, #tpu.memory_space<vmem>>) target_semaphore(%arg7 : memref<!tpu.dma_semaphore, #tpu.memory_space<semaphore_mem>>)
    %dma_wait3A_163 = arith.constant 0 : i32
    %dma_wait3A_164 = tpu.memref_slice %arg2[%add3A_18, %add3A_43, %dma_wait3A_163] : memref<64x576x768xf32, #tpu.memory_space<hbm>> -> memref<1x72x768xf32, #tpu.memory_space<hbm>>
    %dma_wait3A_165 = tpu.memref_squeeze %dma_wait3A_164 : memref<1x72x768xf32, #tpu.memory_space<hbm>> -> memref<72x768xf32, #tpu.memory_space<hbm>>
    %dma_wait3A_166 = arith.constant 0 : i32
    %dma_wait3A_167 = tpu.memref_slice %arg2[%add3A_18, %add3A_43, %dma_wait3A_166] : memref<64x576x768xf32, #tpu.memory_space<hbm>> -> memref<1x72x768xf32, #tpu.memory_space<hbm>>
    %dma_wait3A_168 = tpu.memref_squeeze %dma_wait3A_167 : memref<1x72x768xf32, #tpu.memory_space<hbm>> -> memref<72x768xf32, #tpu.memory_space<hbm>>
    tpu.wait_dma2 semaphore(%arg8 : memref<!tpu.dma_semaphore, #tpu.memory_space<semaphore_mem>>) src(%dma_wait3A_168 : memref<72x768xf32, #tpu.memory_space<hbm>>) dst(%arg5 : memref<72x768xf32, #tpu.memory_space<vmem>>)
    %scan3A_169 = arith.constant 0 : i32
    %scan3A_170 = arith.constant 72 : i32
    %scan3A_171 = arith.addi %scan3A_169, %scan3A_170 : i32
    %scan3A_172 = arith.constant 1 : i32
    %scan3A_173:48 = scf.for %scan3A_494 = %scan3A_169 to %scan3A_171 step %scan3A_172 iter_args(%scan3A_495 = %scan3A_153#0, %scan3A_496 = %scan3A_153#1, %scan3A_497 = %scan3A_153#2, %scan3A_498 = %scan3A_153#3, %scan3A_499 = %scan3A_153#4, %scan3A_500 = %scan3A_153#5, %scan3A_501 = %scan3A_153#6, %scan3A_502 = %scan3A_153#7, %scan3A_503 = %scan3A_153#8, %scan3A_504 = %scan3A_153#9, %scan3A_505 = %scan3A_153#10, %scan3A_506 = %scan3A_153#11, %scan3A_507 = %scan3A_153#12, %scan3A_508 = %scan3A_153#13, %scan3A_509 = %scan3A_153#14, %scan3A_510 = %scan3A_153#15, %scan3A_511 = %scan3A_153#16, %scan3A_512 = %scan3A_153#17, %scan3A_513 = %scan3A_153#18, %scan3A_514 = %scan3A_153#19, %scan3A_515 = %scan3A_153#20, %scan3A_516 = %scan3A_153#21, %scan3A_517 = %scan3A_153#22, %scan3A_518 = %scan3A_153#23, %scan3A_519 = %scan3A_153#24, %scan3A_520 = %scan3A_153#25, %scan3A_521 = %scan3A_153#26, %scan3A_522 = %scan3A_153#27, %scan3A_523 = %scan3A_153#28, %scan3A_524 = %scan3A_153#29, %scan3A_525 = %scan3A_153#30, %scan3A_526 = %scan3A_153#31, %scan3A_527 = %scan3A_153#32, %scan3A_528 = %scan3A_153#33, %scan3A_529 = %scan3A_153#34, %scan3A_530 = %scan3A_153#35, %scan3A_531 = %scan3A_153#36, %scan3A_532 = %scan3A_153#37, %scan3A_533 = %scan3A_153#38, %scan3A_534 = %scan3A_153#39, %scan3A_535 = %scan3A_153#40, %scan3A_536 = %scan3A_153#41, %scan3A_537 = %scan3A_153#42, %scan3A_538 = %scan3A_153#43, %scan3A_539 = %scan3A_153#44, %scan3A_540 = %scan3A_153#45, %scan3A_541 = %scan3A_153#46, %scan3A_542 = %scan3A_153#47) -> (vector<16xf32>, vector<16xf32>, vector<16xf32>, vector<16xf32>, vector<16xf32>, vector<16xf32>, vector<16xf32>, vector<16xf32>, vector<16xf32>, vector<16xf32>, vector<16xf32>, vector<16xf32>, vector<16xf32>, vector<16xf32>, vector<16xf32>, vector<16xf32>, vector<16xf32>, vector<16xf32>, vector<16xf32>, vector<16xf32>, vector<16xf32>, vector<16xf32>, vector<16xf32>, vector<16xf32>, vector<16xf32>, vector<16xf32>, vector<16xf32>, vector<16xf32>, vector<16xf32>, vector<16xf32>, vector<16xf32>, vector<16xf32>, vector<16xf32>, vector<16xf32>, vector<16xf32>, vector<16xf32>, vector<16xf32>, vector<16xf32>, vector<16xf32>, vector<16xf32>, vector<16xf32>, vector<16xf32>, vector<16xf32>, vector<16xf32>, vector<16xf32>, vector<16xf32>, vector<16xf32>, vector<16xf32>)  : i32 {
      %get3A = arith.index_cast %scan3A_494 : i32 to index
      %get3A_543 = arith.constant 0 : index
      %get3A_544 = tpu.vector_load %arg5[%get3A, %get3A_543] {strides = array<i32>} : memref<72x768xf32, #tpu.memory_space<vmem>>, vector<1x16xf32>,
      %get3A_545 = vector.shape_cast %get3A_544 : vector<1x16xf32> to vector<16xf32>
      %add3A_546 = arith.addf %scan3A_495, %get3A_545 : vector<16xf32>
      %get3A_547 = arith.index_cast %scan3A_494 : i32 to index
      %get3A_548 = arith.constant 16 : index
      %get3A_549 = tpu.vector_load %arg5[%get3A_547, %get3A_548] {strides = array<i32>} : memref<72x768xf32, #tpu.memory_space<vmem>>, vector<1x16xf32>,
      %get3A_550 = vector.shape_cast %get3A_549 : vector<1x16xf32> to vector<16xf32>
      %add3A_551 = arith.addf %scan3A_496, %get3A_550 : vector<16xf32>
      %get3A_552 = arith.index_cast %scan3A_494 : i32 to index
      %get3A_553 = arith.constant 32 : index
      %get3A_554 = tpu.vector_load %arg5[%get3A_552, %get3A_553] {strides = array<i32>} : memref<72x768xf32, #tpu.memory_space<vmem>>, vector<1x16xf32>,
      %get3A_555 = vector.shape_cast %get3A_554 : vector<1x16xf32> to vector<16xf32>
      %add3A_556 = arith.addf %scan3A_497, %get3A_555 : vector<16xf32>
      %get3A_557 = arith.index_cast %scan3A_494 : i32 to index
      %get3A_558 = arith.constant 48 : index
      %get3A_559 = tpu.vector_load %arg5[%get3A_557, %get3A_558] {strides = array<i32>} : memref<72x768xf32, #tpu.memory_space<vmem>>, vector<1x16xf32>,
      %get3A_560 = vector.shape_cast %get3A_559 : vector<1x16xf32> to vector<16xf32>
      %add3A_561 = arith.addf %scan3A_498, %get3A_560 : vector<16xf32>
      %get3A_562 = arith.index_cast %scan3A_494 : i32 to index
      %get3A_563 = arith.constant 64 : index
      %get3A_564 = tpu.vector_load %arg5[%get3A_562, %get3A_563] {strides = array<i32>} : memref<72x768xf32, #tpu.memory_space<vmem>>, vector<1x16xf32>,
      %get3A_565 = vector.shape_cast %get3A_564 : vector<1x16xf32> to vector<16xf32>
      %add3A_566 = arith.addf %scan3A_499, %get3A_565 : vector<16xf32>
      %get3A_567 = arith.index_cast %scan3A_494 : i32 to index
      %get3A_568 = arith.constant 80 : index
      %get3A_569 = tpu.vector_load %arg5[%get3A_567, %get3A_568] {strides = array<i32>} : memref<72x768xf32, #tpu.memory_space<vmem>>, vector<1x16xf32>,
      %get3A_570 = vector.shape_cast %get3A_569 : vector<1x16xf32> to vector<16xf32>
      %add3A_571 = arith.addf %scan3A_500, %get3A_570 : vector<16xf32>
      %get3A_572 = arith.index_cast %scan3A_494 : i32 to index
      %get3A_573 = arith.constant 96 : index
      %get3A_574 = tpu.vector_load %arg5[%get3A_572, %get3A_573] {strides = array<i32>} : memref<72x768xf32, #tpu.memory_space<vmem>>, vector<1x16xf32>,
      %get3A_575 = vector.shape_cast %get3A_574 : vector<1x16xf32> to vector<16xf32>
      %add3A_576 = arith.addf %scan3A_501, %get3A_575 : vector<16xf32>
      %get3A_577 = arith.index_cast %scan3A_494 : i32 to index
      %get3A_578 = arith.constant 112 : index
      %get3A_579 = tpu.vector_load %arg5[%get3A_577, %get3A_578] {strides = array<i32>} : memref<72x768xf32, #tpu.memory_space<vmem>>, vector<1x16xf32>,
      %get3A_580 = vector.shape_cast %get3A_579 : vector<1x16xf32> to vector<16xf32>
      %add3A_581 = arith.addf %scan3A_502, %get3A_580 : vector<16xf32>
      %get3A_582 = arith.index_cast %scan3A_494 : i32 to index
      %get3A_583 = arith.constant 128 : index
      %get3A_584 = tpu.vector_load %arg5[%get3A_582, %get3A_583] {strides = array<i32>} : memref<72x768xf32, #tpu.memory_space<vmem>>, vector<1x16xf32>,
      %get3A_585 = vector.shape_cast %get3A_584 : vector<1x16xf32> to vector<16xf32>
      %add3A_586 = arith.addf %scan3A_503, %get3A_585 : vector<16xf32>
      %get3A_587 = arith.index_cast %scan3A_494 : i32 to index
      %get3A_588 = arith.constant 144 : index
      %get3A_589 = tpu.vector_load %arg5[%get3A_587, %get3A_588] {strides = array<i32>} : memref<72x768xf32, #tpu.memory_space<vmem>>, vector<1x16xf32>,
      %get3A_590 = vector.shape_cast %get3A_589 : vector<1x16xf32> to vector<16xf32>
      %add3A_591 = arith.addf %scan3A_504, %get3A_590 : vector<16xf32>
      %get3A_592 = arith.index_cast %scan3A_494 : i32 to index
      %get3A_593 = arith.constant 160 : index
      %get3A_594 = tpu.vector_load %arg5[%get3A_592, %get3A_593] {strides = array<i32>} : memref<72x768xf32, #tpu.memory_space<vmem>>, vector<1x16xf32>,
      %get3A_595 = vector.shape_cast %get3A_594 : vector<1x16xf32> to vector<16xf32>
      %add3A_596 = arith.addf %scan3A_505, %get3A_595 : vector<16xf32>
      %get3A_597 = arith.index_cast %scan3A_494 : i32 to index
      %get3A_598 = arith.constant 176 : index
      %get3A_599 = tpu.vector_load %arg5[%get3A_597, %get3A_598] {strides = array<i32>} : memref<72x768xf32, #tpu.memory_space<vmem>>, vector<1x16xf32>,
      %get3A_600 = vector.shape_cast %get3A_599 : vector<1x16xf32> to vector<16xf32>
      %add3A_601 = arith.addf %scan3A_506, %get3A_600 : vector<16xf32>
      %get3A_602 = arith.index_cast %scan3A_494 : i32 to index
      %get3A_603 = arith.constant 192 : index
      %get3A_604 = tpu.vector_load %arg5[%get3A_602, %get3A_603] {strides = array<i32>} : memref<72x768xf32, #tpu.memory_space<vmem>>, vector<1x16xf32>,
      %get3A_605 = vector.shape_cast %get3A_604 : vector<1x16xf32> to vector<16xf32>
      %add3A_606 = arith.addf %scan3A_507, %get3A_605 : vector<16xf32>
      %get3A_607 = arith.index_cast %scan3A_494 : i32 to index
      %get3A_608 = arith.constant 208 : index
      %get3A_609 = tpu.vector_load %arg5[%get3A_607, %get3A_608] {strides = array<i32>} : memref<72x768xf32, #tpu.memory_space<vmem>>, vector<1x16xf32>,
      %get3A_610 = vector.shape_cast %get3A_609 : vector<1x16xf32> to vector<16xf32>
      %add3A_611 = arith.addf %scan3A_508, %get3A_610 : vector<16xf32>
      %get3A_612 = arith.index_cast %scan3A_494 : i32 to index
      %get3A_613 = arith.constant 224 : index
      %get3A_614 = tpu.vector_load %arg5[%get3A_612, %get3A_613] {strides = array<i32>} : memref<72x768xf32, #tpu.memory_space<vmem>>, vector<1x16xf32>,
      %get3A_615 = vector.shape_cast %get3A_614 : vector<1x16xf32> to vector<16xf32>
      %add3A_616 = arith.addf %scan3A_509, %get3A_615 : vector<16xf32>
      %get3A_617 = arith.index_cast %scan3A_494 : i32 to index
      %get3A_618 = arith.constant 240 : index
      %get3A_619 = tpu.vector_load %arg5[%get3A_617, %get3A_618] {strides = array<i32>} : memref<72x768xf32, #tpu.memory_space<vmem>>, vector<1x16xf32>,
      %get3A_620 = vector.shape_cast %get3A_619 : vector<1x16xf32> to vector<16xf32>
      %add3A_621 = arith.addf %scan3A_510, %get3A_620 : vector<16xf32>
      %get3A_622 = arith.index_cast %scan3A_494 : i32 to index
      %get3A_623 = arith.constant 256 : index
      %get3A_624 = tpu.vector_load %arg5[%get3A_622, %get3A_623] {strides = array<i32>} : memref<72x768xf32, #tpu.memory_space<vmem>>, vector<1x16xf32>,
      %get3A_625 = vector.shape_cast %get3A_624 : vector<1x16xf32> to vector<16xf32>
      %add3A_626 = arith.addf %scan3A_511, %get3A_625 : vector<16xf32>
      %get3A_627 = arith.index_cast %scan3A_494 : i32 to index
      %get3A_628 = arith.constant 272 : index
      %get3A_629 = tpu.vector_load %arg5[%get3A_627, %get3A_628] {strides = array<i32>} : memref<72x768xf32, #tpu.memory_space<vmem>>, vector<1x16xf32>,
      %get3A_630 = vector.shape_cast %get3A_629 : vector<1x16xf32> to vector<16xf32>
      %add3A_631 = arith.addf %scan3A_512, %get3A_630 : vector<16xf32>
      %get3A_632 = arith.index_cast %scan3A_494 : i32 to index
      %get3A_633 = arith.constant 288 : index
      %get3A_634 = tpu.vector_load %arg5[%get3A_632, %get3A_633] {strides = array<i32>} : memref<72x768xf32, #tpu.memory_space<vmem>>, vector<1x16xf32>,
      %get3A_635 = vector.shape_cast %get3A_634 : vector<1x16xf32> to vector<16xf32>
      %add3A_636 = arith.addf %scan3A_513, %get3A_635 : vector<16xf32>
      %get3A_637 = arith.index_cast %scan3A_494 : i32 to index
      %get3A_638 = arith.constant 304 : index
      %get3A_639 = tpu.vector_load %arg5[%get3A_637, %get3A_638] {strides = array<i32>} : memref<72x768xf32, #tpu.memory_space<vmem>>, vector<1x16xf32>,
      %get3A_640 = vector.shape_cast %get3A_639 : vector<1x16xf32> to vector<16xf32>
      %add3A_641 = arith.addf %scan3A_514, %get3A_640 : vector<16xf32>
      %get3A_642 = arith.index_cast %scan3A_494 : i32 to index
      %get3A_643 = arith.constant 320 : index
      %get3A_644 = tpu.vector_load %arg5[%get3A_642, %get3A_643] {strides = array<i32>} : memref<72x768xf32, #tpu.memory_space<vmem>>, vector<1x16xf32>,
      %get3A_645 = vector.shape_cast %get3A_644 : vector<1x16xf32> to vector<16xf32>
      %add3A_646 = arith.addf %scan3A_515, %get3A_645 : vector<16xf32>
      %get3A_647 = arith.index_cast %scan3A_494 : i32 to index
      %get3A_648 = arith.constant 336 : index
      %get3A_649 = tpu.vector_load %arg5[%get3A_647, %get3A_648] {strides = array<i32>} : memref<72x768xf32, #tpu.memory_space<vmem>>, vector<1x16xf32>,
      %get3A_650 = vector.shape_cast %get3A_649 : vector<1x16xf32> to vector<16xf32>
      %add3A_651 = arith.addf %scan3A_516, %get3A_650 : vector<16xf32>
      %get3A_652 = arith.index_cast %scan3A_494 : i32 to index
      %get3A_653 = arith.constant 352 : index
      %get3A_654 = tpu.vector_load %arg5[%get3A_652, %get3A_653] {strides = array<i32>} : memref<72x768xf32, #tpu.memory_space<vmem>>, vector<1x16xf32>,
      %get3A_655 = vector.shape_cast %get3A_654 : vector<1x16xf32> to vector<16xf32>
      %add3A_656 = arith.addf %scan3A_517, %get3A_655 : vector<16xf32>
      %get3A_657 = arith.index_cast %scan3A_494 : i32 to index
      %get3A_658 = arith.constant 368 : index
      %get3A_659 = tpu.vector_load %arg5[%get3A_657, %get3A_658] {strides = array<i32>} : memref<72x768xf32, #tpu.memory_space<vmem>>, vector<1x16xf32>,
      %get3A_660 = vector.shape_cast %get3A_659 : vector<1x16xf32> to vector<16xf32>
      %add3A_661 = arith.addf %scan3A_518, %get3A_660 : vector<16xf32>
      %get3A_662 = arith.index_cast %scan3A_494 : i32 to index
      %get3A_663 = arith.constant 384 : index
      %get3A_664 = tpu.vector_load %arg5[%get3A_662, %get3A_663] {strides = array<i32>} : memref<72x768xf32, #tpu.memory_space<vmem>>, vector<1x16xf32>,
      %get3A_665 = vector.shape_cast %get3A_664 : vector<1x16xf32> to vector<16xf32>
      %add3A_666 = arith.addf %scan3A_519, %get3A_665 : vector<16xf32>
      %get3A_667 = arith.index_cast %scan3A_494 : i32 to index
      %get3A_668 = arith.constant 400 : index
      %get3A_669 = tpu.vector_load %arg5[%get3A_667, %get3A_668] {strides = array<i32>} : memref<72x768xf32, #tpu.memory_space<vmem>>, vector<1x16xf32>,
      %get3A_670 = vector.shape_cast %get3A_669 : vector<1x16xf32> to vector<16xf32>
      %add3A_671 = arith.addf %scan3A_520, %get3A_670 : vector<16xf32>
      %get3A_672 = arith.index_cast %scan3A_494 : i32 to index
      %get3A_673 = arith.constant 416 : index
      %get3A_674 = tpu.vector_load %arg5[%get3A_672, %get3A_673] {strides = array<i32>} : memref<72x768xf32, #tpu.memory_space<vmem>>, vector<1x16xf32>,
      %get3A_675 = vector.shape_cast %get3A_674 : vector<1x16xf32> to vector<16xf32>
      %add3A_676 = arith.addf %scan3A_521, %get3A_675 : vector<16xf32>
      %get3A_677 = arith.index_cast %scan3A_494 : i32 to index
      %get3A_678 = arith.constant 432 : index
      %get3A_679 = tpu.vector_load %arg5[%get3A_677, %get3A_678] {strides = array<i32>} : memref<72x768xf32, #tpu.memory_space<vmem>>, vector<1x16xf32>,
      %get3A_680 = vector.shape_cast %get3A_679 : vector<1x16xf32> to vector<16xf32>
      %add3A_681 = arith.addf %scan3A_522, %get3A_680 : vector<16xf32>
      %get3A_682 = arith.index_cast %scan3A_494 : i32 to index
      %get3A_683 = arith.constant 448 : index
      %get3A_684 = tpu.vector_load %arg5[%get3A_682, %get3A_683] {strides = array<i32>} : memref<72x768xf32, #tpu.memory_space<vmem>>, vector<1x16xf32>,
      %get3A_685 = vector.shape_cast %get3A_684 : vector<1x16xf32> to vector<16xf32>
      %add3A_686 = arith.addf %scan3A_523, %get3A_685 : vector<16xf32>
      %get3A_687 = arith.index_cast %scan3A_494 : i32 to index
      %get3A_688 = arith.constant 464 : index
      %get3A_689 = tpu.vector_load %arg5[%get3A_687, %get3A_688] {strides = array<i32>} : memref<72x768xf32, #tpu.memory_space<vmem>>, vector<1x16xf32>,
      %get3A_690 = vector.shape_cast %get3A_689 : vector<1x16xf32> to vector<16xf32>
      %add3A_691 = arith.addf %scan3A_524, %get3A_690 : vector<16xf32>
      %get3A_692 = arith.index_cast %scan3A_494 : i32 to index
      %get3A_693 = arith.constant 480 : index
      %get3A_694 = tpu.vector_load %arg5[%get3A_692, %get3A_693] {strides = array<i32>} : memref<72x768xf32, #tpu.memory_space<vmem>>, vector<1x16xf32>,
      %get3A_695 = vector.shape_cast %get3A_694 : vector<1x16xf32> to vector<16xf32>
      %add3A_696 = arith.addf %scan3A_525, %get3A_695 : vector<16xf32>
      %get3A_697 = arith.index_cast %scan3A_494 : i32 to index
      %get3A_698 = arith.constant 496 : index
      %get3A_699 = tpu.vector_load %arg5[%get3A_697, %get3A_698] {strides = array<i32>} : memref<72x768xf32, #tpu.memory_space<vmem>>, vector<1x16xf32>,
      %get3A_700 = vector.shape_cast %get3A_699 : vector<1x16xf32> to vector<16xf32>
      %add3A_701 = arith.addf %scan3A_526, %get3A_700 : vector<16xf32>
      %get3A_702 = arith.index_cast %scan3A_494 : i32 to index
      %get3A_703 = arith.constant 512 : index
      %get3A_704 = tpu.vector_load %arg5[%get3A_702, %get3A_703] {strides = array<i32>} : memref<72x768xf32, #tpu.memory_space<vmem>>, vector<1x16xf32>,
      %get3A_705 = vector.shape_cast %get3A_704 : vector<1x16xf32> to vector<16xf32>
      %add3A_706 = arith.addf %scan3A_527, %get3A_705 : vector<16xf32>
      %get3A_707 = arith.index_cast %scan3A_494 : i32 to index
      %get3A_708 = arith.constant 528 : index
      %get3A_709 = tpu.vector_load %arg5[%get3A_707, %get3A_708] {strides = array<i32>} : memref<72x768xf32, #tpu.memory_space<vmem>>, vector<1x16xf32>,
      %get3A_710 = vector.shape_cast %get3A_709 : vector<1x16xf32> to vector<16xf32>
      %add3A_711 = arith.addf %scan3A_528, %get3A_710 : vector<16xf32>
      %get3A_712 = arith.index_cast %scan3A_494 : i32 to index
      %get3A_713 = arith.constant 544 : index
      %get3A_714 = tpu.vector_load %arg5[%get3A_712, %get3A_713] {strides = array<i32>} : memref<72x768xf32, #tpu.memory_space<vmem>>, vector<1x16xf32>,
      %get3A_715 = vector.shape_cast %get3A_714 : vector<1x16xf32> to vector<16xf32>
      %add3A_716 = arith.addf %scan3A_529, %get3A_715 : vector<16xf32>
      %get3A_717 = arith.index_cast %scan3A_494 : i32 to index
      %get3A_718 = arith.constant 560 : index
      %get3A_719 = tpu.vector_load %arg5[%get3A_717, %get3A_718] {strides = array<i32>} : memref<72x768xf32, #tpu.memory_space<vmem>>, vector<1x16xf32>,
      %get3A_720 = vector.shape_cast %get3A_719 : vector<1x16xf32> to vector<16xf32>
      %add3A_721 = arith.addf %scan3A_530, %get3A_720 : vector<16xf32>
      %get3A_722 = arith.index_cast %scan3A_494 : i32 to index
      %get3A_723 = arith.constant 576 : index
      %get3A_724 = tpu.vector_load %arg5[%get3A_722, %get3A_723] {strides = array<i32>} : memref<72x768xf32, #tpu.memory_space<vmem>>, vector<1x16xf32>,
      %get3A_725 = vector.shape_cast %get3A_724 : vector<1x16xf32> to vector<16xf32>
      %add3A_726 = arith.addf %scan3A_531, %get3A_725 : vector<16xf32>
      %get3A_727 = arith.index_cast %scan3A_494 : i32 to index
      %get3A_728 = arith.constant 592 : index
      %get3A_729 = tpu.vector_load %arg5[%get3A_727, %get3A_728] {strides = array<i32>} : memref<72x768xf32, #tpu.memory_space<vmem>>, vector<1x16xf32>,
      %get3A_730 = vector.shape_cast %get3A_729 : vector<1x16xf32> to vector<16xf32>
      %add3A_731 = arith.addf %scan3A_532, %get3A_730 : vector<16xf32>
      %get3A_732 = arith.index_cast %scan3A_494 : i32 to index
      %get3A_733 = arith.constant 608 : index
      %get3A_734 = tpu.vector_load %arg5[%get3A_732, %get3A_733] {strides = array<i32>} : memref<72x768xf32, #tpu.memory_space<vmem>>, vector<1x16xf32>,
      %get3A_735 = vector.shape_cast %get3A_734 : vector<1x16xf32> to vector<16xf32>
      %add3A_736 = arith.addf %scan3A_533, %get3A_735 : vector<16xf32>
      %get3A_737 = arith.index_cast %scan3A_494 : i32 to index
      %get3A_738 = arith.constant 624 : index
      %get3A_739 = tpu.vector_load %arg5[%get3A_737, %get3A_738] {strides = array<i32>} : memref<72x768xf32, #tpu.memory_space<vmem>>, vector<1x16xf32>,
      %get3A_740 = vector.shape_cast %get3A_739 : vector<1x16xf32> to vector<16xf32>
      %add3A_741 = arith.addf %scan3A_534, %get3A_740 : vector<16xf32>
      %get3A_742 = arith.index_cast %scan3A_494 : i32 to index
      %get3A_743 = arith.constant 640 : index
      %get3A_744 = tpu.vector_load %arg5[%get3A_742, %get3A_743] {strides = array<i32>} : memref<72x768xf32, #tpu.memory_space<vmem>>, vector<1x16xf32>,
      %get3A_745 = vector.shape_cast %get3A_744 : vector<1x16xf32> to vector<16xf32>
      %add3A_746 = arith.addf %scan3A_535, %get3A_745 : vector<16xf32>
      %get3A_747 = arith.index_cast %scan3A_494 : i32 to index
      %get3A_748 = arith.constant 656 : index
      %get3A_749 = tpu.vector_load %arg5[%get3A_747, %get3A_748] {strides = array<i32>} : memref<72x768xf32, #tpu.memory_space<vmem>>, vector<1x16xf32>,
      %get3A_750 = vector.shape_cast %get3A_749 : vector<1x16xf32> to vector<16xf32>
      %add3A_751 = arith.addf %scan3A_536, %get3A_750 : vector<16xf32>
      %get3A_752 = arith.index_cast %scan3A_494 : i32 to index
      %get3A_753 = arith.constant 672 : index
      %get3A_754 = tpu.vector_load %arg5[%get3A_752, %get3A_753] {strides = array<i32>} : memref<72x768xf32, #tpu.memory_space<vmem>>, vector<1x16xf32>,
      %get3A_755 = vector.shape_cast %get3A_754 : vector<1x16xf32> to vector<16xf32>
      %add3A_756 = arith.addf %scan3A_537, %get3A_755 : vector<16xf32>
      %get3A_757 = arith.index_cast %scan3A_494 : i32 to index
      %get3A_758 = arith.constant 688 : index
      %get3A_759 = tpu.vector_load %arg5[%get3A_757, %get3A_758] {strides = array<i32>} : memref<72x768xf32, #tpu.memory_space<vmem>>, vector<1x16xf32>,
      %get3A_760 = vector.shape_cast %get3A_759 : vector<1x16xf32> to vector<16xf32>
      %add3A_761 = arith.addf %scan3A_538, %get3A_760 : vector<16xf32>
      %get3A_762 = arith.index_cast %scan3A_494 : i32 to index
      %get3A_763 = arith.constant 704 : index
      %get3A_764 = tpu.vector_load %arg5[%get3A_762, %get3A_763] {strides = array<i32>} : memref<72x768xf32, #tpu.memory_space<vmem>>, vector<1x16xf32>,
      %get3A_765 = vector.shape_cast %get3A_764 : vector<1x16xf32> to vector<16xf32>
      %add3A_766 = arith.addf %scan3A_539, %get3A_765 : vector<16xf32>
      %get3A_767 = arith.index_cast %scan3A_494 : i32 to index
      %get3A_768 = arith.constant 720 : index
      %get3A_769 = tpu.vector_load %arg5[%get3A_767, %get3A_768] {strides = array<i32>} : memref<72x768xf32, #tpu.memory_space<vmem>>, vector<1x16xf32>,
      %get3A_770 = vector.shape_cast %get3A_769 : vector<1x16xf32> to vector<16xf32>
      %add3A_771 = arith.addf %scan3A_540, %get3A_770 : vector<16xf32>
      %get3A_772 = arith.index_cast %scan3A_494 : i32 to index
      %get3A_773 = arith.constant 736 : index
      %get3A_774 = tpu.vector_load %arg5[%get3A_772, %get3A_773] {strides = array<i32>} : memref<72x768xf32, #tpu.memory_space<vmem>>, vector<1x16xf32>,
      %get3A_775 = vector.shape_cast %get3A_774 : vector<1x16xf32> to vector<16xf32>
      %add3A_776 = arith.addf %scan3A_541, %get3A_775 : vector<16xf32>
      %get3A_777 = arith.index_cast %scan3A_494 : i32 to index
      %get3A_778 = arith.constant 752 : index
      %get3A_779 = tpu.vector_load %arg5[%get3A_777, %get3A_778] {strides = array<i32>} : memref<72x768xf32, #tpu.memory_space<vmem>>, vector<1x16xf32>,
      %get3A_780 = vector.shape_cast %get3A_779 : vector<1x16xf32> to vector<16xf32>
      %add3A_781 = arith.addf %scan3A_542, %get3A_780 : vector<16xf32>
      scf.yield %add3A_546, %add3A_551, %add3A_556, %add3A_561, %add3A_566, %add3A_571, %add3A_576, %add3A_581, %add3A_586, %add3A_591, %add3A_596, %add3A_601, %add3A_606, %add3A_611, %add3A_616, %add3A_621, %add3A_626, %add3A_631, %add3A_636, %add3A_641, %add3A_646, %add3A_651, %add3A_656, %add3A_661, %add3A_666, %add3A_671, %add3A_676, %add3A_681, %add3A_686, %add3A_691, %add3A_696, %add3A_701, %add3A_706, %add3A_711, %add3A_716, %add3A_721, %add3A_726, %add3A_731, %add3A_736, %add3A_741, %add3A_746, %add3A_751, %add3A_756, %add3A_761, %add3A_766, %add3A_771, %add3A_776, %add3A_781 : vector<16xf32>, vector<16xf32>, vector<16xf32>, vector<16xf32>, vector<16xf32>, vector<16xf32>, vector<16xf32>, vector<16xf32>, vector<16xf32>, vector<16xf32>, vector<16xf32>, vector<16xf32>, vector<16xf32>, vector<16xf32>, vector<16xf32>, vector<16xf32>, vector<16xf32>, vector<16xf32>, vector<16xf32>, vector<16xf32>, vector<16xf32>, vector<16xf32>, vector<16xf32>, vector<16xf32>, vector<16xf32>, vector<16xf32>, vector<16xf32>, vector<16xf32>, vector<16xf32>, vector<16xf32>, vector<16xf32>, vector<16xf32>, vector<16xf32>, vector<16xf32>, vector<16xf32>, vector<16xf32>, vector<16xf32>, vector<16xf32>, vector<16xf32>, vector<16xf32>, vector<16xf32>, vector<16xf32>, vector<16xf32>, vector<16xf32>, vector<16xf32>, vector<16xf32>, vector<16xf32>, vector<16xf32>
    }
    %scan3A_174 = arith.constant 72 : i32
    %add3A_175 = arith.constant 216 : i32
    %add3A_176 = arith.addi %mul3A_34, %add3A_175 : i32
    %dma_start3A_177 = arith.constant 0 : i32
    %dma_start3A_178 = tpu.memref_slice %arg2[%add3A_18, %add3A_176, %dma_start3A_177] : memref<64x576x768xf32, #tpu.memory_space<hbm>> -> memref<1x72x768xf32, #tpu.memory_space<hbm>>
    %dma_start3A_179 = tpu.memref_squeeze %dma_start3A_178 : memref<1x72x768xf32, #tpu.memory_space<hbm>> -> memref<72x768xf32, #tpu.memory_space<hbm>>
    %dma_start3A_180 = arith.constant 0 : i32
    %dma_start3A_181 = tpu.memref_slice %arg2[%add3A_18, %add3A_176, %dma_start3A_180] : memref<64x576x768xf32, #tpu.memory_space<hbm>> -> memref<1x72x768xf32, #tpu.memory_space<hbm>>
    %dma_start3A_182 = tpu.memref_squeeze %dma_start3A_181 : memref<1x72x768xf32, #tpu.memory_space<hbm>> -> memref<72x768xf32, #tpu.memory_space<hbm>>
    tpu.enqueue_dma source(%dma_start3A_182 : memref<72x768xf32, #tpu.memory_space<hbm>>) target(%arg5 : memref<72x768xf32, #tpu.memory_space<vmem>>) target_semaphore(%arg8 : memref<!tpu.dma_semaphore, #tpu.memory_space<semaphore_mem>>)
    %dma_wait3A_183 = arith.constant 0 : i32
    %dma_wait3A_184 = tpu.memref_slice %arg2[%add3A_18, %add3A_156, %dma_wait3A_183] : memref<64x576x768xf32, #tpu.memory_space<hbm>> -> memref<1x72x768xf32, #tpu.memory_space<hbm>>
    %dma_wait3A_185 = tpu.memref_squeeze %dma_wait3A_184 : memref<1x72x768xf32, #tpu.memory_space<hbm>> -> memref<72x768xf32, #tpu.memory_space<hbm>>
    %dma_wait3A_186 = arith.constant 0 : i32
    %dma_wait3A_187 = tpu.memref_slice %arg2[%add3A_18, %add3A_156, %dma_wait3A_186] : memref<64x576x768xf32, #tpu.memory_space<hbm>> -> memref<1x72x768xf32, #tpu.memory_space<hbm>>
    %dma_wait3A_188 = tpu.memref_squeeze %dma_wait3A_187 : memref<1x72x768xf32, #tpu.memory_space<hbm>> -> memref<72x768xf32, #tpu.memory_space<hbm>>
    tpu.wait_dma2 semaphore(%arg7 : memref<!tpu.dma_semaphore, #tpu.memory_space<semaphore_mem>>) src(%dma_wait3A_188 : memref<72x768xf32, #tpu.memory_space<hbm>>) dst(%arg4 : memref<72x768xf32, #tpu.memory_space<vmem>>)
    %scan3A_189 = arith.constant 0 : i32
    %scan3A_190 = arith.constant 72 : i32
    %scan3A_191 = arith.addi %scan3A_189, %scan3A_190 : i32
    %scan3A_192 = arith.constant 1 : i32
    %scan3A_193:48 = scf.for %scan3A_494 = %scan3A_189 to %scan3A_191 step %scan3A_192 iter_args(%scan3A_495 = %scan3A_173#0, %scan3A_496 = %scan3A_173#1, %scan3A_497 = %scan3A_173#2, %scan3A_498 = %scan3A_173#3, %scan3A_499 = %scan3A_173#4, %scan3A_500 = %scan3A_173#5, %scan3A_501 = %scan3A_173#6, %scan3A_502 = %scan3A_173#7, %scan3A_503 = %scan3A_173#8, %scan3A_504 = %scan3A_173#9, %scan3A_505 = %scan3A_173#10, %scan3A_506 = %scan3A_173#11, %scan3A_507 = %scan3A_173#12, %scan3A_508 = %scan3A_173#13, %scan3A_509 = %scan3A_173#14, %scan3A_510 = %scan3A_173#15, %scan3A_511 = %scan3A_173#16, %scan3A_512 = %scan3A_173#17, %scan3A_513 = %scan3A_173#18, %scan3A_514 = %scan3A_173#19, %scan3A_515 = %scan3A_173#20, %scan3A_516 = %scan3A_173#21, %scan3A_517 = %scan3A_173#22, %scan3A_518 = %scan3A_173#23, %scan3A_519 = %scan3A_173#24, %scan3A_520 = %scan3A_173#25, %scan3A_521 = %scan3A_173#26, %scan3A_522 = %scan3A_173#27, %scan3A_523 = %scan3A_173#28, %scan3A_524 = %scan3A_173#29, %scan3A_525 = %scan3A_173#30, %scan3A_526 = %scan3A_173#31, %scan3A_527 = %scan3A_173#32, %scan3A_528 = %scan3A_173#33, %scan3A_529 = %scan3A_173#34, %scan3A_530 = %scan3A_173#35, %scan3A_531 = %scan3A_173#36, %scan3A_532 = %scan3A_173#37, %scan3A_533 = %scan3A_173#38, %scan3A_534 = %scan3A_173#39, %scan3A_535 = %scan3A_173#40, %scan3A_536 = %scan3A_173#41, %scan3A_537 = %scan3A_173#42, %scan3A_538 = %scan3A_173#43, %scan3A_539 = %scan3A_173#44, %scan3A_540 = %scan3A_173#45, %scan3A_541 = %scan3A_173#46, %scan3A_542 = %scan3A_173#47) -> (vector<16xf32>, vector<16xf32>, vector<16xf32>, vector<16xf32>, vector<16xf32>, vector<16xf32>, vector<16xf32>, vector<16xf32>, vector<16xf32>, vector<16xf32>, vector<16xf32>, vector<16xf32>, vector<16xf32>, vector<16xf32>, vector<16xf32>, vector<16xf32>, vector<16xf32>, vector<16xf32>, vector<16xf32>, vector<16xf32>, vector<16xf32>, vector<16xf32>, vector<16xf32>, vector<16xf32>, vector<16xf32>, vector<16xf32>, vector<16xf32>, vector<16xf32>, vector<16xf32>, vector<16xf32>, vector<16xf32>, vector<16xf32>, vector<16xf32>, vector<16xf32>, vector<16xf32>, vector<16xf32>, vector<16xf32>, vector<16xf32>, vector<16xf32>, vector<16xf32>, vector<16xf32>, vector<16xf32>, vector<16xf32>, vector<16xf32>, vector<16xf32>, vector<16xf32>, vector<16xf32>, vector<16xf32>)  : i32 {
      %get3A = arith.index_cast %scan3A_494 : i32 to index
      %get3A_543 = arith.constant 0 : index
      %get3A_544 = tpu.vector_load %arg4[%get3A, %get3A_543] {strides = array<i32>} : memref<72x768xf32, #tpu.memory_space<vmem>>, vector<1x16xf32>,
      %get3A_545 = vector.shape_cast %get3A_544 : vector<1x16xf32> to vector<16xf32>
      %add3A_546 = arith.addf %scan3A_495, %get3A_545 : vector<16xf32>
      %get3A_547 = arith.index_cast %scan3A_494 : i32 to index
      %get3A_548 = arith.constant 16 : index
      %get3A_549 = tpu.vector_load %arg4[%get3A_547, %get3A_548] {strides = array<i32>} : memref<72x768xf32, #tpu.memory_space<vmem>>, vector<1x16xf32>,
      %get3A_550 = vector.shape_cast %get3A_549 : vector<1x16xf32> to vector<16xf32>
      %add3A_551 = arith.addf %scan3A_496, %get3A_550 : vector<16xf32>
      %get3A_552 = arith.index_cast %scan3A_494 : i32 to index
      %get3A_553 = arith.constant 32 : index
      %get3A_554 = tpu.vector_load %arg4[%get3A_552, %get3A_553] {strides = array<i32>} : memref<72x768xf32, #tpu.memory_space<vmem>>, vector<1x16xf32>,
      %get3A_555 = vector.shape_cast %get3A_554 : vector<1x16xf32> to vector<16xf32>
      %add3A_556 = arith.addf %scan3A_497, %get3A_555 : vector<16xf32>
      %get3A_557 = arith.index_cast %scan3A_494 : i32 to index
      %get3A_558 = arith.constant 48 : index
      %get3A_559 = tpu.vector_load %arg4[%get3A_557, %get3A_558] {strides = array<i32>} : memref<72x768xf32, #tpu.memory_space<vmem>>, vector<1x16xf32>,
      %get3A_560 = vector.shape_cast %get3A_559 : vector<1x16xf32> to vector<16xf32>
      %add3A_561 = arith.addf %scan3A_498, %get3A_560 : vector<16xf32>
      %get3A_562 = arith.index_cast %scan3A_494 : i32 to index
      %get3A_563 = arith.constant 64 : index
      %get3A_564 = tpu.vector_load %arg4[%get3A_562, %get3A_563] {strides = array<i32>} : memref<72x768xf32, #tpu.memory_space<vmem>>, vector<1x16xf32>,
      %get3A_565 = vector.shape_cast %get3A_564 : vector<1x16xf32> to vector<16xf32>
      %add3A_566 = arith.addf %scan3A_499, %get3A_565 : vector<16xf32>
      %get3A_567 = arith.index_cast %scan3A_494 : i32 to index
      %get3A_568 = arith.constant 80 : index
      %get3A_569 = tpu.vector_load %arg4[%get3A_567, %get3A_568] {strides = array<i32>} : memref<72x768xf32, #tpu.memory_space<vmem>>, vector<1x16xf32>,
      %get3A_570 = vector.shape_cast %get3A_569 : vector<1x16xf32> to vector<16xf32>
      %add3A_571 = arith.addf %scan3A_500, %get3A_570 : vector<16xf32>
      %get3A_572 = arith.index_cast %scan3A_494 : i32 to index
      %get3A_573 = arith.constant 96 : index
      %get3A_574 = tpu.vector_load %arg4[%get3A_572, %get3A_573] {strides = array<i32>} : memref<72x768xf32, #tpu.memory_space<vmem>>, vector<1x16xf32>,
      %get3A_575 = vector.shape_cast %get3A_574 : vector<1x16xf32> to vector<16xf32>
      %add3A_576 = arith.addf %scan3A_501, %get3A_575 : vector<16xf32>
      %get3A_577 = arith.index_cast %scan3A_494 : i32 to index
      %get3A_578 = arith.constant 112 : index
      %get3A_579 = tpu.vector_load %arg4[%get3A_577, %get3A_578] {strides = array<i32>} : memref<72x768xf32, #tpu.memory_space<vmem>>, vector<1x16xf32>,
      %get3A_580 = vector.shape_cast %get3A_579 : vector<1x16xf32> to vector<16xf32>
      %add3A_581 = arith.addf %scan3A_502, %get3A_580 : vector<16xf32>
      %get3A_582 = arith.index_cast %scan3A_494 : i32 to index
      %get3A_583 = arith.constant 128 : index
      %get3A_584 = tpu.vector_load %arg4[%get3A_582, %get3A_583] {strides = array<i32>} : memref<72x768xf32, #tpu.memory_space<vmem>>, vector<1x16xf32>,
      %get3A_585 = vector.shape_cast %get3A_584 : vector<1x16xf32> to vector<16xf32>
      %add3A_586 = arith.addf %scan3A_503, %get3A_585 : vector<16xf32>
      %get3A_587 = arith.index_cast %scan3A_494 : i32 to index
      %get3A_588 = arith.constant 144 : index
      %get3A_589 = tpu.vector_load %arg4[%get3A_587, %get3A_588] {strides = array<i32>} : memref<72x768xf32, #tpu.memory_space<vmem>>, vector<1x16xf32>,
      %get3A_590 = vector.shape_cast %get3A_589 : vector<1x16xf32> to vector<16xf32>
      %add3A_591 = arith.addf %scan3A_504, %get3A_590 : vector<16xf32>
      %get3A_592 = arith.index_cast %scan3A_494 : i32 to index
      %get3A_593 = arith.constant 160 : index
      %get3A_594 = tpu.vector_load %arg4[%get3A_592, %get3A_593] {strides = array<i32>} : memref<72x768xf32, #tpu.memory_space<vmem>>, vector<1x16xf32>,
      %get3A_595 = vector.shape_cast %get3A_594 : vector<1x16xf32> to vector<16xf32>
      %add3A_596 = arith.addf %scan3A_505, %get3A_595 : vector<16xf32>
      %get3A_597 = arith.index_cast %scan3A_494 : i32 to index
      %get3A_598 = arith.constant 176 : index
      %get3A_599 = tpu.vector_load %arg4[%get3A_597, %get3A_598] {strides = array<i32>} : memref<72x768xf32, #tpu.memory_space<vmem>>, vector<1x16xf32>,
      %get3A_600 = vector.shape_cast %get3A_599 : vector<1x16xf32> to vector<16xf32>
      %add3A_601 = arith.addf %scan3A_506, %get3A_600 : vector<16xf32>
      %get3A_602 = arith.index_cast %scan3A_494 : i32 to index
      %get3A_603 = arith.constant 192 : index
      %get3A_604 = tpu.vector_load %arg4[%get3A_602, %get3A_603] {strides = array<i32>} : memref<72x768xf32, #tpu.memory_space<vmem>>, vector<1x16xf32>,
      %get3A_605 = vector.shape_cast %get3A_604 : vector<1x16xf32> to vector<16xf32>
      %add3A_606 = arith.addf %scan3A_507, %get3A_605 : vector<16xf32>
      %get3A_607 = arith.index_cast %scan3A_494 : i32 to index
      %get3A_608 = arith.constant 208 : index
      %get3A_609 = tpu.vector_load %arg4[%get3A_607, %get3A_608] {strides = array<i32>} : memref<72x768xf32, #tpu.memory_space<vmem>>, vector<1x16xf32>,
      %get3A_610 = vector.shape_cast %get3A_609 : vector<1x16xf32> to vector<16xf32>
      %add3A_611 = arith.addf %scan3A_508, %get3A_610 : vector<16xf32>
      %get3A_612 = arith.index_cast %scan3A_494 : i32 to index
      %get3A_613 = arith.constant 224 : index
      %get3A_614 = tpu.vector_load %arg4[%get3A_612, %get3A_613] {strides = array<i32>} : memref<72x768xf32, #tpu.memory_space<vmem>>, vector<1x16xf32>,
      %get3A_615 = vector.shape_cast %get3A_614 : vector<1x16xf32> to vector<16xf32>
      %add3A_616 = arith.addf %scan3A_509, %get3A_615 : vector<16xf32>
      %get3A_617 = arith.index_cast %scan3A_494 : i32 to index
      %get3A_618 = arith.constant 240 : index
      %get3A_619 = tpu.vector_load %arg4[%get3A_617, %get3A_618] {strides = array<i32>} : memref<72x768xf32, #tpu.memory_space<vmem>>, vector<1x16xf32>,
      %get3A_620 = vector.shape_cast %get3A_619 : vector<1x16xf32> to vector<16xf32>
      %add3A_621 = arith.addf %scan3A_510, %get3A_620 : vector<16xf32>
      %get3A_622 = arith.index_cast %scan3A_494 : i32 to index
      %get3A_623 = arith.constant 256 : index
      %get3A_624 = tpu.vector_load %arg4[%get3A_622, %get3A_623] {strides = array<i32>} : memref<72x768xf32, #tpu.memory_space<vmem>>, vector<1x16xf32>,
      %get3A_625 = vector.shape_cast %get3A_624 : vector<1x16xf32> to vector<16xf32>
      %add3A_626 = arith.addf %scan3A_511, %get3A_625 : vector<16xf32>
      %get3A_627 = arith.index_cast %scan3A_494 : i32 to index
      %get3A_628 = arith.constant 272 : index
      %get3A_629 = tpu.vector_load %arg4[%get3A_627, %get3A_628] {strides = array<i32>} : memref<72x768xf32, #tpu.memory_space<vmem>>, vector<1x16xf32>,
      %get3A_630 = vector.shape_cast %get3A_629 : vector<1x16xf32> to vector<16xf32>
      %add3A_631 = arith.addf %scan3A_512, %get3A_630 : vector<16xf32>
      %get3A_632 = arith.index_cast %scan3A_494 : i32 to index
      %get3A_633 = arith.constant 288 : index
      %get3A_634 = tpu.vector_load %arg4[%get3A_632, %get3A_633] {strides = array<i32>} : memref<72x768xf32, #tpu.memory_space<vmem>>, vector<1x16xf32>,
      %get3A_635 = vector.shape_cast %get3A_634 : vector<1x16xf32> to vector<16xf32>
      %add3A_636 = arith.addf %scan3A_513, %get3A_635 : vector<16xf32>
      %get3A_637 = arith.index_cast %scan3A_494 : i32 to index
      %get3A_638 = arith.constant 304 : index
      %get3A_639 = tpu.vector_load %arg4[%get3A_637, %get3A_638] {strides = array<i32>} : memref<72x768xf32, #tpu.memory_space<vmem>>, vector<1x16xf32>,
      %get3A_640 = vector.shape_cast %get3A_639 : vector<1x16xf32> to vector<16xf32>
      %add3A_641 = arith.addf %scan3A_514, %get3A_640 : vector<16xf32>
      %get3A_642 = arith.index_cast %scan3A_494 : i32 to index
      %get3A_643 = arith.constant 320 : index
      %get3A_644 = tpu.vector_load %arg4[%get3A_642, %get3A_643] {strides = array<i32>} : memref<72x768xf32, #tpu.memory_space<vmem>>, vector<1x16xf32>,
      %get3A_645 = vector.shape_cast %get3A_644 : vector<1x16xf32> to vector<16xf32>
      %add3A_646 = arith.addf %scan3A_515, %get3A_645 : vector<16xf32>
      %get3A_647 = arith.index_cast %scan3A_494 : i32 to index
      %get3A_648 = arith.constant 336 : index
      %get3A_649 = tpu.vector_load %arg4[%get3A_647, %get3A_648] {strides = array<i32>} : memref<72x768xf32, #tpu.memory_space<vmem>>, vector<1x16xf32>,
      %get3A_650 = vector.shape_cast %get3A_649 : vector<1x16xf32> to vector<16xf32>
      %add3A_651 = arith.addf %scan3A_516, %get3A_650 : vector<16xf32>
      %get3A_652 = arith.index_cast %scan3A_494 : i32 to index
      %get3A_653 = arith.constant 352 : index
      %get3A_654 = tpu.vector_load %arg4[%get3A_652, %get3A_653] {strides = array<i32>} : memref<72x768xf32, #tpu.memory_space<vmem>>, vector<1x16xf32>,
      %get3A_655 = vector.shape_cast %get3A_654 : vector<1x16xf32> to vector<16xf32>
      %add3A_656 = arith.addf %scan3A_517, %get3A_655 : vector<16xf32>
      %get3A_657 = arith.index_cast %scan3A_494 : i32 to index
      %get3A_658 = arith.constant 368 : index
      %get3A_659 = tpu.vector_load %arg4[%get3A_657, %get3A_658] {strides = array<i32>} : memref<72x768xf32, #tpu.memory_space<vmem>>, vector<1x16xf32>,
      %get3A_660 = vector.shape_cast %get3A_659 : vector<1x16xf32> to vector<16xf32>
      %add3A_661 = arith.addf %scan3A_518, %get3A_660 : vector<16xf32>
      %get3A_662 = arith.index_cast %scan3A_494 : i32 to index
      %get3A_663 = arith.constant 384 : index
      %get3A_664 = tpu.vector_load %arg4[%get3A_662, %get3A_663] {strides = array<i32>} : memref<72x768xf32, #tpu.memory_space<vmem>>, vector<1x16xf32>,
      %get3A_665 = vector.shape_cast %get3A_664 : vector<1x16xf32> to vector<16xf32>
      %add3A_666 = arith.addf %scan3A_519, %get3A_665 : vector<16xf32>
      %get3A_667 = arith.index_cast %scan3A_494 : i32 to index
      %get3A_668 = arith.constant 400 : index
      %get3A_669 = tpu.vector_load %arg4[%get3A_667, %get3A_668] {strides = array<i32>} : memref<72x768xf32, #tpu.memory_space<vmem>>, vector<1x16xf32>,
      %get3A_670 = vector.shape_cast %get3A_669 : vector<1x16xf32> to vector<16xf32>
      %add3A_671 = arith.addf %scan3A_520, %get3A_670 : vector<16xf32>
      %get3A_672 = arith.index_cast %scan3A_494 : i32 to index
      %get3A_673 = arith.constant 416 : index
      %get3A_674 = tpu.vector_load %arg4[%get3A_672, %get3A_673] {strides = array<i32>} : memref<72x768xf32, #tpu.memory_space<vmem>>, vector<1x16xf32>,
      %get3A_675 = vector.shape_cast %get3A_674 : vector<1x16xf32> to vector<16xf32>
      %add3A_676 = arith.addf %scan3A_521, %get3A_675 : vector<16xf32>
      %get3A_677 = arith.index_cast %scan3A_494 : i32 to index
      %get3A_678 = arith.constant 432 : index
      %get3A_679 = tpu.vector_load %arg4[%get3A_677, %get3A_678] {strides = array<i32>} : memref<72x768xf32, #tpu.memory_space<vmem>>, vector<1x16xf32>,
      %get3A_680 = vector.shape_cast %get3A_679 : vector<1x16xf32> to vector<16xf32>
      %add3A_681 = arith.addf %scan3A_522, %get3A_680 : vector<16xf32>
      %get3A_682 = arith.index_cast %scan3A_494 : i32 to index
      %get3A_683 = arith.constant 448 : index
      %get3A_684 = tpu.vector_load %arg4[%get3A_682, %get3A_683] {strides = array<i32>} : memref<72x768xf32, #tpu.memory_space<vmem>>, vector<1x16xf32>,
      %get3A_685 = vector.shape_cast %get3A_684 : vector<1x16xf32> to vector<16xf32>
      %add3A_686 = arith.addf %scan3A_523, %get3A_685 : vector<16xf32>
      %get3A_687 = arith.index_cast %scan3A_494 : i32 to index
      %get3A_688 = arith.constant 464 : index
      %get3A_689 = tpu.vector_load %arg4[%get3A_687, %get3A_688] {strides = array<i32>} : memref<72x768xf32, #tpu.memory_space<vmem>>, vector<1x16xf32>,
      %get3A_690 = vector.shape_cast %get3A_689 : vector<1x16xf32> to vector<16xf32>
      %add3A_691 = arith.addf %scan3A_524, %get3A_690 : vector<16xf32>
      %get3A_692 = arith.index_cast %scan3A_494 : i32 to index
      %get3A_693 = arith.constant 480 : index
      %get3A_694 = tpu.vector_load %arg4[%get3A_692, %get3A_693] {strides = array<i32>} : memref<72x768xf32, #tpu.memory_space<vmem>>, vector<1x16xf32>,
      %get3A_695 = vector.shape_cast %get3A_694 : vector<1x16xf32> to vector<16xf32>
      %add3A_696 = arith.addf %scan3A_525, %get3A_695 : vector<16xf32>
      %get3A_697 = arith.index_cast %scan3A_494 : i32 to index
      %get3A_698 = arith.constant 496 : index
      %get3A_699 = tpu.vector_load %arg4[%get3A_697, %get3A_698] {strides = array<i32>} : memref<72x768xf32, #tpu.memory_space<vmem>>, vector<1x16xf32>,
      %get3A_700 = vector.shape_cast %get3A_699 : vector<1x16xf32> to vector<16xf32>
      %add3A_701 = arith.addf %scan3A_526, %get3A_700 : vector<16xf32>
      %get3A_702 = arith.index_cast %scan3A_494 : i32 to index
      %get3A_703 = arith.constant 512 : index
      %get3A_704 = tpu.vector_load %arg4[%get3A_702, %get3A_703] {strides = array<i32>} : memref<72x768xf32, #tpu.memory_space<vmem>>, vector<1x16xf32>,
      %get3A_705 = vector.shape_cast %get3A_704 : vector<1x16xf32> to vector<16xf32>
      %add3A_706 = arith.addf %scan3A_527, %get3A_705 : vector<16xf32>
      %get3A_707 = arith.index_cast %scan3A_494 : i32 to index
      %get3A_708 = arith.constant 528 : index
      %get3A_709 = tpu.vector_load %arg4[%get3A_707, %get3A_708] {strides = array<i32>} : memref<72x768xf32, #tpu.memory_space<vmem>>, vector<1x16xf32>,
      %get3A_710 = vector.shape_cast %get3A_709 : vector<1x16xf32> to vector<16xf32>
      %add3A_711 = arith.addf %scan3A_528, %get3A_710 : vector<16xf32>
      %get3A_712 = arith.index_cast %scan3A_494 : i32 to index
      %get3A_713 = arith.constant 544 : index
      %get3A_714 = tpu.vector_load %arg4[%get3A_712, %get3A_713] {strides = array<i32>} : memref<72x768xf32, #tpu.memory_space<vmem>>, vector<1x16xf32>,
      %get3A_715 = vector.shape_cast %get3A_714 : vector<1x16xf32> to vector<16xf32>
      %add3A_716 = arith.addf %scan3A_529, %get3A_715 : vector<16xf32>
      %get3A_717 = arith.index_cast %scan3A_494 : i32 to index
      %get3A_718 = arith.constant 560 : index
      %get3A_719 = tpu.vector_load %arg4[%get3A_717, %get3A_718] {strides = array<i32>} : memref<72x768xf32, #tpu.memory_space<vmem>>, vector<1x16xf32>,
      %get3A_720 = vector.shape_cast %get3A_719 : vector<1x16xf32> to vector<16xf32>
      %add3A_721 = arith.addf %scan3A_530, %get3A_720 : vector<16xf32>
      %get3A_722 = arith.index_cast %scan3A_494 : i32 to index
      %get3A_723 = arith.constant 576 : index
      %get3A_724 = tpu.vector_load %arg4[%get3A_722, %get3A_723] {strides = array<i32>} : memref<72x768xf32, #tpu.memory_space<vmem>>, vector<1x16xf32>,
      %get3A_725 = vector.shape_cast %get3A_724 : vector<1x16xf32> to vector<16xf32>
      %add3A_726 = arith.addf %scan3A_531, %get3A_725 : vector<16xf32>
      %get3A_727 = arith.index_cast %scan3A_494 : i32 to index
      %get3A_728 = arith.constant 592 : index
      %get3A_729 = tpu.vector_load %arg4[%get3A_727, %get3A_728] {strides = array<i32>} : memref<72x768xf32, #tpu.memory_space<vmem>>, vector<1x16xf32>,
      %get3A_730 = vector.shape_cast %get3A_729 : vector<1x16xf32> to vector<16xf32>
      %add3A_731 = arith.addf %scan3A_532, %get3A_730 : vector<16xf32>
      %get3A_732 = arith.index_cast %scan3A_494 : i32 to index
      %get3A_733 = arith.constant 608 : index
      %get3A_734 = tpu.vector_load %arg4[%get3A_732, %get3A_733] {strides = array<i32>} : memref<72x768xf32, #tpu.memory_space<vmem>>, vector<1x16xf32>,
      %get3A_735 = vector.shape_cast %get3A_734 : vector<1x16xf32> to vector<16xf32>
      %add3A_736 = arith.addf %scan3A_533, %get3A_735 : vector<16xf32>
      %get3A_737 = arith.index_cast %scan3A_494 : i32 to index
      %get3A_738 = arith.constant 624 : index
      %get3A_739 = tpu.vector_load %arg4[%get3A_737, %get3A_738] {strides = array<i32>} : memref<72x768xf32, #tpu.memory_space<vmem>>, vector<1x16xf32>,
      %get3A_740 = vector.shape_cast %get3A_739 : vector<1x16xf32> to vector<16xf32>
      %add3A_741 = arith.addf %scan3A_534, %get3A_740 : vector<16xf32>
      %get3A_742 = arith.index_cast %scan3A_494 : i32 to index
      %get3A_743 = arith.constant 640 : index
      %get3A_744 = tpu.vector_load %arg4[%get3A_742, %get3A_743] {strides = array<i32>} : memref<72x768xf32, #tpu.memory_space<vmem>>, vector<1x16xf32>,
      %get3A_745 = vector.shape_cast %get3A_744 : vector<1x16xf32> to vector<16xf32>
      %add3A_746 = arith.addf %scan3A_535, %get3A_745 : vector<16xf32>
      %get3A_747 = arith.index_cast %scan3A_494 : i32 to index
      %get3A_748 = arith.constant 656 : index
      %get3A_749 = tpu.vector_load %arg4[%get3A_747, %get3A_748] {strides = array<i32>} : memref<72x768xf32, #tpu.memory_space<vmem>>, vector<1x16xf32>,
      %get3A_750 = vector.shape_cast %get3A_749 : vector<1x16xf32> to vector<16xf32>
      %add3A_751 = arith.addf %scan3A_536, %get3A_750 : vector<16xf32>
      %get3A_752 = arith.index_cast %scan3A_494 : i32 to index
      %get3A_753 = arith.constant 672 : index
      %get3A_754 = tpu.vector_load %arg4[%get3A_752, %get3A_753] {strides = array<i32>} : memref<72x768xf32, #tpu.memory_space<vmem>>, vector<1x16xf32>,
      %get3A_755 = vector.shape_cast %get3A_754 : vector<1x16xf32> to vector<16xf32>
      %add3A_756 = arith.addf %scan3A_537, %get3A_755 : vector<16xf32>
      %get3A_757 = arith.index_cast %scan3A_494 : i32 to index
      %get3A_758 = arith.constant 688 : index
      %get3A_759 = tpu.vector_load %arg4[%get3A_757, %get3A_758] {strides = array<i32>} : memref<72x768xf32, #tpu.memory_space<vmem>>, vector<1x16xf32>,
      %get3A_760 = vector.shape_cast %get3A_759 : vector<1x16xf32> to vector<16xf32>
      %add3A_761 = arith.addf %scan3A_538, %get3A_760 : vector<16xf32>
      %get3A_762 = arith.index_cast %scan3A_494 : i32 to index
      %get3A_763 = arith.constant 704 : index
      %get3A_764 = tpu.vector_load %arg4[%get3A_762, %get3A_763] {strides = array<i32>} : memref<72x768xf32, #tpu.memory_space<vmem>>, vector<1x16xf32>,
      %get3A_765 = vector.shape_cast %get3A_764 : vector<1x16xf32> to vector<16xf32>
      %add3A_766 = arith.addf %scan3A_539, %get3A_765 : vector<16xf32>
      %get3A_767 = arith.index_cast %scan3A_494 : i32 to index
      %get3A_768 = arith.constant 720 : index
      %get3A_769 = tpu.vector_load %arg4[%get3A_767, %get3A_768] {strides = array<i32>} : memref<72x768xf32, #tpu.memory_space<vmem>>, vector<1x16xf32>,
      %get3A_770 = vector.shape_cast %get3A_769 : vector<1x16xf32> to vector<16xf32>
      %add3A_771 = arith.addf %scan3A_540, %get3A_770 : vector<16xf32>
      %get3A_772 = arith.index_cast %scan3A_494 : i32 to index
      %get3A_773 = arith.constant 736 : index
      %get3A_774 = tpu.vector_load %arg4[%get3A_772, %get3A_773] {strides = array<i32>} : memref<72x768xf32, #tpu.memory_space<vmem>>, vector<1x16xf32>,
      %get3A_775 = vector.shape_cast %get3A_774 : vector<1x16xf32> to vector<16xf32>
      %add3A_776 = arith.addf %scan3A_541, %get3A_775 : vector<16xf32>
      %get3A_777 = arith.index_cast %scan3A_494 : i32 to index
      %get3A_778 = arith.constant 752 : index
      %get3A_779 = tpu.vector_load %arg4[%get3A_777, %get3A_778] {strides = array<i32>} : memref<72x768xf32, #tpu.memory_space<vmem>>, vector<1x16xf32>,
      %get3A_780 = vector.shape_cast %get3A_779 : vector<1x16xf32> to vector<16xf32>
      %add3A_781 = arith.addf %scan3A_542, %get3A_780 : vector<16xf32>
      scf.yield %add3A_546, %add3A_551, %add3A_556, %add3A_561, %add3A_566, %add3A_571, %add3A_576, %add3A_581, %add3A_586, %add3A_591, %add3A_596, %add3A_601, %add3A_606, %add3A_611, %add3A_616, %add3A_621, %add3A_626, %add3A_631, %add3A_636, %add3A_641, %add3A_646, %add3A_651, %add3A_656, %add3A_661, %add3A_666, %add3A_671, %add3A_676, %add3A_681, %add3A_686, %add3A_691, %add3A_696, %add3A_701, %add3A_706, %add3A_711, %add3A_716, %add3A_721, %add3A_726, %add3A_731, %add3A_736, %add3A_741, %add3A_746, %add3A_751, %add3A_756, %add3A_761, %add3A_766, %add3A_771, %add3A_776, %add3A_781 : vector<16xf32>, vector<16xf32>, vector<16xf32>, vector<16xf32>, vector<16xf32>, vector<16xf32>, vector<16xf32>, vector<16xf32>, vector<16xf32>, vector<16xf32>, vector<16xf32>, vector<16xf32>, vector<16xf32>, vector<16xf32>, vector<16xf32>, vector<16xf32>, vector<16xf32>, vector<16xf32>, vector<16xf32>, vector<16xf32>, vector<16xf32>, vector<16xf32>, vector<16xf32>, vector<16xf32>, vector<16xf32>, vector<16xf32>, vector<16xf32>, vector<16xf32>, vector<16xf32>, vector<16xf32>, vector<16xf32>, vector<16xf32>, vector<16xf32>, vector<16xf32>, vector<16xf32>, vector<16xf32>, vector<16xf32>, vector<16xf32>, vector<16xf32>, vector<16xf32>, vector<16xf32>, vector<16xf32>, vector<16xf32>, vector<16xf32>, vector<16xf32>, vector<16xf32>, vector<16xf32>, vector<16xf32>
    }
    %scan3A_194 = arith.constant 72 : i32
    %dma_wait3A_195 = arith.constant 0 : i32
    %dma_wait3A_196 = tpu.memref_slice %arg2[%add3A_18, %add3A_176, %dma_wait3A_195] : memref<64x576x768xf32, #tpu.memory_space<hbm>> -> memref<1x72x768xf32, #tpu.memory_space<hbm>>
    %dma_wait3A_197 = tpu.memref_squeeze %dma_wait3A_196 : memref<1x72x768xf32, #tpu.memory_space<hbm>> -> memref<72x768xf32, #tpu.memory_space<hbm>>
    %dma_wait3A_198 = arith.constant 0 : i32
    %dma_wait3A_199 = tpu.memref_slice %arg2[%add3A_18, %add3A_176, %dma_wait3A_198] : memref<64x576x768xf32, #tpu.memory_space<hbm>> -> memref<1x72x768xf32, #tpu.memory_space<hbm>>
    %dma_wait3A_200 = tpu.memref_squeeze %dma_wait3A_199 : memref<1x72x768xf32, #tpu.memory_space<hbm>> -> memref<72x768xf32, #tpu.memory_space<hbm>>
    tpu.wait_dma2 semaphore(%arg8 : memref<!tpu.dma_semaphore, #tpu.memory_space<semaphore_mem>>) src(%dma_wait3A_200 : memref<72x768xf32, #tpu.memory_space<hbm>>) dst(%arg5 : memref<72x768xf32, #tpu.memory_space<vmem>>)
    %scan3A_201 = arith.constant 0 : i32
    %scan3A_202 = arith.constant 72 : i32
    %scan3A_203 = arith.addi %scan3A_201, %scan3A_202 : i32
    %scan3A_204 = arith.constant 1 : i32
    %scan3A_205:48 = scf.for %scan3A_494 = %scan3A_201 to %scan3A_203 step %scan3A_204 iter_args(%scan3A_495 = %scan3A_193#0, %scan3A_496 = %scan3A_193#1, %scan3A_497 = %scan3A_193#2, %scan3A_498 = %scan3A_193#3, %scan3A_499 = %scan3A_193#4, %scan3A_500 = %scan3A_193#5, %scan3A_501 = %scan3A_193#6, %scan3A_502 = %scan3A_193#7, %scan3A_503 = %scan3A_193#8, %scan3A_504 = %scan3A_193#9, %scan3A_505 = %scan3A_193#10, %scan3A_506 = %scan3A_193#11, %scan3A_507 = %scan3A_193#12, %scan3A_508 = %scan3A_193#13, %scan3A_509 = %scan3A_193#14, %scan3A_510 = %scan3A_193#15, %scan3A_511 = %scan3A_193#16, %scan3A_512 = %scan3A_193#17, %scan3A_513 = %scan3A_193#18, %scan3A_514 = %scan3A_193#19, %scan3A_515 = %scan3A_193#20, %scan3A_516 = %scan3A_193#21, %scan3A_517 = %scan3A_193#22, %scan3A_518 = %scan3A_193#23, %scan3A_519 = %scan3A_193#24, %scan3A_520 = %scan3A_193#25, %scan3A_521 = %scan3A_193#26, %scan3A_522 = %scan3A_193#27, %scan3A_523 = %scan3A_193#28, %scan3A_524 = %scan3A_193#29, %scan3A_525 = %scan3A_193#30, %scan3A_526 = %scan3A_193#31, %scan3A_527 = %scan3A_193#32, %scan3A_528 = %scan3A_193#33, %scan3A_529 = %scan3A_193#34, %scan3A_530 = %scan3A_193#35, %scan3A_531 = %scan3A_193#36, %scan3A_532 = %scan3A_193#37, %scan3A_533 = %scan3A_193#38, %scan3A_534 = %scan3A_193#39, %scan3A_535 = %scan3A_193#40, %scan3A_536 = %scan3A_193#41, %scan3A_537 = %scan3A_193#42, %scan3A_538 = %scan3A_193#43, %scan3A_539 = %scan3A_193#44, %scan3A_540 = %scan3A_193#45, %scan3A_541 = %scan3A_193#46, %scan3A_542 = %scan3A_193#47) -> (vector<16xf32>, vector<16xf32>, vector<16xf32>, vector<16xf32>, vector<16xf32>, vector<16xf32>, vector<16xf32>, vector<16xf32>, vector<16xf32>, vector<16xf32>, vector<16xf32>, vector<16xf32>, vector<16xf32>, vector<16xf32>, vector<16xf32>, vector<16xf32>, vector<16xf32>, vector<16xf32>, vector<16xf32>, vector<16xf32>, vector<16xf32>, vector<16xf32>, vector<16xf32>, vector<16xf32>, vector<16xf32>, vector<16xf32>, vector<16xf32>, vector<16xf32>, vector<16xf32>, vector<16xf32>, vector<16xf32>, vector<16xf32>, vector<16xf32>, vector<16xf32>, vector<16xf32>, vector<16xf32>, vector<16xf32>, vector<16xf32>, vector<16xf32>, vector<16xf32>, vector<16xf32>, vector<16xf32>, vector<16xf32>, vector<16xf32>, vector<16xf32>, vector<16xf32>, vector<16xf32>, vector<16xf32>)  : i32 {
      %get3A = arith.index_cast %scan3A_494 : i32 to index
      %get3A_543 = arith.constant 0 : index
      %get3A_544 = tpu.vector_load %arg5[%get3A, %get3A_543] {strides = array<i32>} : memref<72x768xf32, #tpu.memory_space<vmem>>, vector<1x16xf32>,
      %get3A_545 = vector.shape_cast %get3A_544 : vector<1x16xf32> to vector<16xf32>
      %add3A_546 = arith.addf %scan3A_495, %get3A_545 : vector<16xf32>
      %get3A_547 = arith.index_cast %scan3A_494 : i32 to index
      %get3A_548 = arith.constant 16 : index
      %get3A_549 = tpu.vector_load %arg5[%get3A_547, %get3A_548] {strides = array<i32>} : memref<72x768xf32, #tpu.memory_space<vmem>>, vector<1x16xf32>,
      %get3A_550 = vector.shape_cast %get3A_549 : vector<1x16xf32> to vector<16xf32>
      %add3A_551 = arith.addf %scan3A_496, %get3A_550 : vector<16xf32>
      %get3A_552 = arith.index_cast %scan3A_494 : i32 to index
      %get3A_553 = arith.constant 32 : index
      %get3A_554 = tpu.vector_load %arg5[%get3A_552, %get3A_553] {strides = array<i32>} : memref<72x768xf32, #tpu.memory_space<vmem>>, vector<1x16xf32>,
      %get3A_555 = vector.shape_cast %get3A_554 : vector<1x16xf32> to vector<16xf32>
      %add3A_556 = arith.addf %scan3A_497, %get3A_555 : vector<16xf32>
      %get3A_557 = arith.index_cast %scan3A_494 : i32 to index
      %get3A_558 = arith.constant 48 : index
      %get3A_559 = tpu.vector_load %arg5[%get3A_557, %get3A_558] {strides = array<i32>} : memref<72x768xf32, #tpu.memory_space<vmem>>, vector<1x16xf32>,
      %get3A_560 = vector.shape_cast %get3A_559 : vector<1x16xf32> to vector<16xf32>
      %add3A_561 = arith.addf %scan3A_498, %get3A_560 : vector<16xf32>
      %get3A_562 = arith.index_cast %scan3A_494 : i32 to index
      %get3A_563 = arith.constant 64 : index
      %get3A_564 = tpu.vector_load %arg5[%get3A_562, %get3A_563] {strides = array<i32>} : memref<72x768xf32, #tpu.memory_space<vmem>>, vector<1x16xf32>,
      %get3A_565 = vector.shape_cast %get3A_564 : vector<1x16xf32> to vector<16xf32>
      %add3A_566 = arith.addf %scan3A_499, %get3A_565 : vector<16xf32>
      %get3A_567 = arith.index_cast %scan3A_494 : i32 to index
      %get3A_568 = arith.constant 80 : index
      %get3A_569 = tpu.vector_load %arg5[%get3A_567, %get3A_568] {strides = array<i32>} : memref<72x768xf32, #tpu.memory_space<vmem>>, vector<1x16xf32>,
      %get3A_570 = vector.shape_cast %get3A_569 : vector<1x16xf32> to vector<16xf32>
      %add3A_571 = arith.addf %scan3A_500, %get3A_570 : vector<16xf32>
      %get3A_572 = arith.index_cast %scan3A_494 : i32 to index
      %get3A_573 = arith.constant 96 : index
      %get3A_574 = tpu.vector_load %arg5[%get3A_572, %get3A_573] {strides = array<i32>} : memref<72x768xf32, #tpu.memory_space<vmem>>, vector<1x16xf32>,
      %get3A_575 = vector.shape_cast %get3A_574 : vector<1x16xf32> to vector<16xf32>
      %add3A_576 = arith.addf %scan3A_501, %get3A_575 : vector<16xf32>
      %get3A_577 = arith.index_cast %scan3A_494 : i32 to index
      %get3A_578 = arith.constant 112 : index
      %get3A_579 = tpu.vector_load %arg5[%get3A_577, %get3A_578] {strides = array<i32>} : memref<72x768xf32, #tpu.memory_space<vmem>>, vector<1x16xf32>,
      %get3A_580 = vector.shape_cast %get3A_579 : vector<1x16xf32> to vector<16xf32>
      %add3A_581 = arith.addf %scan3A_502, %get3A_580 : vector<16xf32>
      %get3A_582 = arith.index_cast %scan3A_494 : i32 to index
      %get3A_583 = arith.constant 128 : index
      %get3A_584 = tpu.vector_load %arg5[%get3A_582, %get3A_583] {strides = array<i32>} : memref<72x768xf32, #tpu.memory_space<vmem>>, vector<1x16xf32>,
      %get3A_585 = vector.shape_cast %get3A_584 : vector<1x16xf32> to vector<16xf32>
      %add3A_586 = arith.addf %scan3A_503, %get3A_585 : vector<16xf32>
      %get3A_587 = arith.index_cast %scan3A_494 : i32 to index
      %get3A_588 = arith.constant 144 : index
      %get3A_589 = tpu.vector_load %arg5[%get3A_587, %get3A_588] {strides = array<i32>} : memref<72x768xf32, #tpu.memory_space<vmem>>, vector<1x16xf32>,
      %get3A_590 = vector.shape_cast %get3A_589 : vector<1x16xf32> to vector<16xf32>
      %add3A_591 = arith.addf %scan3A_504, %get3A_590 : vector<16xf32>
      %get3A_592 = arith.index_cast %scan3A_494 : i32 to index
      %get3A_593 = arith.constant 160 : index
      %get3A_594 = tpu.vector_load %arg5[%get3A_592, %get3A_593] {strides = array<i32>} : memref<72x768xf32, #tpu.memory_space<vmem>>, vector<1x16xf32>,
      %get3A_595 = vector.shape_cast %get3A_594 : vector<1x16xf32> to vector<16xf32>
      %add3A_596 = arith.addf %scan3A_505, %get3A_595 : vector<16xf32>
      %get3A_597 = arith.index_cast %scan3A_494 : i32 to index
      %get3A_598 = arith.constant 176 : index
      %get3A_599 = tpu.vector_load %arg5[%get3A_597, %get3A_598] {strides = array<i32>} : memref<72x768xf32, #tpu.memory_space<vmem>>, vector<1x16xf32>,
      %get3A_600 = vector.shape_cast %get3A_599 : vector<1x16xf32> to vector<16xf32>
      %add3A_601 = arith.addf %scan3A_506, %get3A_600 : vector<16xf32>
      %get3A_602 = arith.index_cast %scan3A_494 : i32 to index
      %get3A_603 = arith.constant 192 : index
      %get3A_604 = tpu.vector_load %arg5[%get3A_602, %get3A_603] {strides = array<i32>} : memref<72x768xf32, #tpu.memory_space<vmem>>, vector<1x16xf32>,
      %get3A_605 = vector.shape_cast %get3A_604 : vector<1x16xf32> to vector<16xf32>
      %add3A_606 = arith.addf %scan3A_507, %get3A_605 : vector<16xf32>
      %get3A_607 = arith.index_cast %scan3A_494 : i32 to index
      %get3A_608 = arith.constant 208 : index
      %get3A_609 = tpu.vector_load %arg5[%get3A_607, %get3A_608] {strides = array<i32>} : memref<72x768xf32, #tpu.memory_space<vmem>>, vector<1x16xf32>,
      %get3A_610 = vector.shape_cast %get3A_609 : vector<1x16xf32> to vector<16xf32>
      %add3A_611 = arith.addf %scan3A_508, %get3A_610 : vector<16xf32>
      %get3A_612 = arith.index_cast %scan3A_494 : i32 to index
      %get3A_613 = arith.constant 224 : index
      %get3A_614 = tpu.vector_load %arg5[%get3A_612, %get3A_613] {strides = array<i32>} : memref<72x768xf32, #tpu.memory_space<vmem>>, vector<1x16xf32>,
      %get3A_615 = vector.shape_cast %get3A_614 : vector<1x16xf32> to vector<16xf32>
      %add3A_616 = arith.addf %scan3A_509, %get3A_615 : vector<16xf32>
      %get3A_617 = arith.index_cast %scan3A_494 : i32 to index
      %get3A_618 = arith.constant 240 : index
      %get3A_619 = tpu.vector_load %arg5[%get3A_617, %get3A_618] {strides = array<i32>} : memref<72x768xf32, #tpu.memory_space<vmem>>, vector<1x16xf32>,
      %get3A_620 = vector.shape_cast %get3A_619 : vector<1x16xf32> to vector<16xf32>
      %add3A_621 = arith.addf %scan3A_510, %get3A_620 : vector<16xf32>
      %get3A_622 = arith.index_cast %scan3A_494 : i32 to index
      %get3A_623 = arith.constant 256 : index
      %get3A_624 = tpu.vector_load %arg5[%get3A_622, %get3A_623] {strides = array<i32>} : memref<72x768xf32, #tpu.memory_space<vmem>>, vector<1x16xf32>,
      %get3A_625 = vector.shape_cast %get3A_624 : vector<1x16xf32> to vector<16xf32>
      %add3A_626 = arith.addf %scan3A_511, %get3A_625 : vector<16xf32>
      %get3A_627 = arith.index_cast %scan3A_494 : i32 to index
      %get3A_628 = arith.constant 272 : index
      %get3A_629 = tpu.vector_load %arg5[%get3A_627, %get3A_628] {strides = array<i32>} : memref<72x768xf32, #tpu.memory_space<vmem>>, vector<1x16xf32>,
      %get3A_630 = vector.shape_cast %get3A_629 : vector<1x16xf32> to vector<16xf32>
      %add3A_631 = arith.addf %scan3A_512, %get3A_630 : vector<16xf32>
      %get3A_632 = arith.index_cast %scan3A_494 : i32 to index
      %get3A_633 = arith.constant 288 : index
      %get3A_634 = tpu.vector_load %arg5[%get3A_632, %get3A_633] {strides = array<i32>} : memref<72x768xf32, #tpu.memory_space<vmem>>, vector<1x16xf32>,
      %get3A_635 = vector.shape_cast %get3A_634 : vector<1x16xf32> to vector<16xf32>
      %add3A_636 = arith.addf %scan3A_513, %get3A_635 : vector<16xf32>
      %get3A_637 = arith.index_cast %scan3A_494 : i32 to index
      %get3A_638 = arith.constant 304 : index
      %get3A_639 = tpu.vector_load %arg5[%get3A_637, %get3A_638] {strides = array<i32>} : memref<72x768xf32, #tpu.memory_space<vmem>>, vector<1x16xf32>,
      %get3A_640 = vector.shape_cast %get3A_639 : vector<1x16xf32> to vector<16xf32>
      %add3A_641 = arith.addf %scan3A_514, %get3A_640 : vector<16xf32>
      %get3A_642 = arith.index_cast %scan3A_494 : i32 to index
      %get3A_643 = arith.constant 320 : index
      %get3A_644 = tpu.vector_load %arg5[%get3A_642, %get3A_643] {strides = array<i32>} : memref<72x768xf32, #tpu.memory_space<vmem>>, vector<1x16xf32>,
      %get3A_645 = vector.shape_cast %get3A_644 : vector<1x16xf32> to vector<16xf32>
      %add3A_646 = arith.addf %scan3A_515, %get3A_645 : vector<16xf32>
      %get3A_647 = arith.index_cast %scan3A_494 : i32 to index
      %get3A_648 = arith.constant 336 : index
      %get3A_649 = tpu.vector_load %arg5[%get3A_647, %get3A_648] {strides = array<i32>} : memref<72x768xf32, #tpu.memory_space<vmem>>, vector<1x16xf32>,
      %get3A_650 = vector.shape_cast %get3A_649 : vector<1x16xf32> to vector<16xf32>
      %add3A_651 = arith.addf %scan3A_516, %get3A_650 : vector<16xf32>
      %get3A_652 = arith.index_cast %scan3A_494 : i32 to index
      %get3A_653 = arith.constant 352 : index
      %get3A_654 = tpu.vector_load %arg5[%get3A_652, %get3A_653] {strides = array<i32>} : memref<72x768xf32, #tpu.memory_space<vmem>>, vector<1x16xf32>,
      %get3A_655 = vector.shape_cast %get3A_654 : vector<1x16xf32> to vector<16xf32>
      %add3A_656 = arith.addf %scan3A_517, %get3A_655 : vector<16xf32>
      %get3A_657 = arith.index_cast %scan3A_494 : i32 to index
      %get3A_658 = arith.constant 368 : index
      %get3A_659 = tpu.vector_load %arg5[%get3A_657, %get3A_658] {strides = array<i32>} : memref<72x768xf32, #tpu.memory_space<vmem>>, vector<1x16xf32>,
      %get3A_660 = vector.shape_cast %get3A_659 : vector<1x16xf32> to vector<16xf32>
      %add3A_661 = arith.addf %scan3A_518, %get3A_660 : vector<16xf32>
      %get3A_662 = arith.index_cast %scan3A_494 : i32 to index
      %get3A_663 = arith.constant 384 : index
      %get3A_664 = tpu.vector_load %arg5[%get3A_662, %get3A_663] {strides = array<i32>} : memref<72x768xf32, #tpu.memory_space<vmem>>, vector<1x16xf32>,
      %get3A_665 = vector.shape_cast %get3A_664 : vector<1x16xf32> to vector<16xf32>
      %add3A_666 = arith.addf %scan3A_519, %get3A_665 : vector<16xf32>
      %get3A_667 = arith.index_cast %scan3A_494 : i32 to index
      %get3A_668 = arith.constant 400 : index
      %get3A_669 = tpu.vector_load %arg5[%get3A_667, %get3A_668] {strides = array<i32>} : memref<72x768xf32, #tpu.memory_space<vmem>>, vector<1x16xf32>,
      %get3A_670 = vector.shape_cast %get3A_669 : vector<1x16xf32> to vector<16xf32>
      %add3A_671 = arith.addf %scan3A_520, %get3A_670 : vector<16xf32>
      %get3A_672 = arith.index_cast %scan3A_494 : i32 to index
      %get3A_673 = arith.constant 416 : index
      %get3A_674 = tpu.vector_load %arg5[%get3A_672, %get3A_673] {strides = array<i32>} : memref<72x768xf32, #tpu.memory_space<vmem>>, vector<1x16xf32>,
      %get3A_675 = vector.shape_cast %get3A_674 : vector<1x16xf32> to vector<16xf32>
      %add3A_676 = arith.addf %scan3A_521, %get3A_675 : vector<16xf32>
      %get3A_677 = arith.index_cast %scan3A_494 : i32 to index
      %get3A_678 = arith.constant 432 : index
      %get3A_679 = tpu.vector_load %arg5[%get3A_677, %get3A_678] {strides = array<i32>} : memref<72x768xf32, #tpu.memory_space<vmem>>, vector<1x16xf32>,
      %get3A_680 = vector.shape_cast %get3A_679 : vector<1x16xf32> to vector<16xf32>
      %add3A_681 = arith.addf %scan3A_522, %get3A_680 : vector<16xf32>
      %get3A_682 = arith.index_cast %scan3A_494 : i32 to index
      %get3A_683 = arith.constant 448 : index
      %get3A_684 = tpu.vector_load %arg5[%get3A_682, %get3A_683] {strides = array<i32>} : memref<72x768xf32, #tpu.memory_space<vmem>>, vector<1x16xf32>,
      %get3A_685 = vector.shape_cast %get3A_684 : vector<1x16xf32> to vector<16xf32>
      %add3A_686 = arith.addf %scan3A_523, %get3A_685 : vector<16xf32>
      %get3A_687 = arith.index_cast %scan3A_494 : i32 to index
      %get3A_688 = arith.constant 464 : index
      %get3A_689 = tpu.vector_load %arg5[%get3A_687, %get3A_688] {strides = array<i32>} : memref<72x768xf32, #tpu.memory_space<vmem>>, vector<1x16xf32>,
      %get3A_690 = vector.shape_cast %get3A_689 : vector<1x16xf32> to vector<16xf32>
      %add3A_691 = arith.addf %scan3A_524, %get3A_690 : vector<16xf32>
      %get3A_692 = arith.index_cast %scan3A_494 : i32 to index
      %get3A_693 = arith.constant 480 : index
      %get3A_694 = tpu.vector_load %arg5[%get3A_692, %get3A_693] {strides = array<i32>} : memref<72x768xf32, #tpu.memory_space<vmem>>, vector<1x16xf32>,
      %get3A_695 = vector.shape_cast %get3A_694 : vector<1x16xf32> to vector<16xf32>
      %add3A_696 = arith.addf %scan3A_525, %get3A_695 : vector<16xf32>
      %get3A_697 = arith.index_cast %scan3A_494 : i32 to index
      %get3A_698 = arith.constant 496 : index
      %get3A_699 = tpu.vector_load %arg5[%get3A_697, %get3A_698] {strides = array<i32>} : memref<72x768xf32, #tpu.memory_space<vmem>>, vector<1x16xf32>,
      %get3A_700 = vector.shape_cast %get3A_699 : vector<1x16xf32> to vector<16xf32>
      %add3A_701 = arith.addf %scan3A_526, %get3A_700 : vector<16xf32>
      %get3A_702 = arith.index_cast %scan3A_494 : i32 to index
      %get3A_703 = arith.constant 512 : index
      %get3A_704 = tpu.vector_load %arg5[%get3A_702, %get3A_703] {strides = array<i32>} : memref<72x768xf32, #tpu.memory_space<vmem>>, vector<1x16xf32>,
      %get3A_705 = vector.shape_cast %get3A_704 : vector<1x16xf32> to vector<16xf32>
      %add3A_706 = arith.addf %scan3A_527, %get3A_705 : vector<16xf32>
      %get3A_707 = arith.index_cast %scan3A_494 : i32 to index
      %get3A_708 = arith.constant 528 : index
      %get3A_709 = tpu.vector_load %arg5[%get3A_707, %get3A_708] {strides = array<i32>} : memref<72x768xf32, #tpu.memory_space<vmem>>, vector<1x16xf32>,
      %get3A_710 = vector.shape_cast %get3A_709 : vector<1x16xf32> to vector<16xf32>
      %add3A_711 = arith.addf %scan3A_528, %get3A_710 : vector<16xf32>
      %get3A_712 = arith.index_cast %scan3A_494 : i32 to index
      %get3A_713 = arith.constant 544 : index
      %get3A_714 = tpu.vector_load %arg5[%get3A_712, %get3A_713] {strides = array<i32>} : memref<72x768xf32, #tpu.memory_space<vmem>>, vector<1x16xf32>,
      %get3A_715 = vector.shape_cast %get3A_714 : vector<1x16xf32> to vector<16xf32>
      %add3A_716 = arith.addf %scan3A_529, %get3A_715 : vector<16xf32>
      %get3A_717 = arith.index_cast %scan3A_494 : i32 to index
      %get3A_718 = arith.constant 560 : index
      %get3A_719 = tpu.vector_load %arg5[%get3A_717, %get3A_718] {strides = array<i32>} : memref<72x768xf32, #tpu.memory_space<vmem>>, vector<1x16xf32>,
      %get3A_720 = vector.shape_cast %get3A_719 : vector<1x16xf32> to vector<16xf32>
      %add3A_721 = arith.addf %scan3A_530, %get3A_720 : vector<16xf32>
      %get3A_722 = arith.index_cast %scan3A_494 : i32 to index
      %get3A_723 = arith.constant 576 : index
      %get3A_724 = tpu.vector_load %arg5[%get3A_722, %get3A_723] {strides = array<i32>} : memref<72x768xf32, #tpu.memory_space<vmem>>, vector<1x16xf32>,
      %get3A_725 = vector.shape_cast %get3A_724 : vector<1x16xf32> to vector<16xf32>
      %add3A_726 = arith.addf %scan3A_531, %get3A_725 : vector<16xf32>
      %get3A_727 = arith.index_cast %scan3A_494 : i32 to index
      %get3A_728 = arith.constant 592 : index
      %get3A_729 = tpu.vector_load %arg5[%get3A_727, %get3A_728] {strides = array<i32>} : memref<72x768xf32, #tpu.memory_space<vmem>>, vector<1x16xf32>,
      %get3A_730 = vector.shape_cast %get3A_729 : vector<1x16xf32> to vector<16xf32>
      %add3A_731 = arith.addf %scan3A_532, %get3A_730 : vector<16xf32>
      %get3A_732 = arith.index_cast %scan3A_494 : i32 to index
      %get3A_733 = arith.constant 608 : index
      %get3A_734 = tpu.vector_load %arg5[%get3A_732, %get3A_733] {strides = array<i32>} : memref<72x768xf32, #tpu.memory_space<vmem>>, vector<1x16xf32>,
      %get3A_735 = vector.shape_cast %get3A_734 : vector<1x16xf32> to vector<16xf32>
      %add3A_736 = arith.addf %scan3A_533, %get3A_735 : vector<16xf32>
      %get3A_737 = arith.index_cast %scan3A_494 : i32 to index
      %get3A_738 = arith.constant 624 : index
      %get3A_739 = tpu.vector_load %arg5[%get3A_737, %get3A_738] {strides = array<i32>} : memref<72x768xf32, #tpu.memory_space<vmem>>, vector<1x16xf32>,
      %get3A_740 = vector.shape_cast %get3A_739 : vector<1x16xf32> to vector<16xf32>
      %add3A_741 = arith.addf %scan3A_534, %get3A_740 : vector<16xf32>
      %get3A_742 = arith.index_cast %scan3A_494 : i32 to index
      %get3A_743 = arith.constant 640 : index
      %get3A_744 = tpu.vector_load %arg5[%get3A_742, %get3A_743] {strides = array<i32>} : memref<72x768xf32, #tpu.memory_space<vmem>>, vector<1x16xf32>,
      %get3A_745 = vector.shape_cast %get3A_744 : vector<1x16xf32> to vector<16xf32>
      %add3A_746 = arith.addf %scan3A_535, %get3A_745 : vector<16xf32>
      %get3A_747 = arith.index_cast %scan3A_494 : i32 to index
      %get3A_748 = arith.constant 656 : index
      %get3A_749 = tpu.vector_load %arg5[%get3A_747, %get3A_748] {strides = array<i32>} : memref<72x768xf32, #tpu.memory_space<vmem>>, vector<1x16xf32>,
      %get3A_750 = vector.shape_cast %get3A_749 : vector<1x16xf32> to vector<16xf32>
      %add3A_751 = arith.addf %scan3A_536, %get3A_750 : vector<16xf32>
      %get3A_752 = arith.index_cast %scan3A_494 : i32 to index
      %get3A_753 = arith.constant 672 : index
      %get3A_754 = tpu.vector_load %arg5[%get3A_752, %get3A_753] {strides = array<i32>} : memref<72x768xf32, #tpu.memory_space<vmem>>, vector<1x16xf32>,
      %get3A_755 = vector.shape_cast %get3A_754 : vector<1x16xf32> to vector<16xf32>
      %add3A_756 = arith.addf %scan3A_537, %get3A_755 : vector<16xf32>
      %get3A_757 = arith.index_cast %scan3A_494 : i32 to index
      %get3A_758 = arith.constant 688 : index
      %get3A_759 = tpu.vector_load %arg5[%get3A_757, %get3A_758] {strides = array<i32>} : memref<72x768xf32, #tpu.memory_space<vmem>>, vector<1x16xf32>,
      %get3A_760 = vector.shape_cast %get3A_759 : vector<1x16xf32> to vector<16xf32>
      %add3A_761 = arith.addf %scan3A_538, %get3A_760 : vector<16xf32>
      %get3A_762 = arith.index_cast %scan3A_494 : i32 to index
      %get3A_763 = arith.constant 704 : index
      %get3A_764 = tpu.vector_load %arg5[%get3A_762, %get3A_763] {strides = array<i32>} : memref<72x768xf32, #tpu.memory_space<vmem>>, vector<1x16xf32>,
      %get3A_765 = vector.shape_cast %get3A_764 : vector<1x16xf32> to vector<16xf32>
      %add3A_766 = arith.addf %scan3A_539, %get3A_765 : vector<16xf32>
      %get3A_767 = arith.index_cast %scan3A_494 : i32 to index
      %get3A_768 = arith.constant 720 : index
      %get3A_769 = tpu.vector_load %arg5[%get3A_767, %get3A_768] {strides = array<i32>} : memref<72x768xf32, #tpu.memory_space<vmem>>, vector<1x16xf32>,
      %get3A_770 = vector.shape_cast %get3A_769 : vector<1x16xf32> to vector<16xf32>
      %add3A_771 = arith.addf %scan3A_540, %get3A_770 : vector<16xf32>
      %get3A_772 = arith.index_cast %scan3A_494 : i32 to index
      %get3A_773 = arith.constant 736 : index
      %get3A_774 = tpu.vector_load %arg5[%get3A_772, %get3A_773] {strides = array<i32>} : memref<72x768xf32, #tpu.memory_space<vmem>>, vector<1x16xf32>,
      %get3A_775 = vector.shape_cast %get3A_774 : vector<1x16xf32> to vector<16xf32>
      %add3A_776 = arith.addf %scan3A_541, %get3A_775 : vector<16xf32>
      %get3A_777 = arith.index_cast %scan3A_494 : i32 to index
      %get3A_778 = arith.constant 752 : index
      %get3A_779 = tpu.vector_load %arg5[%get3A_777, %get3A_778] {strides = array<i32>} : memref<72x768xf32, #tpu.memory_space<vmem>>, vector<1x16xf32>,
      %get3A_780 = vector.shape_cast %get3A_779 : vector<1x16xf32> to vector<16xf32>
      %add3A_781 = arith.addf %scan3A_542, %get3A_780 : vector<16xf32>
      scf.yield %add3A_546, %add3A_551, %add3A_556, %add3A_561, %add3A_566, %add3A_571, %add3A_576, %add3A_581, %add3A_586, %add3A_591, %add3A_596, %add3A_601, %add3A_606, %add3A_611, %add3A_616, %add3A_621, %add3A_626, %add3A_631, %add3A_636, %add3A_641, %add3A_646, %add3A_651, %add3A_656, %add3A_661, %add3A_666, %add3A_671, %add3A_676, %add3A_681, %add3A_686, %add3A_691, %add3A_696, %add3A_701, %add3A_706, %add3A_711, %add3A_716, %add3A_721, %add3A_726, %add3A_731, %add3A_736, %add3A_741, %add3A_746, %add3A_751, %add3A_756, %add3A_761, %add3A_766, %add3A_771, %add3A_776, %add3A_781 : vector<16xf32>, vector<16xf32>, vector<16xf32>, vector<16xf32>, vector<16xf32>, vector<16xf32>, vector<16xf32>, vector<16xf32>, vector<16xf32>, vector<16xf32>, vector<16xf32>, vector<16xf32>, vector<16xf32>, vector<16xf32>, vector<16xf32>, vector<16xf32>, vector<16xf32>, vector<16xf32>, vector<16xf32>, vector<16xf32>, vector<16xf32>, vector<16xf32>, vector<16xf32>, vector<16xf32>, vector<16xf32>, vector<16xf32>, vector<16xf32>, vector<16xf32>, vector<16xf32>, vector<16xf32>, vector<16xf32>, vector<16xf32>, vector<16xf32>, vector<16xf32>, vector<16xf32>, vector<16xf32>, vector<16xf32>, vector<16xf32>, vector<16xf32>, vector<16xf32>, vector<16xf32>, vector<16xf32>, vector<16xf32>, vector<16xf32>, vector<16xf32>, vector<16xf32>, vector<16xf32>, vector<16xf32>
    }
    %scan3A_206 = arith.constant 72 : i32
    %swap3A = arith.constant 0 : i32
    %swap3A_207 = arith.index_cast %swap3A : i32 to index
    %swap3A_208 = arith.constant 0 : index
    %swap3A_209 = tpu.vector_load %arg6[%swap3A_207, %swap3A_208] {strides = array<i32>} : memref<8x128xf32, #tpu.memory_space<vmem>>, vector<1x16xf32>,
    %swap3A_210 = vector.shape_cast %swap3A_209 : vector<1x16xf32> to vector<16xf32>
    %swap3A_211 = vector.shape_cast %scan3A_205#0 : vector<16xf32> to vector<1x16xf32>
    tpu.vector_store %arg6[%swap3A_207, %swap3A_208], %swap3A_211 {strides = array<i32>} : memref<8x128xf32, #tpu.memory_space<vmem>>, vector<1x16xf32>,
    %swap3A_212 = arith.constant 0 : i32
    %swap3A_213 = arith.index_cast %swap3A_212 : i32 to index
    %swap3A_214 = arith.constant 16 : index
    %swap3A_215 = tpu.vector_load %arg6[%swap3A_213, %swap3A_214] {strides = array<i32>} : memref<8x128xf32, #tpu.memory_space<vmem>>, vector<1x16xf32>,
    %swap3A_216 = vector.shape_cast %swap3A_215 : vector<1x16xf32> to vector<16xf32>
    %swap3A_217 = vector.shape_cast %scan3A_205#1 : vector<16xf32> to vector<1x16xf32>
    tpu.vector_store %arg6[%swap3A_213, %swap3A_214], %swap3A_217 {strides = array<i32>} : memref<8x128xf32, #tpu.memory_space<vmem>>, vector<1x16xf32>,
    %swap3A_218 = arith.constant 0 : i32
    %swap3A_219 = arith.index_cast %swap3A_218 : i32 to index
    %swap3A_220 = arith.constant 32 : index
    %swap3A_221 = tpu.vector_load %arg6[%swap3A_219, %swap3A_220] {strides = array<i32>} : memref<8x128xf32, #tpu.memory_space<vmem>>, vector<1x16xf32>,
    %swap3A_222 = vector.shape_cast %swap3A_221 : vector<1x16xf32> to vector<16xf32>
    %swap3A_223 = vector.shape_cast %scan3A_205#2 : vector<16xf32> to vector<1x16xf32>
    tpu.vector_store %arg6[%swap3A_219, %swap3A_220], %swap3A_223 {strides = array<i32>} : memref<8x128xf32, #tpu.memory_space<vmem>>, vector<1x16xf32>,
    %swap3A_224 = arith.constant 0 : i32
    %swap3A_225 = arith.index_cast %swap3A_224 : i32 to index
    %swap3A_226 = arith.constant 48 : index
    %swap3A_227 = tpu.vector_load %arg6[%swap3A_225, %swap3A_226] {strides = array<i32>} : memref<8x128xf32, #tpu.memory_space<vmem>>, vector<1x16xf32>,
    %swap3A_228 = vector.shape_cast %swap3A_227 : vector<1x16xf32> to vector<16xf32>
    %swap3A_229 = vector.shape_cast %scan3A_205#3 : vector<16xf32> to vector<1x16xf32>
    tpu.vector_store %arg6[%swap3A_225, %swap3A_226], %swap3A_229 {strides = array<i32>} : memref<8x128xf32, #tpu.memory_space<vmem>>, vector<1x16xf32>,
    %swap3A_230 = arith.constant 0 : i32
    %swap3A_231 = arith.index_cast %swap3A_230 : i32 to index
    %swap3A_232 = arith.constant 64 : index
    %swap3A_233 = tpu.vector_load %arg6[%swap3A_231, %swap3A_232] {strides = array<i32>} : memref<8x128xf32, #tpu.memory_space<vmem>>, vector<1x16xf32>,
    %swap3A_234 = vector.shape_cast %swap3A_233 : vector<1x16xf32> to vector<16xf32>
    %swap3A_235 = vector.shape_cast %scan3A_205#4 : vector<16xf32> to vector<1x16xf32>
    tpu.vector_store %arg6[%swap3A_231, %swap3A_232], %swap3A_235 {strides = array<i32>} : memref<8x128xf32, #tpu.memory_space<vmem>>, vector<1x16xf32>,
    %swap3A_236 = arith.constant 0 : i32
    %swap3A_237 = arith.index_cast %swap3A_236 : i32 to index
    %swap3A_238 = arith.constant 80 : index
    %swap3A_239 = tpu.vector_load %arg6[%swap3A_237, %swap3A_238] {strides = array<i32>} : memref<8x128xf32, #tpu.memory_space<vmem>>, vector<1x16xf32>,
    %swap3A_240 = vector.shape_cast %swap3A_239 : vector<1x16xf32> to vector<16xf32>
    %swap3A_241 = vector.shape_cast %scan3A_205#5 : vector<16xf32> to vector<1x16xf32>
    tpu.vector_store %arg6[%swap3A_237, %swap3A_238], %swap3A_241 {strides = array<i32>} : memref<8x128xf32, #tpu.memory_space<vmem>>, vector<1x16xf32>,
    %swap3A_242 = arith.constant 0 : i32
    %swap3A_243 = arith.index_cast %swap3A_242 : i32 to index
    %swap3A_244 = arith.constant 96 : index
    %swap3A_245 = tpu.vector_load %arg6[%swap3A_243, %swap3A_244] {strides = array<i32>} : memref<8x128xf32, #tpu.memory_space<vmem>>, vector<1x16xf32>,
    %swap3A_246 = vector.shape_cast %swap3A_245 : vector<1x16xf32> to vector<16xf32>
    %swap3A_247 = vector.shape_cast %scan3A_205#6 : vector<16xf32> to vector<1x16xf32>
    tpu.vector_store %arg6[%swap3A_243, %swap3A_244], %swap3A_247 {strides = array<i32>} : memref<8x128xf32, #tpu.memory_space<vmem>>, vector<1x16xf32>,
    %swap3A_248 = arith.constant 0 : i32
    %swap3A_249 = arith.index_cast %swap3A_248 : i32 to index
    %swap3A_250 = arith.constant 112 : index
    %swap3A_251 = tpu.vector_load %arg6[%swap3A_249, %swap3A_250] {strides = array<i32>} : memref<8x128xf32, #tpu.memory_space<vmem>>, vector<1x16xf32>,
    %swap3A_252 = vector.shape_cast %swap3A_251 : vector<1x16xf32> to vector<16xf32>
    %swap3A_253 = vector.shape_cast %scan3A_205#7 : vector<16xf32> to vector<1x16xf32>
    tpu.vector_store %arg6[%swap3A_249, %swap3A_250], %swap3A_253 {strides = array<i32>} : memref<8x128xf32, #tpu.memory_space<vmem>>, vector<1x16xf32>,
    %swap3A_254 = arith.constant 1 : i32
    %swap3A_255 = arith.index_cast %swap3A_254 : i32 to index
    %swap3A_256 = arith.constant 0 : index
    %swap3A_257 = tpu.vector_load %arg6[%swap3A_255, %swap3A_256] {strides = array<i32>} : memref<8x128xf32, #tpu.memory_space<vmem>>, vector<1x16xf32>,
    %swap3A_258 = vector.shape_cast %swap3A_257 : vector<1x16xf32> to vector<16xf32>
    %swap3A_259 = vector.shape_cast %scan3A_205#8 : vector<16xf32> to vector<1x16xf32>
    tpu.vector_store %arg6[%swap3A_255, %swap3A_256], %swap3A_259 {strides = array<i32>} : memref<8x128xf32, #tpu.memory_space<vmem>>, vector<1x16xf32>,
    %swap3A_260 = arith.constant 1 : i32
    %swap3A_261 = arith.index_cast %swap3A_260 : i32 to index
    %swap3A_262 = arith.constant 16 : index
    %swap3A_263 = tpu.vector_load %arg6[%swap3A_261, %swap3A_262] {strides = array<i32>} : memref<8x128xf32, #tpu.memory_space<vmem>>, vector<1x16xf32>,
    %swap3A_264 = vector.shape_cast %swap3A_263 : vector<1x16xf32> to vector<16xf32>
    %swap3A_265 = vector.shape_cast %scan3A_205#9 : vector<16xf32> to vector<1x16xf32>
    tpu.vector_store %arg6[%swap3A_261, %swap3A_262], %swap3A_265 {strides = array<i32>} : memref<8x128xf32, #tpu.memory_space<vmem>>, vector<1x16xf32>,
    %swap3A_266 = arith.constant 1 : i32
    %swap3A_267 = arith.index_cast %swap3A_266 : i32 to index
    %swap3A_268 = arith.constant 32 : index
    %swap3A_269 = tpu.vector_load %arg6[%swap3A_267, %swap3A_268] {strides = array<i32>} : memref<8x128xf32, #tpu.memory_space<vmem>>, vector<1x16xf32>,
    %swap3A_270 = vector.shape_cast %swap3A_269 : vector<1x16xf32> to vector<16xf32>
    %swap3A_271 = vector.shape_cast %scan3A_205#10 : vector<16xf32> to vector<1x16xf32>
    tpu.vector_store %arg6[%swap3A_267, %swap3A_268], %swap3A_271 {strides = array<i32>} : memref<8x128xf32, #tpu.memory_space<vmem>>, vector<1x16xf32>,
    %swap3A_272 = arith.constant 1 : i32
    %swap3A_273 = arith.index_cast %swap3A_272 : i32 to index
    %swap3A_274 = arith.constant 48 : index
    %swap3A_275 = tpu.vector_load %arg6[%swap3A_273, %swap3A_274] {strides = array<i32>} : memref<8x128xf32, #tpu.memory_space<vmem>>, vector<1x16xf32>,
    %swap3A_276 = vector.shape_cast %swap3A_275 : vector<1x16xf32> to vector<16xf32>
    %swap3A_277 = vector.shape_cast %scan3A_205#11 : vector<16xf32> to vector<1x16xf32>
    tpu.vector_store %arg6[%swap3A_273, %swap3A_274], %swap3A_277 {strides = array<i32>} : memref<8x128xf32, #tpu.memory_space<vmem>>, vector<1x16xf32>,
    %swap3A_278 = arith.constant 1 : i32
    %swap3A_279 = arith.index_cast %swap3A_278 : i32 to index
    %swap3A_280 = arith.constant 64 : index
    %swap3A_281 = tpu.vector_load %arg6[%swap3A_279, %swap3A_280] {strides = array<i32>} : memref<8x128xf32, #tpu.memory_space<vmem>>, vector<1x16xf32>,
    %swap3A_282 = vector.shape_cast %swap3A_281 : vector<1x16xf32> to vector<16xf32>
    %swap3A_283 = vector.shape_cast %scan3A_205#12 : vector<16xf32> to vector<1x16xf32>
    tpu.vector_store %arg6[%swap3A_279, %swap3A_280], %swap3A_283 {strides = array<i32>} : memref<8x128xf32, #tpu.memory_space<vmem>>, vector<1x16xf32>,
    %swap3A_284 = arith.constant 1 : i32
    %swap3A_285 = arith.index_cast %swap3A_284 : i32 to index
    %swap3A_286 = arith.constant 80 : index
    %swap3A_287 = tpu.vector_load %arg6[%swap3A_285, %swap3A_286] {strides = array<i32>} : memref<8x128xf32, #tpu.memory_space<vmem>>, vector<1x16xf32>,
    %swap3A_288 = vector.shape_cast %swap3A_287 : vector<1x16xf32> to vector<16xf32>
    %swap3A_289 = vector.shape_cast %scan3A_205#13 : vector<16xf32> to vector<1x16xf32>
    tpu.vector_store %arg6[%swap3A_285, %swap3A_286], %swap3A_289 {strides = array<i32>} : memref<8x128xf32, #tpu.memory_space<vmem>>, vector<1x16xf32>,
    %swap3A_290 = arith.constant 1 : i32
    %swap3A_291 = arith.index_cast %swap3A_290 : i32 to index
    %swap3A_292 = arith.constant 96 : index
    %swap3A_293 = tpu.vector_load %arg6[%swap3A_291, %swap3A_292] {strides = array<i32>} : memref<8x128xf32, #tpu.memory_space<vmem>>, vector<1x16xf32>,
    %swap3A_294 = vector.shape_cast %swap3A_293 : vector<1x16xf32> to vector<16xf32>
    %swap3A_295 = vector.shape_cast %scan3A_205#14 : vector<16xf32> to vector<1x16xf32>
    tpu.vector_store %arg6[%swap3A_291, %swap3A_292], %swap3A_295 {strides = array<i32>} : memref<8x128xf32, #tpu.memory_space<vmem>>, vector<1x16xf32>,
    %swap3A_296 = arith.constant 1 : i32
    %swap3A_297 = arith.index_cast %swap3A_296 : i32 to index
    %swap3A_298 = arith.constant 112 : index
    %swap3A_299 = tpu.vector_load %arg6[%swap3A_297, %swap3A_298] {strides = array<i32>} : memref<8x128xf32, #tpu.memory_space<vmem>>, vector<1x16xf32>,
    %swap3A_300 = vector.shape_cast %swap3A_299 : vector<1x16xf32> to vector<16xf32>
    %swap3A_301 = vector.shape_cast %scan3A_205#15 : vector<16xf32> to vector<1x16xf32>
    tpu.vector_store %arg6[%swap3A_297, %swap3A_298], %swap3A_301 {strides = array<i32>} : memref<8x128xf32, #tpu.memory_space<vmem>>, vector<1x16xf32>,
    %swap3A_302 = arith.constant 2 : i32
    %swap3A_303 = arith.index_cast %swap3A_302 : i32 to index
    %swap3A_304 = arith.constant 0 : index
    %swap3A_305 = tpu.vector_load %arg6[%swap3A_303, %swap3A_304] {strides = array<i32>} : memref<8x128xf32, #tpu.memory_space<vmem>>, vector<1x16xf32>,
    %swap3A_306 = vector.shape_cast %swap3A_305 : vector<1x16xf32> to vector<16xf32>
    %swap3A_307 = vector.shape_cast %scan3A_205#16 : vector<16xf32> to vector<1x16xf32>
    tpu.vector_store %arg6[%swap3A_303, %swap3A_304], %swap3A_307 {strides = array<i32>} : memref<8x128xf32, #tpu.memory_space<vmem>>, vector<1x16xf32>,
    %swap3A_308 = arith.constant 2 : i32
    %swap3A_309 = arith.index_cast %swap3A_308 : i32 to index
    %swap3A_310 = arith.constant 16 : index
    %swap3A_311 = tpu.vector_load %arg6[%swap3A_309, %swap3A_310] {strides = array<i32>} : memref<8x128xf32, #tpu.memory_space<vmem>>, vector<1x16xf32>,
    %swap3A_312 = vector.shape_cast %swap3A_311 : vector<1x16xf32> to vector<16xf32>
    %swap3A_313 = vector.shape_cast %scan3A_205#17 : vector<16xf32> to vector<1x16xf32>
    tpu.vector_store %arg6[%swap3A_309, %swap3A_310], %swap3A_313 {strides = array<i32>} : memref<8x128xf32, #tpu.memory_space<vmem>>, vector<1x16xf32>,
    %swap3A_314 = arith.constant 2 : i32
    %swap3A_315 = arith.index_cast %swap3A_314 : i32 to index
    %swap3A_316 = arith.constant 32 : index
    %swap3A_317 = tpu.vector_load %arg6[%swap3A_315, %swap3A_316] {strides = array<i32>} : memref<8x128xf32, #tpu.memory_space<vmem>>, vector<1x16xf32>,
    %swap3A_318 = vector.shape_cast %swap3A_317 : vector<1x16xf32> to vector<16xf32>
    %swap3A_319 = vector.shape_cast %scan3A_205#18 : vector<16xf32> to vector<1x16xf32>
    tpu.vector_store %arg6[%swap3A_315, %swap3A_316], %swap3A_319 {strides = array<i32>} : memref<8x128xf32, #tpu.memory_space<vmem>>, vector<1x16xf32>,
    %swap3A_320 = arith.constant 2 : i32
    %swap3A_321 = arith.index_cast %swap3A_320 : i32 to index
    %swap3A_322 = arith.constant 48 : index
    %swap3A_323 = tpu.vector_load %arg6[%swap3A_321, %swap3A_322] {strides = array<i32>} : memref<8x128xf32, #tpu.memory_space<vmem>>, vector<1x16xf32>,
    %swap3A_324 = vector.shape_cast %swap3A_323 : vector<1x16xf32> to vector<16xf32>
    %swap3A_325 = vector.shape_cast %scan3A_205#19 : vector<16xf32> to vector<1x16xf32>
    tpu.vector_store %arg6[%swap3A_321, %swap3A_322], %swap3A_325 {strides = array<i32>} : memref<8x128xf32, #tpu.memory_space<vmem>>, vector<1x16xf32>,
    %swap3A_326 = arith.constant 2 : i32
    %swap3A_327 = arith.index_cast %swap3A_326 : i32 to index
    %swap3A_328 = arith.constant 64 : index
    %swap3A_329 = tpu.vector_load %arg6[%swap3A_327, %swap3A_328] {strides = array<i32>} : memref<8x128xf32, #tpu.memory_space<vmem>>, vector<1x16xf32>,
    %swap3A_330 = vector.shape_cast %swap3A_329 : vector<1x16xf32> to vector<16xf32>
    %swap3A_331 = vector.shape_cast %scan3A_205#20 : vector<16xf32> to vector<1x16xf32>
    tpu.vector_store %arg6[%swap3A_327, %swap3A_328], %swap3A_331 {strides = array<i32>} : memref<8x128xf32, #tpu.memory_space<vmem>>, vector<1x16xf32>,
    %swap3A_332 = arith.constant 2 : i32
    %swap3A_333 = arith.index_cast %swap3A_332 : i32 to index
    %swap3A_334 = arith.constant 80 : index
    %swap3A_335 = tpu.vector_load %arg6[%swap3A_333, %swap3A_334] {strides = array<i32>} : memref<8x128xf32, #tpu.memory_space<vmem>>, vector<1x16xf32>,
    %swap3A_336 = vector.shape_cast %swap3A_335 : vector<1x16xf32> to vector<16xf32>
    %swap3A_337 = vector.shape_cast %scan3A_205#21 : vector<16xf32> to vector<1x16xf32>
    tpu.vector_store %arg6[%swap3A_333, %swap3A_334], %swap3A_337 {strides = array<i32>} : memref<8x128xf32, #tpu.memory_space<vmem>>, vector<1x16xf32>,
    %swap3A_338 = arith.constant 2 : i32
    %swap3A_339 = arith.index_cast %swap3A_338 : i32 to index
    %swap3A_340 = arith.constant 96 : index
    %swap3A_341 = tpu.vector_load %arg6[%swap3A_339, %swap3A_340] {strides = array<i32>} : memref<8x128xf32, #tpu.memory_space<vmem>>, vector<1x16xf32>,
    %swap3A_342 = vector.shape_cast %swap3A_341 : vector<1x16xf32> to vector<16xf32>
    %swap3A_343 = vector.shape_cast %scan3A_205#22 : vector<16xf32> to vector<1x16xf32>
    tpu.vector_store %arg6[%swap3A_339, %swap3A_340], %swap3A_343 {strides = array<i32>} : memref<8x128xf32, #tpu.memory_space<vmem>>, vector<1x16xf32>,
    %swap3A_344 = arith.constant 2 : i32
    %swap3A_345 = arith.index_cast %swap3A_344 : i32 to index
    %swap3A_346 = arith.constant 112 : index
    %swap3A_347 = tpu.vector_load %arg6[%swap3A_345, %swap3A_346] {strides = array<i32>} : memref<8x128xf32, #tpu.memory_space<vmem>>, vector<1x16xf32>,
    %swap3A_348 = vector.shape_cast %swap3A_347 : vector<1x16xf32> to vector<16xf32>
    %swap3A_349 = vector.shape_cast %scan3A_205#23 : vector<16xf32> to vector<1x16xf32>
    tpu.vector_store %arg6[%swap3A_345, %swap3A_346], %swap3A_349 {strides = array<i32>} : memref<8x128xf32, #tpu.memory_space<vmem>>, vector<1x16xf32>,
    %swap3A_350 = arith.constant 3 : i32
    %swap3A_351 = arith.index_cast %swap3A_350 : i32 to index
    %swap3A_352 = arith.constant 0 : index
    %swap3A_353 = tpu.vector_load %arg6[%swap3A_351, %swap3A_352] {strides = array<i32>} : memref<8x128xf32, #tpu.memory_space<vmem>>, vector<1x16xf32>,
    %swap3A_354 = vector.shape_cast %swap3A_353 : vector<1x16xf32> to vector<16xf32>
    %swap3A_355 = vector.shape_cast %scan3A_205#24 : vector<16xf32> to vector<1x16xf32>
    tpu.vector_store %arg6[%swap3A_351, %swap3A_352], %swap3A_355 {strides = array<i32>} : memref<8x128xf32, #tpu.memory_space<vmem>>, vector<1x16xf32>,
    %swap3A_356 = arith.constant 3 : i32
    %swap3A_357 = arith.index_cast %swap3A_356 : i32 to index
    %swap3A_358 = arith.constant 16 : index
    %swap3A_359 = tpu.vector_load %arg6[%swap3A_357, %swap3A_358] {strides = array<i32>} : memref<8x128xf32, #tpu.memory_space<vmem>>, vector<1x16xf32>,
    %swap3A_360 = vector.shape_cast %swap3A_359 : vector<1x16xf32> to vector<16xf32>
    %swap3A_361 = vector.shape_cast %scan3A_205#25 : vector<16xf32> to vector<1x16xf32>
    tpu.vector_store %arg6[%swap3A_357, %swap3A_358], %swap3A_361 {strides = array<i32>} : memref<8x128xf32, #tpu.memory_space<vmem>>, vector<1x16xf32>,
    %swap3A_362 = arith.constant 3 : i32
    %swap3A_363 = arith.index_cast %swap3A_362 : i32 to index
    %swap3A_364 = arith.constant 32 : index
    %swap3A_365 = tpu.vector_load %arg6[%swap3A_363, %swap3A_364] {strides = array<i32>} : memref<8x128xf32, #tpu.memory_space<vmem>>, vector<1x16xf32>,
    %swap3A_366 = vector.shape_cast %swap3A_365 : vector<1x16xf32> to vector<16xf32>
    %swap3A_367 = vector.shape_cast %scan3A_205#26 : vector<16xf32> to vector<1x16xf32>
    tpu.vector_store %arg6[%swap3A_363, %swap3A_364], %swap3A_367 {strides = array<i32>} : memref<8x128xf32, #tpu.memory_space<vmem>>, vector<1x16xf32>,
    %swap3A_368 = arith.constant 3 : i32
    %swap3A_369 = arith.index_cast %swap3A_368 : i32 to index
    %swap3A_370 = arith.constant 48 : index
    %swap3A_371 = tpu.vector_load %arg6[%swap3A_369, %swap3A_370] {strides = array<i32>} : memref<8x128xf32, #tpu.memory_space<vmem>>, vector<1x16xf32>,
    %swap3A_372 = vector.shape_cast %swap3A_371 : vector<1x16xf32> to vector<16xf32>
    %swap3A_373 = vector.shape_cast %scan3A_205#27 : vector<16xf32> to vector<1x16xf32>
    tpu.vector_store %arg6[%swap3A_369, %swap3A_370], %swap3A_373 {strides = array<i32>} : memref<8x128xf32, #tpu.memory_space<vmem>>, vector<1x16xf32>,
    %swap3A_374 = arith.constant 3 : i32
    %swap3A_375 = arith.index_cast %swap3A_374 : i32 to index
    %swap3A_376 = arith.constant 64 : index
    %swap3A_377 = tpu.vector_load %arg6[%swap3A_375, %swap3A_376] {strides = array<i32>} : memref<8x128xf32, #tpu.memory_space<vmem>>, vector<1x16xf32>,
    %swap3A_378 = vector.shape_cast %swap3A_377 : vector<1x16xf32> to vector<16xf32>
    %swap3A_379 = vector.shape_cast %scan3A_205#28 : vector<16xf32> to vector<1x16xf32>
    tpu.vector_store %arg6[%swap3A_375, %swap3A_376], %swap3A_379 {strides = array<i32>} : memref<8x128xf32, #tpu.memory_space<vmem>>, vector<1x16xf32>,
    %swap3A_380 = arith.constant 3 : i32
    %swap3A_381 = arith.index_cast %swap3A_380 : i32 to index
    %swap3A_382 = arith.constant 80 : index
    %swap3A_383 = tpu.vector_load %arg6[%swap3A_381, %swap3A_382] {strides = array<i32>} : memref<8x128xf32, #tpu.memory_space<vmem>>, vector<1x16xf32>,
    %swap3A_384 = vector.shape_cast %swap3A_383 : vector<1x16xf32> to vector<16xf32>
    %swap3A_385 = vector.shape_cast %scan3A_205#29 : vector<16xf32> to vector<1x16xf32>
    tpu.vector_store %arg6[%swap3A_381, %swap3A_382], %swap3A_385 {strides = array<i32>} : memref<8x128xf32, #tpu.memory_space<vmem>>, vector<1x16xf32>,
    %swap3A_386 = arith.constant 3 : i32
    %swap3A_387 = arith.index_cast %swap3A_386 : i32 to index
    %swap3A_388 = arith.constant 96 : index
    %swap3A_389 = tpu.vector_load %arg6[%swap3A_387, %swap3A_388] {strides = array<i32>} : memref<8x128xf32, #tpu.memory_space<vmem>>, vector<1x16xf32>,
    %swap3A_390 = vector.shape_cast %swap3A_389 : vector<1x16xf32> to vector<16xf32>
    %swap3A_391 = vector.shape_cast %scan3A_205#30 : vector<16xf32> to vector<1x16xf32>
    tpu.vector_store %arg6[%swap3A_387, %swap3A_388], %swap3A_391 {strides = array<i32>} : memref<8x128xf32, #tpu.memory_space<vmem>>, vector<1x16xf32>,
    %swap3A_392 = arith.constant 3 : i32
    %swap3A_393 = arith.index_cast %swap3A_392 : i32 to index
    %swap3A_394 = arith.constant 112 : index
    %swap3A_395 = tpu.vector_load %arg6[%swap3A_393, %swap3A_394] {strides = array<i32>} : memref<8x128xf32, #tpu.memory_space<vmem>>, vector<1x16xf32>,
    %swap3A_396 = vector.shape_cast %swap3A_395 : vector<1x16xf32> to vector<16xf32>
    %swap3A_397 = vector.shape_cast %scan3A_205#31 : vector<16xf32> to vector<1x16xf32>
    tpu.vector_store %arg6[%swap3A_393, %swap3A_394], %swap3A_397 {strides = array<i32>} : memref<8x128xf32, #tpu.memory_space<vmem>>, vector<1x16xf32>,
    %swap3A_398 = arith.constant 4 : i32
    %swap3A_399 = arith.index_cast %swap3A_398 : i32 to index
    %swap3A_400 = arith.constant 0 : index
    %swap3A_401 = tpu.vector_load %arg6[%swap3A_399, %swap3A_400] {strides = array<i32>} : memref<8x128xf32, #tpu.memory_space<vmem>>, vector<1x16xf32>,
    %swap3A_402 = vector.shape_cast %swap3A_401 : vector<1x16xf32> to vector<16xf32>
    %swap3A_403 = vector.shape_cast %scan3A_205#32 : vector<16xf32> to vector<1x16xf32>
    tpu.vector_store %arg6[%swap3A_399, %swap3A_400], %swap3A_403 {strides = array<i32>} : memref<8x128xf32, #tpu.memory_space<vmem>>, vector<1x16xf32>,
    %swap3A_404 = arith.constant 4 : i32
    %swap3A_405 = arith.index_cast %swap3A_404 : i32 to index
    %swap3A_406 = arith.constant 16 : index
    %swap3A_407 = tpu.vector_load %arg6[%swap3A_405, %swap3A_406] {strides = array<i32>} : memref<8x128xf32, #tpu.memory_space<vmem>>, vector<1x16xf32>,
    %swap3A_408 = vector.shape_cast %swap3A_407 : vector<1x16xf32> to vector<16xf32>
    %swap3A_409 = vector.shape_cast %scan3A_205#33 : vector<16xf32> to vector<1x16xf32>
    tpu.vector_store %arg6[%swap3A_405, %swap3A_406], %swap3A_409 {strides = array<i32>} : memref<8x128xf32, #tpu.memory_space<vmem>>, vector<1x16xf32>,
    %swap3A_410 = arith.constant 4 : i32
    %swap3A_411 = arith.index_cast %swap3A_410 : i32 to index
    %swap3A_412 = arith.constant 32 : index
    %swap3A_413 = tpu.vector_load %arg6[%swap3A_411, %swap3A_412] {strides = array<i32>} : memref<8x128xf32, #tpu.memory_space<vmem>>, vector<1x16xf32>,
    %swap3A_414 = vector.shape_cast %swap3A_413 : vector<1x16xf32> to vector<16xf32>
    %swap3A_415 = vector.shape_cast %scan3A_205#34 : vector<16xf32> to vector<1x16xf32>
    tpu.vector_store %arg6[%swap3A_411, %swap3A_412], %swap3A_415 {strides = array<i32>} : memref<8x128xf32, #tpu.memory_space<vmem>>, vector<1x16xf32>,
    %swap3A_416 = arith.constant 4 : i32
    %swap3A_417 = arith.index_cast %swap3A_416 : i32 to index
    %swap3A_418 = arith.constant 48 : index
    %swap3A_419 = tpu.vector_load %arg6[%swap3A_417, %swap3A_418] {strides = array<i32>} : memref<8x128xf32, #tpu.memory_space<vmem>>, vector<1x16xf32>,
    %swap3A_420 = vector.shape_cast %swap3A_419 : vector<1x16xf32> to vector<16xf32>
    %swap3A_421 = vector.shape_cast %scan3A_205#35 : vector<16xf32> to vector<1x16xf32>
    tpu.vector_store %arg6[%swap3A_417, %swap3A_418], %swap3A_421 {strides = array<i32>} : memref<8x128xf32, #tpu.memory_space<vmem>>, vector<1x16xf32>,
    %swap3A_422 = arith.constant 4 : i32
    %swap3A_423 = arith.index_cast %swap3A_422 : i32 to index
    %swap3A_424 = arith.constant 64 : index
    %swap3A_425 = tpu.vector_load %arg6[%swap3A_423, %swap3A_424] {strides = array<i32>} : memref<8x128xf32, #tpu.memory_space<vmem>>, vector<1x16xf32>,
    %swap3A_426 = vector.shape_cast %swap3A_425 : vector<1x16xf32> to vector<16xf32>
    %swap3A_427 = vector.shape_cast %scan3A_205#36 : vector<16xf32> to vector<1x16xf32>
    tpu.vector_store %arg6[%swap3A_423, %swap3A_424], %swap3A_427 {strides = array<i32>} : memref<8x128xf32, #tpu.memory_space<vmem>>, vector<1x16xf32>,
    %swap3A_428 = arith.constant 4 : i32
    %swap3A_429 = arith.index_cast %swap3A_428 : i32 to index
    %swap3A_430 = arith.constant 80 : index
    %swap3A_431 = tpu.vector_load %arg6[%swap3A_429, %swap3A_430] {strides = array<i32>} : memref<8x128xf32, #tpu.memory_space<vmem>>, vector<1x16xf32>,
    %swap3A_432 = vector.shape_cast %swap3A_431 : vector<1x16xf32> to vector<16xf32>
    %swap3A_433 = vector.shape_cast %scan3A_205#37 : vector<16xf32> to vector<1x16xf32>
    tpu.vector_store %arg6[%swap3A_429, %swap3A_430], %swap3A_433 {strides = array<i32>} : memref<8x128xf32, #tpu.memory_space<vmem>>, vector<1x16xf32>,
    %swap3A_434 = arith.constant 4 : i32
    %swap3A_435 = arith.index_cast %swap3A_434 : i32 to index
    %swap3A_436 = arith.constant 96 : index
    %swap3A_437 = tpu.vector_load %arg6[%swap3A_435, %swap3A_436] {strides = array<i32>} : memref<8x128xf32, #tpu.memory_space<vmem>>, vector<1x16xf32>,
    %swap3A_438 = vector.shape_cast %swap3A_437 : vector<1x16xf32> to vector<16xf32>
    %swap3A_439 = vector.shape_cast %scan3A_205#38 : vector<16xf32> to vector<1x16xf32>
    tpu.vector_store %arg6[%swap3A_435, %swap3A_436], %swap3A_439 {strides = array<i32>} : memref<8x128xf32, #tpu.memory_space<vmem>>, vector<1x16xf32>,
    %swap3A_440 = arith.constant 4 : i32
    %swap3A_441 = arith.index_cast %swap3A_440 : i32 to index
    %swap3A_442 = arith.constant 112 : index
    %swap3A_443 = tpu.vector_load %arg6[%swap3A_441, %swap3A_442] {strides = array<i32>} : memref<8x128xf32, #tpu.memory_space<vmem>>, vector<1x16xf32>,
    %swap3A_444 = vector.shape_cast %swap3A_443 : vector<1x16xf32> to vector<16xf32>
    %swap3A_445 = vector.shape_cast %scan3A_205#39 : vector<16xf32> to vector<1x16xf32>
    tpu.vector_store %arg6[%swap3A_441, %swap3A_442], %swap3A_445 {strides = array<i32>} : memref<8x128xf32, #tpu.memory_space<vmem>>, vector<1x16xf32>,
    %swap3A_446 = arith.constant 5 : i32
    %swap3A_447 = arith.index_cast %swap3A_446 : i32 to index
    %swap3A_448 = arith.constant 0 : index
    %swap3A_449 = tpu.vector_load %arg6[%swap3A_447, %swap3A_448] {strides = array<i32>} : memref<8x128xf32, #tpu.memory_space<vmem>>, vector<1x16xf32>,
    %swap3A_450 = vector.shape_cast %swap3A_449 : vector<1x16xf32> to vector<16xf32>
    %swap3A_451 = vector.shape_cast %scan3A_205#40 : vector<16xf32> to vector<1x16xf32>
    tpu.vector_store %arg6[%swap3A_447, %swap3A_448], %swap3A_451 {strides = array<i32>} : memref<8x128xf32, #tpu.memory_space<vmem>>, vector<1x16xf32>,
    %swap3A_452 = arith.constant 5 : i32
    %swap3A_453 = arith.index_cast %swap3A_452 : i32 to index
    %swap3A_454 = arith.constant 16 : index
    %swap3A_455 = tpu.vector_load %arg6[%swap3A_453, %swap3A_454] {strides = array<i32>} : memref<8x128xf32, #tpu.memory_space<vmem>>, vector<1x16xf32>,
    %swap3A_456 = vector.shape_cast %swap3A_455 : vector<1x16xf32> to vector<16xf32>
    %swap3A_457 = vector.shape_cast %scan3A_205#41 : vector<16xf32> to vector<1x16xf32>
    tpu.vector_store %arg6[%swap3A_453, %swap3A_454], %swap3A_457 {strides = array<i32>} : memref<8x128xf32, #tpu.memory_space<vmem>>, vector<1x16xf32>,
    %swap3A_458 = arith.constant 5 : i32
    %swap3A_459 = arith.index_cast %swap3A_458 : i32 to index
    %swap3A_460 = arith.constant 32 : index
    %swap3A_461 = tpu.vector_load %arg6[%swap3A_459, %swap3A_460] {strides = array<i32>} : memref<8x128xf32, #tpu.memory_space<vmem>>, vector<1x16xf32>,
    %swap3A_462 = vector.shape_cast %swap3A_461 : vector<1x16xf32> to vector<16xf32>
    %swap3A_463 = vector.shape_cast %scan3A_205#42 : vector<16xf32> to vector<1x16xf32>
    tpu.vector_store %arg6[%swap3A_459, %swap3A_460], %swap3A_463 {strides = array<i32>} : memref<8x128xf32, #tpu.memory_space<vmem>>, vector<1x16xf32>,
    %swap3A_464 = arith.constant 5 : i32
    %swap3A_465 = arith.index_cast %swap3A_464 : i32 to index
    %swap3A_466 = arith.constant 48 : index
    %swap3A_467 = tpu.vector_load %arg6[%swap3A_465, %swap3A_466] {strides = array<i32>} : memref<8x128xf32, #tpu.memory_space<vmem>>, vector<1x16xf32>,
    %swap3A_468 = vector.shape_cast %swap3A_467 : vector<1x16xf32> to vector<16xf32>
    %swap3A_469 = vector.shape_cast %scan3A_205#43 : vector<16xf32> to vector<1x16xf32>
    tpu.vector_store %arg6[%swap3A_465, %swap3A_466], %swap3A_469 {strides = array<i32>} : memref<8x128xf32, #tpu.memory_space<vmem>>, vector<1x16xf32>,
    %swap3A_470 = arith.constant 5 : i32
    %swap3A_471 = arith.index_cast %swap3A_470 : i32 to index
    %swap3A_472 = arith.constant 64 : index
    %swap3A_473 = tpu.vector_load %arg6[%swap3A_471, %swap3A_472] {strides = array<i32>} : memref<8x128xf32, #tpu.memory_space<vmem>>, vector<1x16xf32>,
    %swap3A_474 = vector.shape_cast %swap3A_473 : vector<1x16xf32> to vector<16xf32>
    %swap3A_475 = vector.shape_cast %scan3A_205#44 : vector<16xf32> to vector<1x16xf32>
    tpu.vector_store %arg6[%swap3A_471, %swap3A_472], %swap3A_475 {strides = array<i32>} : memref<8x128xf32, #tpu.memory_space<vmem>>, vector<1x16xf32>,
    %swap3A_476 = arith.constant 5 : i32
    %swap3A_477 = arith.index_cast %swap3A_476 : i32 to index
    %swap3A_478 = arith.constant 80 : index
    %swap3A_479 = tpu.vector_load %arg6[%swap3A_477, %swap3A_478] {strides = array<i32>} : memref<8x128xf32, #tpu.memory_space<vmem>>, vector<1x16xf32>,
    %swap3A_480 = vector.shape_cast %swap3A_479 : vector<1x16xf32> to vector<16xf32>
    %swap3A_481 = vector.shape_cast %scan3A_205#45 : vector<16xf32> to vector<1x16xf32>
    tpu.vector_store %arg6[%swap3A_477, %swap3A_478], %swap3A_481 {strides = array<i32>} : memref<8x128xf32, #tpu.memory_space<vmem>>, vector<1x16xf32>,
    %swap3A_482 = arith.constant 5 : i32
    %swap3A_483 = arith.index_cast %swap3A_482 : i32 to index
    %swap3A_484 = arith.constant 96 : index
    %swap3A_485 = tpu.vector_load %arg6[%swap3A_483, %swap3A_484] {strides = array<i32>} : memref<8x128xf32, #tpu.memory_space<vmem>>, vector<1x16xf32>,
    %swap3A_486 = vector.shape_cast %swap3A_485 : vector<1x16xf32> to vector<16xf32>
    %swap3A_487 = vector.shape_cast %scan3A_205#46 : vector<16xf32> to vector<1x16xf32>
    tpu.vector_store %arg6[%swap3A_483, %swap3A_484], %swap3A_487 {strides = array<i32>} : memref<8x128xf32, #tpu.memory_space<vmem>>, vector<1x16xf32>,
    %swap3A_488 = arith.constant 5 : i32
    %swap3A_489 = arith.index_cast %swap3A_488 : i32 to index
    %swap3A_490 = arith.constant 112 : index
    %swap3A_491 = tpu.vector_load %arg6[%swap3A_489, %swap3A_490] {strides = array<i32>} : memref<8x128xf32, #tpu.memory_space<vmem>>, vector<1x16xf32>,
    %swap3A_492 = vector.shape_cast %swap3A_491 : vector<1x16xf32> to vector<16xf32>
    %swap3A_493 = vector.shape_cast %scan3A_205#47 : vector<16xf32> to vector<1x16xf32>
    tpu.vector_store %arg6[%swap3A_489, %swap3A_490], %swap3A_493 {strides = array<i32>} : memref<8x128xf32, #tpu.memory_space<vmem>>, vector<1x16xf32>,
    "tpu.region"() ({
      %run_scoped3A = tpu.sem_alloc : memref<!tpu.dma_semaphore, #tpu.memory_space<semaphore_mem>>
      %dma_start3A_494 = arith.constant 0 : i32
      %dma_start3A_495 = arith.constant 0 : i32
      %dma_start3A_496 = tpu.memref_slice %arg3[%add3A, %dma_start3A_494, %dma_start3A_495] : memref<32x8x128xf32, #tpu.memory_space<hbm>> -> memref<1x8x128xf32, #tpu.memory_space<hbm>>
      %dma_start3A_497 = tpu.memref_squeeze %dma_start3A_496 : memref<1x8x128xf32, #tpu.memory_space<hbm>> -> memref<8x128xf32, #tpu.memory_space<hbm>>
      %dma_start3A_498 = arith.constant 0 : i32
      %dma_start3A_499 = arith.constant 0 : i32
      %dma_start3A_500 = tpu.memref_slice %arg3[%add3A, %dma_start3A_498, %dma_start3A_499] : memref<32x8x128xf32, #tpu.memory_space<hbm>> -> memref<1x8x128xf32, #tpu.memory_space<hbm>>
      %dma_start3A_501 = tpu.memref_squeeze %dma_start3A_500 : memref<1x8x128xf32, #tpu.memory_space<hbm>> -> memref<8x128xf32, #tpu.memory_space<hbm>>
      tpu.enqueue_dma source(%arg6 : memref<8x128xf32, #tpu.memory_space<vmem>>) target(%dma_start3A_501 : memref<8x128xf32, #tpu.memory_space<hbm>>) target_semaphore(%run_scoped3A : memref<!tpu.dma_semaphore, #tpu.memory_space<semaphore_mem>>)
      %dma_wait3A_502 = arith.constant 0 : i32
      %dma_wait3A_503 = arith.constant 0 : i32
      %dma_wait3A_504 = tpu.memref_slice %arg3[%add3A, %dma_wait3A_502, %dma_wait3A_503] : memref<32x8x128xf32, #tpu.memory_space<hbm>> -> memref<1x8x128xf32, #tpu.memory_space<hbm>>
      %dma_wait3A_505 = tpu.memref_squeeze %dma_wait3A_504 : memref<1x8x128xf32, #tpu.memory_space<hbm>> -> memref<8x128xf32, #tpu.memory_space<hbm>>
      %dma_wait3A_506 = arith.constant 0 : i32
      %dma_wait3A_507 = arith.constant 0 : i32
      %dma_wait3A_508 = tpu.memref_slice %arg3[%add3A, %dma_wait3A_506, %dma_wait3A_507] : memref<32x8x128xf32, #tpu.memory_space<hbm>> -> memref<1x8x128xf32, #tpu.memory_space<hbm>>
      %dma_wait3A_509 = tpu.memref_squeeze %dma_wait3A_508 : memref<1x8x128xf32, #tpu.memory_space<hbm>> -> memref<8x128xf32, #tpu.memory_space<hbm>>
      tpu.wait_dma2 semaphore(%run_scoped3A : memref<!tpu.dma_semaphore, #tpu.memory_space<semaphore_mem>>) src(%arg6 : memref<8x128xf32, #tpu.memory_space<vmem>>) dst(%dma_wait3A_509 : memref<8x128xf32, #tpu.memory_space<hbm>>)
      tpu.yield
    }) : () -> ()
    return
  }
}

module attributes {stable_mosaic.version = 14 : i64} {
  func.func @_tc_pool_kernel(%arg0: i32, %arg1: memref<8x576x768xf32, #tpu.memory_space<vmem>>, %arg2: memref<8x768xf32, #tpu.memory_space<vmem>>) attributes {dimension_semantics = [#tpu.dimension_semantics<arbitrary>], iteration_bounds = array<i64: 6>, scalar_prefetch = 0 : i64, scratch_operands = 0 : i64, tpu.core_type = #tpu.core_type<tc>, window_params = [{transform_indices = @transform_0, window_bounds = array<i64: 8, 576, 768>}, {transform_indices = @transform_1, window_bounds = array<i64: 8, 768>}]} {
    %get3A = arith.constant 0 : index
    %get3A_0 = arith.constant 0 : index
    %get3A_1 = arith.constant 0 : index
    %get3A_2 = vector.load %arg1[%get3A, %get3A_0, %get3A_1] : memref<8x576x768xf32, #tpu.memory_space<vmem>>, vector<8x576x768xf32>
    %reduce_sum3A = arith.constant dense<0.000000e+00> : vector<8x768xf32>
    %reduce_sum3A_3 = vector.multi_reduction <add>, %get3A_2, %reduce_sum3A [1] : vector<8x576x768xf32> to vector<8x768xf32>
    %swap3A = arith.constant 0 : index
    %swap3A_4 = arith.constant 0 : index
    %swap3A_5 = vector.load %arg2[%swap3A, %swap3A_4] : memref<8x768xf32, #tpu.memory_space<vmem>>, vector<8x768xf32>
    tpu.vector_store %arg2[%swap3A, %swap3A_4], %reduce_sum3A_3 {strides = array<i32>} : memref<8x768xf32, #tpu.memory_space<vmem>>, vector<8x768xf32>,
    return
  }
  func.func @transform_0(%arg0: i32) -> (i32, i32, i32) {
    %c0_i32 = arith.constant 0 : i32
    %c0_i32_0 = arith.constant 0 : i32
    %c0_i32_1 = arith.constant 0 : i32
    return %arg0, %c0_i32, %c0_i32_0 : i32, i32, i32
  }
  func.func @transform_1(%arg0: i32) -> (i32, i32) {
    %c0_i32 = arith.constant 0 : i32
    %c0_i32_0 = arith.constant 0 : i32
    return %arg0, %c0_i32 : i32, i32
  }
}

module attributes {stable_mosaic.version = 14 : i64} {
  func.func @_finish_kernel(%arg0: memref<48x768xf32, #tpu.memory_space<vmem>>, %arg1: memref<16x2x8x128xf32, #tpu.memory_space<vmem>>, %arg2: memref<64x256xf32, #tpu.memory_space<vmem>>, %arg3: memref<16x768xf32, #tpu.memory_space<vmem>>, %arg4: memref<16x6x128xf32, #tpu.memory_space<vmem>>, %arg5: memref<16x256xf32, #tpu.memory_space<vmem>>, %arg6: memref<64x16xf32, #tpu.memory_space<vmem>>, %arg7: memref<64x16xf32, #tpu.memory_space<vmem>>, %arg8: memref<64x2xi32, #tpu.memory_space<vmem>>, %arg9: memref<64x2xf32, #tpu.memory_space<vmem>>) attributes {dimension_semantics = [], scalar_prefetch = 0 : i64, scratch_operands = 0 : i64, tpu.core_type = #tpu.core_type<tc>} {
    %get3A = arith.constant 0 : index
    %get3A_0 = arith.constant 0 : index
    %get3A_1 = vector.load %arg0[%get3A, %get3A_0] : memref<48x768xf32, #tpu.memory_space<vmem>>, vector<48x768xf32>
    %mul3A = arith.constant 0.00173611112 : f32
    %mul3A_2 = vector.broadcast %mul3A : f32 to vector<48x768xf32>
    %mul3A_3 = arith.mulf %get3A_1, %mul3A_2 : vector<48x768xf32>
    %get3A_4 = arith.constant 0 : index
    %get3A_5 = arith.constant 0 : index
    %get3A_6 = vector.load %arg3[%get3A_4, %get3A_5] : memref<16x768xf32, #tpu.memory_space<vmem>>, vector<16x768xf32>
    %dot_general3A = arith.constant dense<0.000000e+00> : vector<48x16xf32>
    %dot_general3A_7 = tpu.matmul %mul3A_3, %get3A_6, %dot_general3A {dimension_numbers = #tpu.dot_dimension_numbers<[1], [1], [0], [0], [0, 0, 1, 0], [], []>, transpose_lhs_hint = false} : vector<48x768xf32>, vector<16x768xf32>, vector<48x16xf32> -> vector<48x16xf32>
    %get3A_8 = arith.constant 0 : index
    %get3A_9 = arith.constant 0 : index
    %get3A_10 = arith.constant 0 : index
    %get3A_11 = arith.constant 0 : index
    %get3A_12 = vector.load %arg1[%get3A_8, %get3A_9, %get3A_10, %get3A_11] : memref<16x2x8x128xf32, #tpu.memory_space<vmem>>, vector<16x2x8x128xf32>
    %slice3A = vector.extract_strided_slice %get3A_12 {offsets = [0, 0, 0, 0], sizes = [16, 1, 8, 128], strides = [1, 1, 1, 1]} : vector<16x2x8x128xf32> to vector<16x1x8x128xf32>
    %squeeze3A = vector.shape_cast %slice3A : vector<16x1x8x128xf32> to vector<16x8x128xf32>
    %slice3A_13 = vector.extract_strided_slice %get3A_12 {offsets = [0, 1, 0, 0], sizes = [16, 1, 8, 128], strides = [1, 1, 1, 1]} : vector<16x2x8x128xf32> to vector<16x1x8x128xf32>
    %squeeze3A_14 = vector.shape_cast %slice3A_13 : vector<16x1x8x128xf32> to vector<16x8x128xf32>
    %add3A = arith.addf %squeeze3A, %squeeze3A_14 : vector<16x8x128xf32>
    %mul3A_15 = arith.constant 0.00173611112 : f32
    %mul3A_16 = vector.broadcast %mul3A_15 : f32 to vector<16x8x128xf32>
    %mul3A_17 = arith.mulf %add3A, %mul3A_16 : vector<16x8x128xf32>
    %broadcast_in_dim3A = arith.constant 0.000000e+00 : f32
    %broadcast_in_dim3A_18 = vector.broadcast %broadcast_in_dim3A : f32 to vector<16x16xf32>
    %slice3A_19 = vector.extract_strided_slice %mul3A_17 {offsets = [0, 0, 0], sizes = [16, 1, 128], strides = [1, 1, 1]} : vector<16x8x128xf32> to vector<16x1x128xf32>
    %squeeze3A_20 = vector.shape_cast %slice3A_19 : vector<16x1x128xf32> to vector<16x128xf32>
    %get3A_21 = arith.constant 0 : index
    %get3A_22 = arith.constant 0 : index
    %get3A_23 = arith.constant 0 : index
    %get3A_24 = vector.load %arg4[%get3A_21, %get3A_22, %get3A_23] : memref<16x6x128xf32, #tpu.memory_space<vmem>>, vector<16x1x128xf32>
    %get3A_25 = vector.shape_cast %get3A_24 : vector<16x1x128xf32> to vector<16x128xf32>
    %dot_general3A_26 = arith.constant dense<0.000000e+00> : vector<16x16xf32>
    %dot_general3A_27 = tpu.matmul %squeeze3A_20, %get3A_25, %dot_general3A_26 {dimension_numbers = #tpu.dot_dimension_numbers<[1], [1], [0], [0], [0, 0, 1, 0], [], []>, transpose_lhs_hint = false} : vector<16x128xf32>, vector<16x128xf32>, vector<16x16xf32> -> vector<16x16xf32>
    %add3A_28 = arith.addf %broadcast_in_dim3A_18, %dot_general3A_27 : vector<16x16xf32>
    %slice3A_29 = vector.extract_strided_slice %mul3A_17 {offsets = [0, 1, 0], sizes = [16, 1, 128], strides = [1, 1, 1]} : vector<16x8x128xf32> to vector<16x1x128xf32>
    %squeeze3A_30 = vector.shape_cast %slice3A_29 : vector<16x1x128xf32> to vector<16x128xf32>
    %get3A_31 = arith.constant 0 : index
    %get3A_32 = arith.constant 1 : index
    %get3A_33 = arith.constant 0 : index
    %get3A_34 = vector.load %arg4[%get3A_31, %get3A_32, %get3A_33] : memref<16x6x128xf32, #tpu.memory_space<vmem>>, vector<16x1x128xf32>
    %get3A_35 = vector.shape_cast %get3A_34 : vector<16x1x128xf32> to vector<16x128xf32>
    %dot_general3A_36 = arith.constant dense<0.000000e+00> : vector<16x16xf32>
    %dot_general3A_37 = tpu.matmul %squeeze3A_30, %get3A_35, %dot_general3A_36 {dimension_numbers = #tpu.dot_dimension_numbers<[1], [1], [0], [0], [0, 0, 1, 0], [], []>, transpose_lhs_hint = false} : vector<16x128xf32>, vector<16x128xf32>, vector<16x16xf32> -> vector<16x16xf32>
    %add3A_38 = arith.addf %add3A_28, %dot_general3A_37 : vector<16x16xf32>
    %slice3A_39 = vector.extract_strided_slice %mul3A_17 {offsets = [0, 2, 0], sizes = [16, 1, 128], strides = [1, 1, 1]} : vector<16x8x128xf32> to vector<16x1x128xf32>
    %squeeze3A_40 = vector.shape_cast %slice3A_39 : vector<16x1x128xf32> to vector<16x128xf32>
    %get3A_41 = arith.constant 0 : index
    %get3A_42 = arith.constant 2 : index
    %get3A_43 = arith.constant 0 : index
    %get3A_44 = vector.load %arg4[%get3A_41, %get3A_42, %get3A_43] : memref<16x6x128xf32, #tpu.memory_space<vmem>>, vector<16x1x128xf32>
    %get3A_45 = vector.shape_cast %get3A_44 : vector<16x1x128xf32> to vector<16x128xf32>
    %dot_general3A_46 = arith.constant dense<0.000000e+00> : vector<16x16xf32>
    %dot_general3A_47 = tpu.matmul %squeeze3A_40, %get3A_45, %dot_general3A_46 {dimension_numbers = #tpu.dot_dimension_numbers<[1], [1], [0], [0], [0, 0, 1, 0], [], []>, transpose_lhs_hint = false} : vector<16x128xf32>, vector<16x128xf32>, vector<16x16xf32> -> vector<16x16xf32>
    %add3A_48 = arith.addf %add3A_38, %dot_general3A_47 : vector<16x16xf32>
    %slice3A_49 = vector.extract_strided_slice %mul3A_17 {offsets = [0, 3, 0], sizes = [16, 1, 128], strides = [1, 1, 1]} : vector<16x8x128xf32> to vector<16x1x128xf32>
    %squeeze3A_50 = vector.shape_cast %slice3A_49 : vector<16x1x128xf32> to vector<16x128xf32>
    %get3A_51 = arith.constant 0 : index
    %get3A_52 = arith.constant 3 : index
    %get3A_53 = arith.constant 0 : index
    %get3A_54 = vector.load %arg4[%get3A_51, %get3A_52, %get3A_53] : memref<16x6x128xf32, #tpu.memory_space<vmem>>, vector<16x1x128xf32>
    %get3A_55 = vector.shape_cast %get3A_54 : vector<16x1x128xf32> to vector<16x128xf32>
    %dot_general3A_56 = arith.constant dense<0.000000e+00> : vector<16x16xf32>
    %dot_general3A_57 = tpu.matmul %squeeze3A_50, %get3A_55, %dot_general3A_56 {dimension_numbers = #tpu.dot_dimension_numbers<[1], [1], [0], [0], [0, 0, 1, 0], [], []>, transpose_lhs_hint = false} : vector<16x128xf32>, vector<16x128xf32>, vector<16x16xf32> -> vector<16x16xf32>
    %add3A_58 = arith.addf %add3A_48, %dot_general3A_57 : vector<16x16xf32>
    %slice3A_59 = vector.extract_strided_slice %mul3A_17 {offsets = [0, 4, 0], sizes = [16, 1, 128], strides = [1, 1, 1]} : vector<16x8x128xf32> to vector<16x1x128xf32>
    %squeeze3A_60 = vector.shape_cast %slice3A_59 : vector<16x1x128xf32> to vector<16x128xf32>
    %get3A_61 = arith.constant 0 : index
    %get3A_62 = arith.constant 4 : index
    %get3A_63 = arith.constant 0 : index
    %get3A_64 = vector.load %arg4[%get3A_61, %get3A_62, %get3A_63] : memref<16x6x128xf32, #tpu.memory_space<vmem>>, vector<16x1x128xf32>
    %get3A_65 = vector.shape_cast %get3A_64 : vector<16x1x128xf32> to vector<16x128xf32>
    %dot_general3A_66 = arith.constant dense<0.000000e+00> : vector<16x16xf32>
    %dot_general3A_67 = tpu.matmul %squeeze3A_60, %get3A_65, %dot_general3A_66 {dimension_numbers = #tpu.dot_dimension_numbers<[1], [1], [0], [0], [0, 0, 1, 0], [], []>, transpose_lhs_hint = false} : vector<16x128xf32>, vector<16x128xf32>, vector<16x16xf32> -> vector<16x16xf32>
    %add3A_68 = arith.addf %add3A_58, %dot_general3A_67 : vector<16x16xf32>
    %slice3A_69 = vector.extract_strided_slice %mul3A_17 {offsets = [0, 5, 0], sizes = [16, 1, 128], strides = [1, 1, 1]} : vector<16x8x128xf32> to vector<16x1x128xf32>
    %squeeze3A_70 = vector.shape_cast %slice3A_69 : vector<16x1x128xf32> to vector<16x128xf32>
    %get3A_71 = arith.constant 0 : index
    %get3A_72 = arith.constant 5 : index
    %get3A_73 = arith.constant 0 : index
    %get3A_74 = vector.load %arg4[%get3A_71, %get3A_72, %get3A_73] : memref<16x6x128xf32, #tpu.memory_space<vmem>>, vector<16x1x128xf32>
    %get3A_75 = vector.shape_cast %get3A_74 : vector<16x1x128xf32> to vector<16x128xf32>
    %dot_general3A_76 = arith.constant dense<0.000000e+00> : vector<16x16xf32>
    %dot_general3A_77 = tpu.matmul %squeeze3A_70, %get3A_75, %dot_general3A_76 {dimension_numbers = #tpu.dot_dimension_numbers<[1], [1], [0], [0], [0, 0, 1, 0], [], []>, transpose_lhs_hint = false} : vector<16x128xf32>, vector<16x128xf32>, vector<16x16xf32> -> vector<16x16xf32>
    %add3A_78 = arith.addf %add3A_68, %dot_general3A_77 : vector<16x16xf32>
    %concatenate3A = tpu.concatenate %dot_general3A_7, %add3A_78 in 0 : vector<48x16xf32>, vector<16x16xf32> -> vector<64x16xf32>
    %get3A_79 = arith.constant 0 : index
    %get3A_80 = arith.constant 0 : index
    %get3A_81 = vector.load %arg2[%get3A_79, %get3A_80] : memref<64x256xf32, #tpu.memory_space<vmem>>, vector<64x256xf32>
    %get3A_82 = arith.constant 0 : index
    %get3A_83 = arith.constant 0 : index
    %get3A_84 = vector.load %arg5[%get3A_82, %get3A_83] : memref<16x256xf32, #tpu.memory_space<vmem>>, vector<16x256xf32>
    %dot_general3A_85 = arith.constant dense<0.000000e+00> : vector<64x16xf32>
    %dot_general3A_86 = tpu.matmul %get3A_81, %get3A_84, %dot_general3A_85 {dimension_numbers = #tpu.dot_dimension_numbers<[1], [1], [0], [0], [0, 0, 1, 0], [], []>, transpose_lhs_hint = false} : vector<64x256xf32>, vector<16x256xf32>, vector<64x16xf32> -> vector<64x16xf32>
    %add3A_87 = arith.addf %concatenate3A, %dot_general3A_86 : vector<64x16xf32>
    %get3A_88 = arith.constant 0 : index
    %get3A_89 = arith.constant 0 : index
    %get3A_90 = vector.load %arg6[%get3A_88, %get3A_89] : memref<64x16xf32, #tpu.memory_space<vmem>>, vector<64x16xf32>
    %add3A_91 = arith.addf %add3A_87, %get3A_90 : vector<64x16xf32>
    %reduce_max3A = arith.constant dense<0xFF800000> : vector<64xf32>
    %reduce_max3A_92 = vector.multi_reduction <maximumf>, %add3A_91, %reduce_max3A [1] : vector<64x16xf32> to vector<64xf32>
    %broadcast_in_dim3A_93 = vector.shape_cast %reduce_max3A_92 : vector<64xf32> to vector<64x1xf32>
    %sub3A = vector.broadcast %broadcast_in_dim3A_93 : vector<64x1xf32> to vector<64x16xf32>
    %sub3A_94 = arith.subf %add3A_91, %sub3A : vector<64x16xf32>
    %exp3A = math.exp %sub3A_94 : vector<64x16xf32>
    %reduce_sum3A = arith.constant dense<0.000000e+00> : vector<64xf32>
    %reduce_sum3A_95 = vector.multi_reduction <add>, %exp3A, %reduce_sum3A [1] : vector<64x16xf32> to vector<64xf32>
    %broadcast_in_dim3A_96 = vector.shape_cast %reduce_sum3A_95 : vector<64xf32> to vector<64x1xf32>
    %div3A = vector.broadcast %broadcast_in_dim3A_96 : vector<64x1xf32> to vector<64x16xf32>
    %div3A_97 = arith.divf %exp3A, %div3A : vector<64x16xf32>
    %iota3A = tpu.iota {dimensions = array<i32: 1>} : vector<64x16xi32>
    %reduce_max3A_98 = arith.constant dense<0xFF800000> : vector<64xf32>
    %reduce_max3A_99 = vector.multi_reduction <maximumf>, %div3A_97, %reduce_max3A_98 [1] : vector<64x16xf32> to vector<64xf32>
    %broadcast_in_dim3A_100 = vector.shape_cast %reduce_max3A_99 : vector<64xf32> to vector<64x1xf32>
    %eq3A = vector.broadcast %broadcast_in_dim3A_100 : vector<64x1xf32> to vector<64x16xf32>
    %eq3A_101 = arith.cmpf oeq, %div3A_97, %eq3A : vector<64x16xf32>
    %jit3A = arith.constant 16 : i32
    %broadcast_in_dim3A_102 = vector.broadcast %jit3A : i32 to vector<64x16xi32>
    %select_n3A = arith.select %eq3A_101, %iota3A, %broadcast_in_dim3A_102 : vector<64x16xi1>, vector<64x16xi32>
    %reduce_min3A = arith.constant dense<2147483647> : vector<64xi32>
    %reduce_min3A_103 = vector.multi_reduction <minsi>, %select_n3A, %reduce_min3A [1] : vector<64x16xi32> to vector<64xi32>
    %broadcast_in_dim3A_104 = vector.shape_cast %reduce_min3A_103 : vector<64xi32> to vector<64x1xi32>
    %eq3A_105 = vector.broadcast %broadcast_in_dim3A_104 : vector<64x1xi32> to vector<64x16xi32>
    %eq3A_106 = arith.cmpi eq, %iota3A, %eq3A_105 : vector<64x16xi32>
    %jit3A_107 = arith.constant 0xFF800000 : f32
    %broadcast_in_dim3A_108 = vector.broadcast %jit3A_107 : f32 to vector<64x16xf32>
    %select_n3A_109 = arith.select %eq3A_106, %broadcast_in_dim3A_108, %div3A_97 : vector<64x16xi1>, vector<64x16xf32>
    %reduce_max3A_110 = arith.constant dense<0xFF800000> : vector<64xf32>
    %reduce_max3A_111 = vector.multi_reduction <maximumf>, %select_n3A_109, %reduce_max3A_110 [1] : vector<64x16xf32> to vector<64xf32>
    %broadcast_in_dim3A_112 = vector.shape_cast %reduce_max3A_111 : vector<64xf32> to vector<64x1xf32>
    %eq3A_113 = vector.broadcast %broadcast_in_dim3A_112 : vector<64x1xf32> to vector<64x16xf32>
    %eq3A_114 = arith.cmpf oeq, %select_n3A_109, %eq3A_113 : vector<64x16xf32>
    %jit3A_115 = arith.constant 16 : i32
    %broadcast_in_dim3A_116 = vector.broadcast %jit3A_115 : i32 to vector<64x16xi32>
    %select_n3A_117 = arith.select %eq3A_114, %iota3A, %broadcast_in_dim3A_116 : vector<64x16xi1>, vector<64x16xi32>
    %reduce_min3A_118 = arith.constant dense<2147483647> : vector<64xi32>
    %reduce_min3A_119 = vector.multi_reduction <minsi>, %select_n3A_117, %reduce_min3A_118 [1] : vector<64x16xi32> to vector<64xi32>
    %broadcast_in_dim3A_120 = vector.shape_cast %reduce_min3A_119 : vector<64xi32> to vector<64x1xi32>
    %eq3A_121 = vector.broadcast %broadcast_in_dim3A_104 : vector<64x1xi32> to vector<64x16xi32>
    %eq3A_122 = arith.cmpi eq, %iota3A, %eq3A_121 : vector<64x16xi32>
    %eq3A_123 = vector.broadcast %broadcast_in_dim3A_120 : vector<64x1xi32> to vector<64x16xi32>
    %eq3A_124 = arith.cmpi eq, %iota3A, %eq3A_123 : vector<64x16xi32>
    %jit3A_125 = arith.constant 0.000000e+00 : f32
    %broadcast_in_dim3A_126 = vector.shape_cast %broadcast_in_dim3A_112 : vector<64x1xf32> to vector<64x1xf32>
    %broadcast_in_dim3A_127 = vector.broadcast %broadcast_in_dim3A_126 : vector<64x1xf32> to vector<64x16xf32>
    %broadcast_in_dim3A_128 = vector.broadcast %jit3A_125 : f32 to vector<64x16xf32>
    %select_n3A_129 = arith.select %eq3A_124, %broadcast_in_dim3A_127, %broadcast_in_dim3A_128 : vector<64x16xi1>, vector<64x16xf32>
    %broadcast_in_dim3A_130 = vector.shape_cast %broadcast_in_dim3A_100 : vector<64x1xf32> to vector<64x1xf32>
    %broadcast_in_dim3A_131 = vector.broadcast %broadcast_in_dim3A_130 : vector<64x1xf32> to vector<64x16xf32>
    %select_n3A_132 = arith.select %eq3A_122, %broadcast_in_dim3A_131, %select_n3A_129 : vector<64x16xi1>, vector<64x16xf32>
    %swap3A = arith.constant 0 : index
    %swap3A_133 = arith.constant 0 : index
    %swap3A_134 = vector.load %arg7[%swap3A, %swap3A_133] : memref<64x16xf32, #tpu.memory_space<vmem>>, vector<64x16xf32>
    tpu.vector_store %arg7[%swap3A, %swap3A_133], %select_n3A_132 {strides = array<i32>} : memref<64x16xf32, #tpu.memory_space<vmem>>, vector<64x16xf32>,
    %concatenate3A_135 = tpu.concatenate %broadcast_in_dim3A_104, %broadcast_in_dim3A_120 in 1 : vector<64x1xi32>, vector<64x1xi32> -> vector<64x2xi32>
    %swap3A_136 = arith.constant 0 : index
    %swap3A_137 = arith.constant 0 : index
    %swap3A_138 = vector.load %arg8[%swap3A_136, %swap3A_137] : memref<64x2xi32, #tpu.memory_space<vmem>>, vector<64x2xi32>
    tpu.vector_store %arg8[%swap3A_136, %swap3A_137], %concatenate3A_135 {strides = array<i32>} : memref<64x2xi32, #tpu.memory_space<vmem>>, vector<64x2xi32>,
    %concatenate3A_139 = tpu.concatenate %broadcast_in_dim3A_100, %broadcast_in_dim3A_112 in 1 : vector<64x1xf32>, vector<64x1xf32> -> vector<64x2xf32>
    %swap3A_140 = arith.constant 0 : index
    %swap3A_141 = arith.constant 0 : index
    %swap3A_142 = vector.load %arg9[%swap3A_140, %swap3A_141] : memref<64x2xf32, #tpu.memory_space<vmem>>, vector<64x2xf32>
    tpu.vector_store %arg9[%swap3A_140, %swap3A_141], %concatenate3A_139 {strides = array<i32>} : memref<64x2xf32, #tpu.memory_space<vmem>>, vector<64x2xf32>,
    return
  }
}

</mosaic_0001>

<sc_bundles>
// kernel: kernel.5.cloned.1.call-start
scs
__scs_entry_jumppad:
0x0: {  	(pc) =	sbr.rel $0x88, $3  }
0x1: {  	(tag) =	ssettag $0x0;
	lr =	simm.s32 $0x1  }
0x2: {  	[smem:$0x3F9D] =	sst lr;
	_ =	strace $0xD0000000  }
0x3: {  	_ = 	snop  }
0x4: {  	_ = 	snop  }
0x5: {  	_ = 	snop  }
0x6: {  	_ = 	snop  }
0x7: {  	_ = 	snop  }
__scs_overlays_trampoline_lowered:
0x8: {  	[smem:$0x3FAC] =	sst s0  }
0x9: {  	[smem:$0x3FAD] =	sst s1  }
0xa: {  	[smem:$0x3FAE] =	sst s2  }
0xb: {  	[smem:$0x3FAF] =	sst s3  }
0xc: {  	[smem:$0x3FB0] =	sst s4  }
0xd: {  	[smem:$0x3FB1] =	sst s5  }
0xe: {  	[smem:$0x3FB2] =	sst s6  }
0xf: {  	[smem:$0x3FB3] =	sst s7  }
0x10: {  	[smem:$0x3FB4] =	sst s8  }
0x11: {  	[smem:$0x3FB5] =	sst s9;
	s0 =	simm.s32 @!p0 $0x0  }
0x12: {  	s1 =	sld [smem:$0x3F9B];
	s0 =	simm.s32 @p0 $0x1  }
0x13: {  	[smem:$0x3FB6] =	sst s0;
	s0 =	simm.s32 @!p1 $0x0  }
0x14: {  	s2 =	sld [smem:$0x3F9A];
	s0 =	simm.s32 @p1 $0x1  }
0x15: {  	[smem:$0x3FB7] =	sst s0;
	s0 =	simm.s32 @!p2 $0x0  }
0x16: {  	s3 =	sld [smem:$0x3FDB];
	s0 =	simm.s32 @p2 $0x1  }
0x17: {  	s4 =	simm.s32 $0x1BF5;
	[smem:$0x3FB9] =	sst s0  }
0x18: {  	s0 =	sld [smem:$0x3F9C];
	_ =	swait.ge [sflag:s4], $0x0  }
0x19: {  	s7 =	sld [smem:$0x3F9D]  }
0x1a: {  	s8 =	sadd.s32 $0xFFFFE003, lr  }
0x1b: {  	s9 =	sadd.s32 $0xFFFFFEF7, lr;
	s5 =	simm.s32 $0xFFFFFFFF;
	p2 =	slt.u32 s8, $0xFFFFF086  }
0x1c: {  	p1 =	slt.u32 s9, $0xF7A;
	s5 =	simm.s32 @!p2 $0x0  }
0x1d: {  	s5 =	simm.s32 @p1 $0x1;
	p0 =	seq.s32 s7, s2  }
0x1e: {  	s7 =	smul.u32 @!p0 $0xF7A, s2;
	p2 =	seq.s32 @!p0 s5, $0x0  }
0x1f: {  	s9 =	smul.u32 $0xF7A, s1;
	s8 =	simm.s32 @!p0 $0x1BF5;
	p2 =	por !p2, p0  }
0x20: {  	[sflag:s8] =	ssyncset.s32 @!p0 $0xFFFFF086;
	s6 =	sadd.s32 @!p0 s3, s7;
	s7 =	simm.s32 @!p0 $0x108  }
0x21: {  	s3 =	sadd.s32 s3, s9;
	s6 =	sadd.s32 @!p0 $0x88, s6;
	s7 =	simm.s32 @p2 $0x1082  }
0x22: {  	[simem:s7], [sflag:s8] =	dma.local @!p0 [hbm:s6], $0xF7A  }
0x23: {  	s9 =	sor.u32 $0xD0000000, s2;
	s6 =	simm.s32 $0x108;
	_ =	swait.ge @!p0 [sflag:s8], $0x0  }
0x24: {  	s3 =	sadd.s32 $0x88, s3;
	s6 =	simm.s32 @!p1 $0x1082;
	[sflag:s4] =	ssyncset.s32 $0xFFFFF086  }
0x25: {  	[simem:s6], [sflag:s4] =	dma.local [hbm:s3], $0xF7A  }
0x26: {  	[smem:$0x3F9D] =	sst s1;
	(tag) =	ssettag s2;
	_ =	strace s9  }
0x27: {  	s1 =	sld [smem:$0x3FAD]  }
0x28: {  	s2 =	sld [smem:$0x3FAE]  }
0x29: {  	s4 =	sld [smem:$0x3FB0]  }
0x2a: {  	p0 =	seq.s32 s5, $0x0;
	s5 =	sld [smem:$0x3FB1]  }
0x2b: {  	s6 =	sld [smem:$0x3FB2]  }
0x2c: {  	s7 =	sld [smem:$0x3FB3]  }
0x2d: {  	s3 =	simm.s32 $0x108;
	s8 =	sld [smem:$0x3FB4]  }
0x2e: {  	s3 =	simm.s32 @!p0 $0x1082;
	s9 =	sld [smem:$0x3FB5]  }
0x2f: {  	lr =	sadd.s32 s0, s3;
	s0 =	sld [smem:$0x3FAC]  }
0x30: {  	s3 =	sld [smem:$0x3FAF]  }
0x31: {  	[smem:$0x3FB8] =	sst s10  }
0x32: {  	s10 =	sld [smem:$0x3FB6];
	_ =	sdelay $0x3  }
0x33: {  	p0 =	seq.s32 s10, $0x1;
	s10 =	sld [smem:$0x3FB8];
	_ =	sdelay $0x3  }
0x34: {  	[smem:$0x3FB8] =	sst s10  }
0x35: {  	s10 =	sld [smem:$0x3FB7];
	_ =	sdelay $0x3  }
0x36: {  	p1 =	seq.s32 s10, $0x1;
	s10 =	sld [smem:$0x3FB8];
	_ =	sdelay $0x3  }
0x37: {  	[smem:$0x3FB8] =	sst s10  }
0x38: {  	s10 =	sld [smem:$0x3FB9]  }
0x39: {  	_ = 	snop;
	(pc) =	sbr.ind lr, $3  }
0x3a: {  	_ = 	snop  }
0x3b: {  	_ = 	snop  }
0x3c: {  	p2 =	seq.s32 s10, $0x1;
	s10 =	sld [smem:$0x3FB8]  }
0x3d: {  	_ =	shalt  }
0x3e: {  	_ =	shalt  }
0x3f: {  	_ =	shalt  }
0x40: {  	_ =	shalt  }
0x41: {  	_ =	shalt  }
0x42: {  	_ =	shalt  }
0x43: {  	_ =	shalt  }
0x44: {  	_ =	shalt  }
0x45: {  	_ =	shalt  }
0x46: {  	_ =	shalt  }
0x47: {  	_ =	shalt  }
0x48: {  	_ =	shalt  }
0x49: {  	_ =	shalt  }
0x4a: {  	_ =	shalt  }
0x4b: {  	_ =	shalt  }
0x4c: {  	_ =	shalt  }
0x4d: {  	_ =	shalt  }
0x4e: {  	_ =	shalt  }
0x4f: {  	_ =	shalt  }
0x50: {  	_ =	shalt  }
0x51: {  	_ =	shalt  }
0x52: {  	_ =	shalt  }
0x53: {  	_ =	shalt  }
0x54: {  	_ =	shalt  }
0x55: {  	_ =	shalt  }
0x56: {  	_ =	shalt  }
0x57: {  	_ =	shalt  }
0x58: {  	_ =	shalt  }
0x59: {  	_ =	shalt  }
0x5a: {  	_ =	shalt  }
0x5b: {  	_ =	shalt  }
0x5c: {  	_ =	shalt  }
0x5d: {  	_ =	shalt  }
0x5e: {  	_ =	shalt  }
0x5f: {  	_ =	shalt  }
0x60: {  	_ =	shalt  }
0x61: {  	_ =	shalt  }
0x62: {  	_ =	shalt  }
0x63: {  	_ =	shalt  }
0x64: {  	_ =	shalt  }
0x65: {  	_ =	shalt  }
0x66: {  	_ =	shalt  }
0x67: {  	_ =	shalt  }
0x68: {  	_ =	shalt  }
0x69: {  	_ =	shalt  }
0x6a: {  	_ =	shalt  }
0x6b: {  	_ =	shalt  }
0x6c: {  	_ =	shalt  }
0x6d: {  	_ =	shalt  }
0x6e: {  	_ =	shalt  }
0x6f: {  	_ =	shalt  }
0x70: {  	_ =	shalt  }
0x71: {  	_ =	shalt  }
0x72: {  	_ =	shalt  }
0x73: {  	_ =	shalt  }
0x74: {  	_ =	shalt  }
0x75: {  	_ =	shalt  }
0x76: {  	_ =	shalt  }
0x77: {  	_ =	shalt  }
0x78: {  	_ =	shalt  }
0x79: {  	_ =	shalt  }
0x7a: {  	_ =	shalt  }
0x7b: {  	_ =	shalt  }
0x7c: {  	_ =	shalt  }
0x7d: {  	_ =	shalt  }
0x7e: {  	_ =	shalt  }
0x7f: {  	_ =	shalt  }
0x80: {  	_ =	shalt  }
0x81: {  	_ =	shalt  }
0x82: {  	_ =	shalt  }
0x83: {  	_ =	shalt  }
0x84: {  	_ =	shalt  }
0x85: {  	_ =	shalt  }
0x86: {  	_ =	shalt  }
0x87: {  	_ =	shalt  }
.Lfunc_end0:
.L_simem_size_0:
called_computation_lowered:
.L_overlay_start_0:
0x88: {  	s2 =	sld [smem:$0x3FD9]  }
0x89: {  	s3 =	sld [smem:$0x3FFE];
	_ =	sdelay $0x1  }
0x8a: {  	s1 =	srdreg.scid  }
0x8b: {  	s0 =	sand.u32 $0x1, s1  }
0x8c: {  	s17 =	sshll.u32 s0, $0xA;
	s2 =	sadd.s32 s3, s2  }
0x8d: {  	s2 =	sadd.s32 s2, s17  }
0x8e: {  	[smem:$0x3FC4] =	sst s2  }
0x8f: {  	_ = 	snop  }
0x90: {  	s2 =	sld [smem:$0x3FC9];
	(tm) =	ssettm $0x1  }
0x91: {  	s18 =	sld [smem:$0x3FFB];
	_ =	sdelay $0x3  }
0x92: {  	_ =	strace s18  }
0x93: {  	s3 =	sld [smem:$0x3FFC];
	_ =	sdelay $0x3  }
0x94: {  	_ =	strace s3  }
0x95: {  	s3 =	sld [smem:$0x3FFD];
	_ =	sdelay $0x3  }
0x96: {  	_ =	strace s3  }
0x97: {  	_ =	strace $0x8FFFFFFF  }
0x98: {  	s19 =	sld [smem:$0x3FDB];
	_ =	sdelay $0x1  }
0x99: {  	s4 =	simm.s32 $_scs_section_size  }
0x9a: {  	s5 =	simm.s32 $_size__tile_overlayer_lowered;
	s6 =	simm.s32 $_tile_overlayer_lowered  }
0x9b: {  	s22 =	simm.s32 $0x1BFF;
	s21 =	sshll.u32 s6, $0x1;
	s3 =	sadd.s32 s4, s19  }
0x9c: {  	s7 =	simm.s32 $0x0;
	s20 =	sshll.u32 s5, $0x1;
	s5 =	sadd.s32 s21, s3  }
0x9d: {  	[timem:s7], [sflag:s22] =	dma.local [hbm:s5], s20  }
0x9e: {  	_ =	swait.ge [sflag:s22], s20  }
0x9f: {  	s4 =	ssub.s32 $0x0, s20;
	[sflag:s22] =	ssyncset.done $0x0  }
0xa0: {  	[sflag:s22] =	ssyncadd.s32 s4;
	_ =	sdelay $0x1  }
0xa1: {  	s23 =	simm.s32 $0x1B8B  }
0xa2: {  	_ =	swait.ge [sflag:s23], $0x1  }
0xa3: {  	[sflag:s23] =	ssyncset.done $0x0  }
0xa4: {  	s25 =	simm.s32 $0x1B8E;
	s24 =	sld [smem:$0x3FFE];
	[sflag:s23] =	ssyncadd.s32 $0xFFFFFFFF  }
0xa5: {  	s26 =	simm.s32 $execute0_lowered;
	[smem:$0x3FD2] =	sst s25  }
0xa6: {  	s5 =	sshll.u32 s26, $0x1;
	_ =	strace $0x80000046;
	[dreg:$0x1] =	wrdreg $0xFFFFFFFF  }
0xa7: {  	s28 =	simm.s32 $_size_execute0_lowered;
	s3 =	sadd.s32 s3, s5;
	[dreg:$0x0] =	wrdreg $0x0  }
0xa8: {  	s5 =	sshll.u32 s28, $0x1;
	[dreg:$0x2] =	wrdreg s3  }
0xa9: {  	[dreg:$0x3] =	wrdreg s5  }
0xaa: {  	[dreg:$0x4] =	wrdreg $0xC0  }
0xab: {  	_ =	task [dreg:s7], $0x5FFFF  }
0xac: {  	[dreg:$0x1] =	wrdreg $0xFFFFFFFF  }
0xad: {  	[dreg:$0x0] =	wrdreg $0x60  }
0xae: {  	[dreg:$0x2] =	wrdreg s2  }
0xaf: {  	[dreg:$0x3] =	wrdreg s24  }
0xb0: {  	[dreg:$0x4] =	wrdreg $0x9  }
0xb1: {  	_ =	task.clear_ibuf [dreg:s7], $0x5FFFF;
	_ =	strace $0x90000046  }
0xb2: {  	s29 =	simm.s32 $0x9;
	_ =	strace $0x80000048  }
0xb3: {  	_ =	swait.ge [sflag:s29], $0x1  }
0xb4: {  	[sflag:s29] =	ssyncadd.s32 $0xFFFFFFFF  }
0xb5: {  	_ =	strace $0x90000048  }
0xb6: {  	_ =	sfence  }
0xb7: {  	s30 =	sld [smem:$0x0];
	_ =	sdelay $0x2  }
0xb8: {  	s31 =	sshll.u32 s1, $0xD;
	s1 =	sshrl.u32 s1, $0x2  }
0xb9: {  	s3 =	sand.u32 $0x4000, s31;
	s1 =	sadd.s32 s1, s30  }
0xba: {  	s0 =	sor.u32 s3, s0;
	s1 =	sshll.u32 s1, $0x11  }
0xbb: {  	s0 =	sor.u32 s1, s0  }
0xbc: {  	s0 =	sadd.s32 $0x8F2B, s0  }
0xbd: {  	[sflag:s0] =	ssyncadd.remote.s32 $0x1  }
0xbe: {  	_ =	sfence.sel $0xFFFF  }
0xbf: {  	[dreg:$0x0] =	wrdreg $0xFFFFFFFF;
	(pc) =	sbr.abs _section_cstart, $3  }
0xc0: {  	[dreg:$0x1] =	wrdreg $0xFFFFFFFF  }
0xc1: {  	_ =	task.clear_ibuf [dreg:s7], $0x2FFFF;
	_ =	strace $0x9FFFFFFF  }
0xc2: {  	(tm) =	ssettm $0x7FFFFFFF  }
0xc3: {  	_ =	shalt  }
tec
execute0_lowered:
.L_overlay_start_1:
0x0: {  	(tag) =	ssettag $0x1  }
0x1: {  	s1 =	srdreg.scid;
	s0 =	stileid.u32  }
0x2: {  	s3 =	sand.u32 $0x1, s1;
	s28 =	sshll.u32 s0, $0x1  }
0x3: {  	s4 =	sor.u32 s3, s28  }
0x4: {  	s5 =	rddreg [dreg:$0x0];
	p1 =	seq.s32 s3, $0x1;
	p0 =	seq.s32 s4, $0x0  }
0x5: {  	s6 =	rddreg [dreg:$0x1];
	s8 =	simm.s32 $0x36000;
	p0 =	por !p0, !p1  }
0x6: {  	s2 =	simm.s32 $0x0;
	s1 =	simm.s32 $0x1;
	p0 =	por !p0, !p0  }
0x7: {  	s11 =	simm.s32 $0x2;
	s12 =	simm.s32 $0x1B000;
	s1 =	simm.s32 @!p0 $0x0  }
0x8: {  	s13 =	simm.s32 $0x3;
	s14 =	simm.s32 $0x0;
	s1 =	ssub.s32 s0, s1  }
0x9: {  	[smem:$0x7FF] =	sst s2;
	s29 =	ssub.s32 $0x2, s3;
	s7 =	smul.u32 $0x6C000, s1  }
0xa: {  	s8 =	simm.s32 @!p1 $0x0;
	s4 =	sshll.u32 s4, $0x7;
	s31 =	sshrl.u32 s29, $0x1  }
0xb: {  	s9 =	sadd.s32 s4, s6;
	s10 =	ssub.s32 s29, s31;
	s7 =	sadd.s32 s8, s7  }
0xc: {  	s4 =	simm.s32 $0x1;
	s1 =	rddreg [dreg:$0x2];
	s7 =	sadd.s32 $0x1440000, s7  }
0xd: {  	_ =	strace $0x80000047;
	s8 =	sadd.s32 $0x1000, s9;
	s30 =	sshrl.u32 s7, $0x3  }
0xe: {  	s9 =	smax.u32 s10, $0x1;
	s10 =	simm.s32 $0xD800;
	s3 =	sadd.s32 s5, s30  }
0xf: {  	s5 =	sadd.s32 $0x1B00, s3;
	s6 =	sadd.s32 $0x3600, s3;
	s7 =	sadd.s32 $0x5100, s3  }
.LBB2_1:
0x10: {  	[tilespmem:s2], [sflag:$0x1] =	stream.linear.gather [hbm4b:s3+s2], $0xD800, $0x38;
	[tilespmem:$0x1B400] =	vst v63  }
0x11: {  	s15 =	simm.s32 $0x0  }
0x12: {  	s15 =	smul.u32 $0x6000, s15  }
0x13: {  	[tilespmem:s10], [sflag:$0x2] =	stream.linear.gather [hbm4b:s5+s2], $0xD800, $0x38;
	[tilespmem:$0x1B400] =	vst v63  }
0x14: {  	_ =	swait.ge [sflag:s4], $0xD800  }
0x15: {  	s16 =	sand.u32 $0x380, s2;
	s15 =	sshra.s32 s15, $0x2;
	[sflag:s4] =	ssyncset.done $0x0  }
0x16: {  	s15 =	sor.u32 s16, s15;
	[sflag:s4] =	ssyncadd.s32 $0xFFFF2800  }
0x17: {  	v0 =	vld [tilespmem:s15+$0x1470]  }
0x18: {  	v1 =	vld [tilespmem:s15+$0x0]  }
0x19: {  	v2 =	vld [tilespmem:s15+$0x10]  }
0x1a: {  	v3 =	vld [tilespmem:s15+$0x20]  }
0x1b: {  	v6 =	vld [tilespmem:s15+$0x30]  }
0x1c: {  	v7 =	vld [tilespmem:s15+$0x40]  }
0x1d: {  	v8 =	vld [tilespmem:s15+$0x50]  }
0x1e: {  	v9 =	vld [tilespmem:s15+$0x60]  }
0x1f: {  	v10 =	vld [tilespmem:s15+$0x70]  }
0x20: {  	v11 =	vld [tilespmem:s15+$0x400]  }
0x21: {  	v12 =	vld [tilespmem:s15+$0x410]  }
0x22: {  	v13 =	vld [tilespmem:s15+$0x420]  }
0x23: {  	v14 =	vld [tilespmem:s15+$0x430]  }
0x24: {  	v15 =	vld [tilespmem:s15+$0x440]  }
0x25: {  	v16 =	vld [tilespmem:s15+$0x450]  }
0x26: {  	v17 =	vld [tilespmem:s15+$0x460]  }
0x27: {  	v18 =	vld [tilespmem:s15+$0x470]  }
0x28: {  	v19 =	vld [tilespmem:s15+$0x800]  }
0x29: {  	v20 =	vld [tilespmem:s15+$0x810]  }
0x2a: {  	v21 =	vld [tilespmem:s15+$0x820]  }
0x2b: {  	v22 =	vld [tilespmem:s15+$0x830]  }
0x2c: {  	v34 =	vld [tilespmem:s15+$0x840]  }
0x2d: {  	v35 =	vld [tilespmem:s15+$0x850]  }
0x2e: {  	v39 =	vimm.f32 $0.0e+00;
	v36 =	vld [tilespmem:s15+$0x860]  }
0x2f: {  	v37 =	vld [tilespmem:s15+$0xC30];
	v23 =	vadd.f32 v0, v39;
	v4 =	vadd.f32 v1, v39  }
0x30: {  	v38 =	vld [tilespmem:s15+$0xC40];
	v24 =	vadd.f32 v2, v39;
	v5 =	vadd.f32 v3, v39  }
0x31: {  	v40 =	vld [tilespmem:s15+$0xC50];
	v25 =	vadd.f32 v6, v39;
	v6 =	vadd.f32 v7, v39  }
0x32: {  	v41 =	vld [tilespmem:s15+$0xC60];
	v26 =	vadd.f32 v8, v39;
	v7 =	vadd.f32 v9, v39  }
0x33: {  	v42 =	vld [tilespmem:s15+$0xC70];
	v27 =	vadd.f32 v10, v39;
	v8 =	vadd.f32 v11, v39  }
0x34: {  	v43 =	vld [tilespmem:s15+$0x1020];
	v28 =	vadd.f32 v12, v39;
	v9 =	vadd.f32 v13, v39  }
0x35: {  	v44 =	vld [tilespmem:s15+$0x1030];
	v29 =	vadd.f32 v14, v39;
	v10 =	vadd.f32 v15, v39  }
0x36: {  	v0 =	vld [tilespmem:s15+$0x870];
	v30 =	vadd.f32 v16, v39;
	v11 =	vadd.f32 v17, v39  }
0x37: {  	v1 =	vld [tilespmem:s15+$0xC00];
	v31 =	vadd.f32 v18, v39;
	v12 =	vadd.f32 v19, v39  }
0x38: {  	v3 =	vld [tilespmem:s15+$0xC20];
	v32 =	vadd.f32 v20, v39;
	v13 =	vadd.f32 v21, v39  }
0x39: {  	v2 =	vld [tilespmem:s15+$0xC10];
	v33 =	vadd.f32 v22, v39;
	v14 =	vadd.f32 v34, v39  }
0x3a: {  	v21 =	vld [tilespmem:s15+$0x1000];
	v34 =	vadd.f32 v35, v39;
	v15 =	vadd.f32 v36, v39  }
0x3b: {  	v22 =	vld [tilespmem:s15+$0x1010];
	v37 =	vadd.f32 v37, v39;
	v18 =	vadd.f32 v38, v39  }
0x3c: {  	v46 =	vimm.f32 $0.0e+00;
	v45 =	vld [tilespmem:s15+$0x1050];
	v38 =	vadd.f32 v40, v39;
	v19 =	vadd.f32 v41, v39  }
0x3d: {  	v47 =	vimm.f32 $0.0e+00;
	v20 =	vadd.f32 v42, v39;
	v17 =	vadd.f32 v3, v39;
	v3 =	vld [tilespmem:s15+$0x1040]  }
0x3e: {  	v49 =	vld [tilespmem:s15+$0x1060];
	v41 =	vimm.f32 $0.0e+00;
	v35 =	vadd.f32 v0, v39;
	v16 =	vadd.f32 v1, v39  }
0x3f: {  	v50 =	vld [tilespmem:s15+$0x1070];
	v42 =	vimm.f32 $0.0e+00;
	v36 =	vadd.f32 v2, v39;
	v0 =	vadd.f32 v21, v39  }
0x40: {  	v48 =	vld [tilespmem:s15+$0x1400];
	v40 =	vimm.f32 $0.0e+00;
	v1 =	vadd.f32 v22, v39;
	v2 =	vadd.f32 v43, v39  }
0x41: {  	v51 =	vld [tilespmem:s15+$0x1410];
	v21 =	vadd.f32 v44, v39;
	v22 =	vadd.f32 v45, v39;
	v44 =	vimm.f32 $0.0e+00  }
0x42: {  	s18 =	simm.s32 $0x0;
	s17 =	simm.s32 $0x2;
	s16 =	simm.s32 $0x0;
	v52 =	vld [tilespmem:s15+$0x1420];
	v45 =	vimm.f32 $0.0e+00;
	v43 =	vimm.f32 $0.0e+00;
	v3 =	vadd.f32 v3, v39  }
.LBB2_2:
0x43: {  	p0 =	sne.s32 s17, $0x47;
	s18 =	smul.u32 $0x6000, s18;
	v39 =	vadd.f32 v49, v39;
	v49 =	vld [tilespmem:s15+$0x1430]  }
0x44: {  	s16 =	sadd.s32 $0x80, s16;
	v44 =	vadd.f32 v50, v44;
	v50 =	vld [tilespmem:s15+$0x1440]  }
0x45: {  	s19 =	sand.u32 $0x380, s16;
	s18 =	sshra.s32 s18, $0x2;
	v41 =	vadd.f32 v48, v41;
	v48 =	vld [tilespmem:s15+$0x1450]  }
0x46: {  	v45 =	vadd.f32 v51, v45;
	v51 =	vld [tilespmem:s15+$0x1460];
	s15 =	sor.u32 s19, s18  }
0x47: {  	v53 =	vld [tilespmem:s15+$0x1470];
	v42 =	vadd.f32 v52, v42  }
0x48: {  	v52 =	vld [tilespmem:s15+$0x0];
	v43 =	vadd.f32 v49, v43  }
0x49: {  	v49 =	vld [tilespmem:s15+$0x10];
	v46 =	vadd.f32 v50, v46  }
0x4a: {  	v50 =	vld [tilespmem:s15+$0x20];
	v47 =	vadd.f32 v48, v47  }
0x4b: {  	v48 =	vld [tilespmem:s15+$0x30];
	v40 =	vadd.f32 v51, v40  }
0x4c: {  	v51 =	vld [tilespmem:s15+$0x40];
	v23 =	vadd.f32 v53, v23  }
0x4d: {  	v4 =	vadd.f32 v52, v4;
	v52 =	vld [tilespmem:s15+$0x50]  }
0x4e: {  	v24 =	vadd.f32 v49, v24;
	v49 =	vld [tilespmem:s15+$0x60]  }
0x4f: {  	v5 =	vadd.f32 v50, v5;
	v50 =	vld [tilespmem:s15+$0x70]  }
0x50: {  	v25 =	vadd.f32 v48, v25;
	v48 =	vld [tilespmem:s15+$0x400]  }
0x51: {  	v6 =	vadd.f32 v51, v6;
	v51 =	vld [tilespmem:s15+$0x410]  }
0x52: {  	v26 =	vadd.f32 v52, v26;
	v52 =	vld [tilespmem:s15+$0x420]  }
0x53: {  	v7 =	vadd.f32 v49, v7;
	v49 =	vld [tilespmem:s15+$0x430]  }
0x54: {  	v27 =	vadd.f32 v50, v27;
	v50 =	vld [tilespmem:s15+$0x440]  }
0x55: {  	v8 =	vadd.f32 v48, v8;
	v48 =	vld [tilespmem:s15+$0x450]  }
0x56: {  	v28 =	vadd.f32 v51, v28;
	v51 =	vld [tilespmem:s15+$0x460]  }
0x57: {  	v9 =	vadd.f32 v52, v9;
	v52 =	vld [tilespmem:s15+$0x470]  }
0x58: {  	v29 =	vadd.f32 v49, v29;
	v49 =	vld [tilespmem:s15+$0x800]  }
0x59: {  	v10 =	vadd.f32 v50, v10;
	v50 =	vld [tilespmem:s15+$0x810]  }
0x5a: {  	v30 =	vadd.f32 v48, v30;
	v48 =	vld [tilespmem:s15+$0x820]  }
0x5b: {  	v11 =	vadd.f32 v51, v11;
	v51 =	vld [tilespmem:s15+$0x830]  }
0x5c: {  	v31 =	vadd.f32 v52, v31;
	v52 =	vld [tilespmem:s15+$0x840]  }
0x5d: {  	v12 =	vadd.f32 v49, v12;
	v49 =	vld [tilespmem:s15+$0x850]  }
0x5e: {  	v32 =	vadd.f32 v50, v32;
	v50 =	vld [tilespmem:s15+$0x860]  }
0x5f: {  	v13 =	vadd.f32 v48, v13;
	v48 =	vld [tilespmem:s15+$0x870]  }
0x60: {  	v33 =	vadd.f32 v51, v33;
	v51 =	vld [tilespmem:s15+$0xC00]  }
0x61: {  	v14 =	vadd.f32 v52, v14;
	v52 =	vld [tilespmem:s15+$0xC10]  }
0x62: {  	v34 =	vadd.f32 v49, v34;
	v49 =	vld [tilespmem:s15+$0xC20]  }
0x63: {  	v15 =	vadd.f32 v50, v15;
	v50 =	vld [tilespmem:s15+$0xC30]  }
0x64: {  	v35 =	vadd.f32 v48, v35;
	v48 =	vld [tilespmem:s15+$0xC40]  }
0x65: {  	v16 =	vadd.f32 v51, v16;
	v51 =	vld [tilespmem:s15+$0xC50]  }
0x66: {  	v36 =	vadd.f32 v52, v36;
	v52 =	vld [tilespmem:s15+$0xC60]  }
0x67: {  	v17 =	vadd.f32 v49, v17;
	v49 =	vld [tilespmem:s15+$0xC70]  }
0x68: {  	v37 =	vadd.f32 v50, v37;
	v50 =	vld [tilespmem:s15+$0x1000]  }
0x69: {  	v18 =	vadd.f32 v48, v18;
	v48 =	vld [tilespmem:s15+$0x1010]  }
0x6a: {  	v38 =	vadd.f32 v51, v38;
	v51 =	vld [tilespmem:s15+$0x1020]  }
0x6b: {  	v19 =	vadd.f32 v52, v19;
	v52 =	vld [tilespmem:s15+$0x1030]  }
0x6c: {  	v20 =	vadd.f32 v49, v20;
	v53 =	vld [tilespmem:s15+$0x1040]  }
0x6d: {  	v0 =	vadd.f32 v50, v0;
	v54 =	vld [tilespmem:s15+$0x1050]  }
.Ltmp0:
0x6e: {  	v1 =	vadd.f32 v48, v1;
	v49 =	vld [tilespmem:s15+$0x1060];
	(pc) =	sbr.rel @p0 .LBB2_2-.Ltmp0, $4  }
0x6f: {  	v2 =	vadd.f32 v51, v2;
	v50 =	vld [tilespmem:s15+$0x1070]  }
0x70: {  	v21 =	vadd.f32 v52, v21;
	v48 =	vld [tilespmem:s15+$0x1400]  }
0x71: {  	v3 =	vadd.f32 v53, v3;
	v51 =	vld [tilespmem:s15+$0x1410]  }
0x72: {  	s18 =	sshrl.u32 s17, $0x3;
	s17 =	sadd.s32 $0x1, s17;
	v22 =	vadd.f32 v54, v22;
	v52 =	vld [tilespmem:s15+$0x1420]  }
0x73: {  	s17 =	smul.u32 $0x6000, s18  }
0x74: {  	s16 =	sadd.s32 $0x80, s16  }
0x75: {  	s16 =	sand.u32 $0x380, s16;
	s17 =	sshra.s32 s17, $0x2  }
0x76: {  	s16 =	sor.u32 s16, s17  }
0x77: {  	v62 =	vld [tilespmem:s16+$0x40];
	_ =	sdelay $0x4  }
0x78: {  	[tilespmem:$0x1FC50] =	vst v62;
	v62 =	vld [tilespmem:s16+$0x60];
	_ =	sdelay $0x4  }
0x79: {  	[tilespmem:$0x1FC60] =	vst v62;
	v62 =	vld [tilespmem:s16+$0x70];
	_ =	sdelay $0x4  }
0x7a: {  	[tilespmem:$0x1FC70] =	vst v62;
	v62 =	vld [tilespmem:s16+$0x400];
	_ =	sdelay $0x4  }
0x7b: {  	[tilespmem:$0x1FC80] =	vst v62;
	v62 =	vld [tilespmem:s16+$0x410];
	_ =	sdelay $0x4  }
0x7c: {  	[tilespmem:$0x1FC90] =	vst v62;
	v62 =	vld [tilespmem:s16+$0x420];
	_ =	sdelay $0x4  }
0x7d: {  	[tilespmem:$0x1FCA0] =	vst v62;
	v62 =	vld [tilespmem:s16+$0x430];
	_ =	sdelay $0x4  }
0x7e: {  	[tilespmem:$0x1FCB0] =	vst v62;
	v62 =	vld [tilespmem:s16+$0x440];
	_ =	sdelay $0x4  }
0x7f: {  	[tilespmem:$0x1FCC0] =	vst v62;
	v62 =	vld [tilespmem:s16+$0x450];
	_ =	sdelay $0x4  }
0x80: {  	[tilespmem:$0x1FCD0] =	vst v62;
	v62 =	vld [tilespmem:s16+$0x460];
	_ =	sdelay $0x4  }
0x81: {  	[tilespmem:$0x1FCE0] =	vst v62;
	v62 =	vld [tilespmem:s16+$0x470];
	_ =	sdelay $0x4  }
0x82: {  	[tilespmem:$0x1FCF0] =	vst v62;
	v62 =	vld [tilespmem:s16+$0x800];
	_ =	sdelay $0x4  }
0x83: {  	[tilespmem:$0x1FD00] =	vst v62;
	v62 =	vld [tilespmem:s16+$0x810];
	_ =	sdelay $0x4  }
0x84: {  	[tilespmem:$0x1FD10] =	vst v62;
	v62 =	vld [tilespmem:s16+$0x820];
	_ =	sdelay $0x4  }
0x85: {  	[tilespmem:$0x1FD20] =	vst v62;
	v62 =	vld [tilespmem:s16+$0x830];
	_ =	sdelay $0x4  }
0x86: {  	[tilespmem:$0x1FD30] =	vst v62;
	v62 =	vld [tilespmem:s16+$0x840];
	_ =	sdelay $0x4  }
0x87: {  	[tilespmem:$0x1FD40] =	vst v62;
	v62 =	vld [tilespmem:s16+$0x850];
	_ =	sdelay $0x4  }
0x88: {  	[tilespmem:$0x1FD50] =	vst v62;
	v62 =	vld [tilespmem:s16+$0x860];
	_ =	sdelay $0x4  }
0x89: {  	[tilespmem:$0x1FD60] =	vst v62;
	v62 =	vld [tilespmem:s16+$0x870];
	_ =	sdelay $0x4  }
0x8a: {  	[tilespmem:$0x1FD70] =	vst v62;
	v62 =	vld [tilespmem:s16+$0xC00];
	_ =	sdelay $0x4  }
0x8b: {  	[tilespmem:$0x1FD80] =	vst v62;
	v62 =	vld [tilespmem:s16+$0xC10];
	_ =	sdelay $0x4  }
0x8c: {  	[tilespmem:$0x1FD90] =	vst v62;
	v62 =	vld [tilespmem:s16+$0xC20];
	_ =	sdelay $0x4  }
0x8d: {  	[tilespmem:$0x1FDA0] =	vst v62;
	v62 =	vld [tilespmem:s16+$0xC30];
	_ =	sdelay $0x4  }
0x8e: {  	[tilespmem:$0x1FDB0] =	vst v62;
	v62 =	vld [tilespmem:s16+$0xC40];
	_ =	sdelay $0x4  }
0x8f: {  	[tilespmem:$0x1FDC0] =	vst v62;
	v62 =	vld [tilespmem:s16+$0xC50];
	_ =	sdelay $0x4  }
0x90: {  	[tilespmem:$0x1FDD0] =	vst v62;
	v62 =	vld [tilespmem:s16+$0xC60];
	_ =	sdelay $0x4  }
0x91: {  	[tilespmem:$0x1FDE0] =	vst v62;
	v62 =	vld [tilespmem:s16+$0xC70];
	_ =	sdelay $0x4  }
0x92: {  	[tilespmem:$0x1FDF0] =	vst v62;
	v62 =	vld [tilespmem:s16+$0x1000];
	_ =	sdelay $0x4  }
0x93: {  	[tilespmem:$0x1FE00] =	vst v62;
	v62 =	vld [tilespmem:s16+$0x1010];
	_ =	sdelay $0x4  }
0x94: {  	[tilespmem:$0x1FE10] =	vst v62;
	v62 =	vld [tilespmem:s16+$0x1020];
	_ =	sdelay $0x4  }
0x95: {  	[tilespmem:$0x1FE20] =	vst v62;
	v62 =	vld [tilespmem:s16+$0x1030];
	_ =	sdelay $0x4  }
0x96: {  	[tilespmem:$0x1FE30] =	vst v62;
	v62 =	vld [tilespmem:s16+$0x1040];
	_ =	sdelay $0x4  }
0x97: {  	[tilespmem:$0x1FE40] =	vst v62;
	v62 =	vld [tilespmem:s16+$0x1050];
	_ =	sdelay $0x4  }
0x98: {  	[tilespmem:$0x1FE50] =	vst v62;
	v62 =	vld [tilespmem:s16+$0x1060];
	_ =	sdelay $0x4  }
0x99: {  	[tilespmem:$0x1FE60] =	vst v62;
	v62 =	vld [tilespmem:s16+$0x1070];
	_ =	sdelay $0x4  }
0x9a: {  	[tilespmem:$0x1FE80] =	vst v62;
	v62 =	vld [tilespmem:s16+$0x1400];
	_ =	sdelay $0x4  }
0x9b: {  	[tilespmem:$0x1FE90] =	vst v62;
	v62 =	vld [tilespmem:s16+$0x1410];
	_ =	sdelay $0x4  }
0x9c: {  	[tilespmem:$0x1FEB0] =	vst v62;
	v62 =	vld [tilespmem:s16+$0x1420];
	_ =	sdelay $0x4  }
0x9d: {  	[tilespmem:$0x1FEC0] =	vst v62;
	v62 =	vld [tilespmem:s16+$0x1430];
	_ =	sdelay $0x4  }
0x9e: {  	[tilespmem:$0x1FEE0] =	vst v62;
	v62 =	vld [tilespmem:s16+$0x1440];
	_ =	sdelay $0x2  }
0x9f: {  	v53 =	vld [tilespmem:s15+$0x1430]  }
0xa0: {  	v54 =	vld [tilespmem:s15+$0x1440]  }
0xa1: {  	[tilespmem:$0x1FF00] =	vst v62;
	v62 =	vld [tilespmem:s16+$0x1450]  }
0xa2: {  	v55 =	vld [tilespmem:s15+$0x1450]  }
0xa3: {  	v56 =	vld [tilespmem:s15+$0x1460]  }
0xa4: {  	v57 =	vld [tilespmem:s16+$0x1470]  }
0xa5: {  	v60 =	vld [tilespmem:s16+$0x20]  }
0xa6: {  	[tilespmem:$0x1FF10] =	vst v62;
	v62 =	vld [tilespmem:s16+$0x1460]  }
0xa7: {  	v39 =	vadd.f32 v49, v39;
	v58 =	vld [tilespmem:s16+$0x0]  }
0xa8: {  	v44 =	vadd.f32 v50, v44;
	v50 =	vadd.f32 v48, v41;
	v59 =	vld [tilespmem:s16+$0x10]  }
0xa9: {  	s15 =	simm.s32 $0x0;
	[tilespmem:$0x1FE70] =	vst v39;
	v61 =	vld [tilespmem:s16+$0x30]  }
0xaa: {  	[tilespmem:$0x1FEA0] =	vst v50;
	v63 =	vld [tilespmem:s16+$0x50];
	[tilespmem:s15], [sflag:$0x1] =	stream.linear.gather [hbm4b:s6+s15], $0xD800, $0x38  }
0xab: {  	v5 =	vadd.f32 v60, v5;
	[tilespmem:$0x1FF30] =	vst v62  }
0xac: {  	_ =	swait.ge [sflag:s11], $0xD800  }
0xad: {  	[tilespmem:$0x1FF60] =	vst v5;
	v5 =	vld [tilespmem:$0x1FC50];
	_ =	sdelay $0x4  }
0xae: {  	v5 =	vadd.f32 v5, v6;
	v6 =	vld [tilespmem:$0x1FC80];
	_ =	sdelay $0x4  }
0xaf: {  	v4 =	vadd.f32 v58, v4;
	v58 =	vadd.f32 v6, v8;
	v8 =	vld [tilespmem:$0x1FCC0];
	_ =	sdelay $0x4  }
0xb0: {  	v60 =	vadd.f32 v8, v10;
	v10 =	vld [tilespmem:$0x1FD00];
	_ =	sdelay $0x2  }
0xb1: {  	v62 =	vadd.f32 v55, v47;
	_ =	sdelay $0x1  }
0xb2: {  	[tilespmem:$0x1FF20] =	vst v62;
	v62 =	vadd.f32 v10, v12;
	v12 =	vld [tilespmem:$0x1FD40];
	_ =	sdelay $0x4  }
0xb3: {  	v41 =	vadd.f32 v12, v14;
	v14 =	vld [tilespmem:$0x1FD80];
	_ =	sdelay $0x4  }
0xb4: {  	v49 =	vadd.f32 v14, v16;
	v16 =	vld [tilespmem:$0x1FDC0];
	_ =	sdelay $0x4  }
0xb5: {  	v45 =	vadd.f32 v51, v45;
	v51 =	vadd.f32 v16, v18;
	v18 =	vld [tilespmem:$0x1FE00];
	_ =	sdelay $0x4  }
0xb6: {  	s30 =	simm.s32 $0x0;
	v0 =	vadd.f32 v18, v0  }
0xb7: {  	s16 =	smul.u32 $0x6000, s30  }
0xb8: {  	[tilespmem:$0x1FFA0] =	vst v0;
	v0 =	vld [tilespmem:$0x1FE10]  }
0xb9: {  	s31 =	sand.u32 $0x380, s15;
	v53 =	vadd.f32 v53, v43;
	s16 =	sshra.s32 s16, $0x2;
	[sflag:s11] =	ssyncset.done $0x0  }
0xba: {  	s16 =	sor.u32 s31, s16;
	[sflag:s11] =	ssyncadd.s32 $0xFFFF2800  }
0xbb: {  	v23 =	vadd.f32 v57, v23;
	[tilespmem:$0x1FEF0] =	vst v53;
	v53 =	vld [tilespmem:s16+$0xEC70]  }
0xbc: {  	v39 =	vadd.f32 v54, v46;
	v54 =	vld [tilespmem:s16+$0xD800]  }
0xbd: {  	[tilespmem:$0x1FF40] =	vst v23;
	v55 =	vld [tilespmem:s16+$0xD810];
	v0 =	vadd.f32 v0, v1  }
0xbe: {  	v52 =	vadd.f32 v52, v42;
	[tilespmem:$0x1FF70] =	vst v5;
	v5 =	vld [tilespmem:$0x1FC60]  }
0xbf: {  	v23 =	vadd.f32 v59, v24;
	[tilespmem:$0x1FFB0] =	vst v0;
	v0 =	vld [tilespmem:$0x1FE20]  }
0xc0: {  	[tilespmem:$0x1FED0] =	vst v52;
	v52 =	vadd.f32 v56, v40;
	v56 =	vld [tilespmem:s16+$0xD820]  }
0xc1: {  	[tilespmem:$0x1FF50] =	vst v23;
	v23 =	vld [tilespmem:s16+$0xE050]  }
0xc2: {  	v24 =	vld [tilespmem:s16+$0xE060]  }
0xc3: {  	v6 =	vld [tilespmem:$0x1FC90]  }
0xc4: {  	v57 =	vadd.f32 v5, v7;
	v5 =	vld [tilespmem:$0x1FC70];
	v0 =	vadd.f32 v0, v2  }
0xc5: {  	v7 =	vld [tilespmem:$0x1FCA0]  }
0xc6: {  	[tilespmem:$0x1FFC0] =	vst v0;
	v0 =	vld [tilespmem:$0x1FE30]  }
0xc7: {  	v8 =	vld [tilespmem:$0x1FCD0]  }
0xc8: {  	v28 =	vadd.f32 v6, v28;
	v6 =	vld [tilespmem:s16+$0xD840]  }
0xc9: {  	v27 =	vadd.f32 v5, v27;
	v5 =	vld [tilespmem:s16+$0xD830]  }
0xca: {  	v59 =	vadd.f32 v7, v9;
	v7 =	vld [tilespmem:$0x1FCB0]  }
0xcb: {  	v9 =	vld [tilespmem:$0x1FCE0];
	v0 =	vadd.f32 v0, v21  }
0xcc: {  	v30 =	vadd.f32 v8, v30;
	v8 =	vld [tilespmem:s16+$0xD860]  }
0xcd: {  	[tilespmem:$0x1FFD0] =	vst v0;
	v0 =	vld [tilespmem:$0x1FE40]  }
0xce: {  	v10 =	vld [tilespmem:$0x1FD10]  }
0xcf: {  	v29 =	vadd.f32 v7, v29;
	v7 =	vld [tilespmem:s16+$0xD850]  }
0xd0: {  	v25 =	vadd.f32 v61, v25;
	v61 =	vadd.f32 v9, v11;
	v9 =	vld [tilespmem:$0x1FCF0]  }
0xd1: {  	v11 =	vld [tilespmem:$0x1FD20]  }
0xd2: {  	v5 =	vadd.f32 v5, v25;
	v25 =	vld [tilespmem:$0x1FF70];
	v0 =	vadd.f32 v0, v3  }
0xd3: {  	v32 =	vadd.f32 v10, v32;
	v10 =	vld [tilespmem:s16+$0xDC00]  }
0xd4: {  	[tilespmem:$0x1FFE0] =	vst v0;
	v0 =	vld [tilespmem:$0x1FE50]  }
0xd5: {  	v12 =	vld [tilespmem:$0x1FD50]  }
0xd6: {  	v8 =	vadd.f32 v8, v57;
	v57 =	vld [tilespmem:s16+$0xE440]  }
0xd7: {  	v31 =	vadd.f32 v9, v31;
	v9 =	vld [tilespmem:s16+$0xD870]  }
0xd8: {  	v26 =	vadd.f32 v63, v26;
	v63 =	vadd.f32 v11, v13;
	v11 =	vld [tilespmem:$0x1FD30]  }
0xd9: {  	v13 =	vld [tilespmem:$0x1FD60];
	v0 =	vadd.f32 v0, v22  }
0xda: {  	v1 =	vld [tilespmem:$0x1FE70]  }
0xdb: {  	[tilespmem:$0x1FFF0] =	vst v0;
	v0 =	vld [tilespmem:$0x1FE60]  }
0xdc: {  	v34 =	vadd.f32 v12, v34;
	v12 =	vld [tilespmem:s16+$0xDC20]  }
0xdd: {  	v14 =	vld [tilespmem:$0x1FD90]  }
0xde: {  	v10 =	vadd.f32 v10, v58;
	v58 =	vld [tilespmem:s16+$0xE450]  }
0xdf: {  	v33 =	vadd.f32 v11, v33;
	v11 =	vld [tilespmem:s16+$0xDC10]  }
0xe0: {  	v42 =	vadd.f32 v0, v1;
	v0 =	vld [tilespmem:$0x1FE80]  }
0xe1: {  	v48 =	vadd.f32 v13, v15;
	v13 =	vld [tilespmem:$0x1FD70]  }
0xe2: {  	v15 =	vld [tilespmem:$0x1FDA0]  }
0xe3: {  	v36 =	vadd.f32 v14, v36;
	v14 =	vld [tilespmem:s16+$0xDC40]  }
0xe4: {  	v1 =	vld [tilespmem:$0x1FEA0]  }
0xe5: {  	v43 =	vadd.f32 v0, v44;
	v0 =	vld [tilespmem:$0x1FE90]  }
0xe6: {  	v16 =	vld [tilespmem:$0x1FDD0]  }
0xe7: {  	v12 =	vadd.f32 v12, v59;
	v59 =	vld [tilespmem:s16+$0xE460]  }
0xe8: {  	v35 =	vadd.f32 v13, v35;
	v13 =	vld [tilespmem:s16+$0xDC30]  }
0xe9: {  	v50 =	vadd.f32 v15, v17;
	v15 =	vld [tilespmem:$0x1FDB0]  }
0xea: {  	v44 =	vadd.f32 v0, v1;
	v0 =	vld [tilespmem:$0x1FEB0]  }
0xeb: {  	v17 =	vld [tilespmem:$0x1FDE0]  }
0xec: {  	v38 =	vadd.f32 v16, v38;
	v16 =	vld [tilespmem:s16+$0xDC60]  }
0xed: {  	v18 =	vld [tilespmem:s16+$0xE000]  }
0xee: {  	v1 =	vld [tilespmem:$0x1FED0]  }
0xef: {  	v45 =	vadd.f32 v0, v45;
	v0 =	vld [tilespmem:$0x1FEC0]  }
0xf0: {  	v14 =	vadd.f32 v14, v60;
	v60 =	vld [tilespmem:s16+$0xE470]  }
0xf1: {  	v37 =	vadd.f32 v15, v37;
	v15 =	vld [tilespmem:s16+$0xDC50];
	v17 =	vadd.f32 v17, v19  }
0xf2: {  	v19 =	vld [tilespmem:s16+$0xE010]  }
0xf3: {  	[tilespmem:$0x1FF80] =	vst v17;
	v17 =	vld [tilespmem:$0x1FDF0]  }
0xf4: {  	v46 =	vadd.f32 v0, v1;
	v0 =	vld [tilespmem:$0x1FEE0]  }
0xf5: {  	v1 =	vld [tilespmem:$0x1FEF0]  }
0xf6: {  	v16 =	vadd.f32 v16, v61;
	v61 =	vld [tilespmem:s16+$0xE800]  }
0xf7: {  	v18 =	vadd.f32 v18, v62;
	v62 =	vld [tilespmem:s16+$0xE810]  }
0xf8: {  	v2 =	vadd.f32 v54, v4;
	v4 =	vld [tilespmem:$0x1FF60]  }
0xf9: {  	v17 =	vadd.f32 v17, v20;
	v20 =	vld [tilespmem:s16+$0xE020]  }
0xfa: {  	v47 =	vadd.f32 v0, v1;
	v0 =	vld [tilespmem:$0x1FF00]  }
0xfb: {  	[tilespmem:$0x1FF90] =	vst v17;
	v17 =	vld [tilespmem:s16+$0xDC70]  }
0xfc: {  	v15 =	vadd.f32 v15, v30;
	v30 =	vadd.f32 v57, v51;
	v57 =	vld [tilespmem:$0x1FF90]  }
0xfd: {  	v4 =	vadd.f32 v56, v4;
	v56 =	vld [tilespmem:s16+$0xE430]  }
0xfe: {  	v1 =	vld [tilespmem:$0x1FF20]  }
0xff: {  	v39 =	vadd.f32 v0, v39;
	v0 =	vld [tilespmem:$0x1FF10]  }
0x100: {  	v54 =	vld [tilespmem:s16+$0xE410]  }
0x101: {  	v20 =	vadd.f32 v20, v63;
	v63 =	vld [tilespmem:s16+$0xE840]  }
0x102: {  	v17 =	vadd.f32 v17, v31;
	v31 =	vadd.f32 v58, v38;
	v58 =	vld [tilespmem:$0x1FFA0]  }
0x103: {  	v13 =	vadd.f32 v13, v29;
	v29 =	vadd.f32 v56, v37;
	v56 =	vld [tilespmem:$0x1FF80]  }
0x104: {  	v40 =	vadd.f32 v0, v1;
	v0 =	vld [tilespmem:$0x1FF30]  }
0x105: {  	v9 =	vadd.f32 v9, v27;
	v27 =	vadd.f32 v54, v36;
	v54 =	vld [tilespmem:s16+$0xE850]  }
0x106: {  	v21 =	vld [tilespmem:s16+$0xE030]  }
0x107: {  	v23 =	vadd.f32 v23, v34;
	v34 =	vadd.f32 v61, v58;
	v61 =	vld [tilespmem:$0x1FFD0]  }
0x108: {  	v19 =	vadd.f32 v19, v32;
	v32 =	vadd.f32 v59, v56;
	v59 =	vld [tilespmem:$0x1FFB0]  }
0x109: {  	v0 =	vadd.f32 v0, v52;
	v52 =	vld [tilespmem:s16+$0xE070]  }
0x10a: {  	v3 =	vld [tilespmem:$0x1FF50]  }
0x10b: {  	v22 =	vld [tilespmem:s16+$0xE040]  }
0x10c: {  	v6 =	vadd.f32 v6, v25;
	v1 =	vld [tilespmem:$0x1FF40]  }
0x10d: {  	v21 =	vadd.f32 v21, v33;
	v33 =	vadd.f32 v60, v57;
	v60 =	vld [tilespmem:$0x1FFC0]  }
0x10e: {  	v25 =	vadd.f32 v52, v35;
	v35 =	vadd.f32 v62, v59;
	v62 =	vld [tilespmem:$0x1FFE0]  }
0x10f: {  	v3 =	vadd.f32 v55, v3;
	v55 =	vld [tilespmem:s16+$0xE420]  }
0x110: {  	v22 =	vadd.f32 v22, v41;
	v41 =	vld [tilespmem:s16+$0xE820]  }
0x111: {  	v1 =	vadd.f32 v53, v1;
	v53 =	vld [tilespmem:s16+$0xE400]  }
0x112: {  	v52 =	vld [tilespmem:s16+$0xE830]  }
0x113: {  	v38 =	vadd.f32 v63, v62;
	v63 =	vld [tilespmem:$0x1FFF0]  }
0x114: {  	v24 =	vadd.f32 v24, v48;
	v48 =	vld [tilespmem:s16+$0xE860]  }
0x115: {  	v11 =	vadd.f32 v11, v28;
	v28 =	vadd.f32 v55, v50;
	v50 =	vld [tilespmem:s16+$0xE870]  }
0x116: {  	v7 =	vadd.f32 v7, v26;
	v26 =	vadd.f32 v53, v49;
	v49 =	vld [tilespmem:s16+$0xEC00]  }
0x117: {  	v51 =	vld [tilespmem:s16+$0xEC10];
	v36 =	vadd.f32 v41, v60  }
0x118: {  	s18 =	simm.s32 $0x0;
	s17 =	simm.s32 $0x2;
	v37 =	vadd.f32 v52, v61;
	v52 =	vld [tilespmem:s16+$0xEC20];
	v41 =	vadd.f32 v54, v63  }
.LBB2_4:
0x119: {  	p0 =	sne.s32 s17, $0x47;
	s18 =	smul.u32 $0x6000, s18;
	v42 =	vadd.f32 v48, v42;
	v48 =	vld [tilespmem:s16+$0xEC30]  }
0x11a: {  	s15 =	sadd.s32 $0x80, s15;
	v43 =	vadd.f32 v50, v43;
	v50 =	vld [tilespmem:s16+$0xEC40]  }
0x11b: {  	s19 =	sand.u32 $0x380, s15;
	s18 =	sshra.s32 s18, $0x2;
	v44 =	vadd.f32 v49, v44;
	v49 =	vld [tilespmem:s16+$0xEC50]  }
0x11c: {  	v45 =	vadd.f32 v51, v45;
	v51 =	vld [tilespmem:s16+$0xEC60];
	s16 =	sor.u32 s19, s18  }
0x11d: {  	v53 =	vld [tilespmem:s16+$0xEC70];
	v46 =	vadd.f32 v52, v46  }
0x11e: {  	v52 =	vld [tilespmem:s16+$0xD800];
	v47 =	vadd.f32 v48, v47  }
0x11f: {  	v48 =	vld [tilespmem:s16+$0xD810];
	v39 =	vadd.f32 v50, v39  }
0x120: {  	v50 =	vld [tilespmem:s16+$0xD820];
	v40 =	vadd.f32 v49, v40  }
0x121: {  	v49 =	vld [tilespmem:s16+$0xD830];
	v0 =	vadd.f32 v51, v0  }
0x122: {  	v51 =	vld [tilespmem:s16+$0xD840];
	v1 =	vadd.f32 v53, v1  }
0x123: {  	v2 =	vadd.f32 v52, v2;
	v52 =	vld [tilespmem:s16+$0xD850]  }
0x124: {  	v3 =	vadd.f32 v48, v3;
	v48 =	vld [tilespmem:s16+$0xD860]  }
0x125: {  	v4 =	vadd.f32 v50, v4;
	v50 =	vld [tilespmem:s16+$0xD870]  }
0x126: {  	v5 =	vadd.f32 v49, v5;
	v49 =	vld [tilespmem:s16+$0xDC00]  }
0x127: {  	v6 =	vadd.f32 v51, v6;
	v51 =	vld [tilespmem:s16+$0xDC10]  }
0x128: {  	v7 =	vadd.f32 v52, v7;
	v52 =	vld [tilespmem:s16+$0xDC20]  }
0x129: {  	v8 =	vadd.f32 v48, v8;
	v48 =	vld [tilespmem:s16+$0xDC30]  }
0x12a: {  	v9 =	vadd.f32 v50, v9;
	v50 =	vld [tilespmem:s16+$0xDC40]  }
0x12b: {  	v10 =	vadd.f32 v49, v10;
	v49 =	vld [tilespmem:s16+$0xDC50]  }
0x12c: {  	v11 =	vadd.f32 v51, v11;
	v51 =	vld [tilespmem:s16+$0xDC60]  }
0x12d: {  	v12 =	vadd.f32 v52, v12;
	v52 =	vld [tilespmem:s16+$0xDC70]  }
0x12e: {  	v13 =	vadd.f32 v48, v13;
	v48 =	vld [tilespmem:s16+$0xE000]  }
0x12f: {  	v14 =	vadd.f32 v50, v14;
	v50 =	vld [tilespmem:s16+$0xE010]  }
0x130: {  	v15 =	vadd.f32 v49, v15;
	v49 =	vld [tilespmem:s16+$0xE020]  }
0x131: {  	v16 =	vadd.f32 v51, v16;
	v51 =	vld [tilespmem:s16+$0xE030]  }
0x132: {  	v17 =	vadd.f32 v52, v17;
	v52 =	vld [tilespmem:s16+$0xE040]  }
0x133: {  	v18 =	vadd.f32 v48, v18;
	v48 =	vld [tilespmem:s16+$0xE050]  }
0x134: {  	v19 =	vadd.f32 v50, v19;
	v50 =	vld [tilespmem:s16+$0xE060]  }
0x135: {  	v20 =	vadd.f32 v49, v20;
	v49 =	vld [tilespmem:s16+$0xE070]  }
0x136: {  	v21 =	vadd.f32 v51, v21;
	v51 =	vld [tilespmem:s16+$0xE400]  }
0x137: {  	v22 =	vadd.f32 v52, v22;
	v52 =	vld [tilespmem:s16+$0xE410]  }
0x138: {  	v23 =	vadd.f32 v48, v23;
	v48 =	vld [tilespmem:s16+$0xE420]  }
0x139: {  	v24 =	vadd.f32 v50, v24;
	v50 =	vld [tilespmem:s16+$0xE430]  }
0x13a: {  	v25 =	vadd.f32 v49, v25;
	v49 =	vld [tilespmem:s16+$0xE440]  }
0x13b: {  	v26 =	vadd.f32 v51, v26;
	v51 =	vld [tilespmem:s16+$0xE450]  }
0x13c: {  	v27 =	vadd.f32 v52, v27;
	v52 =	vld [tilespmem:s16+$0xE460]  }
0x13d: {  	v28 =	vadd.f32 v48, v28;
	v48 =	vld [tilespmem:s16+$0xE470]  }
0x13e: {  	v29 =	vadd.f32 v50, v29;
	v50 =	vld [tilespmem:s16+$0xE800]  }
0x13f: {  	v30 =	vadd.f32 v49, v30;
	v49 =	vld [tilespmem:s16+$0xE810]  }
0x140: {  	v31 =	vadd.f32 v51, v31;
	v51 =	vld [tilespmem:s16+$0xE820]  }
0x141: {  	v32 =	vadd.f32 v52, v32;
	v52 =	vld [tilespmem:s16+$0xE830]  }
0x142: {  	v33 =	vadd.f32 v48, v33;
	v53 =	vld [tilespmem:s16+$0xE840]  }
0x143: {  	v34 =	vadd.f32 v50, v34;
	v54 =	vld [tilespmem:s16+$0xE850]  }
.Ltmp1:
0x144: {  	v35 =	vadd.f32 v49, v35;
	v48 =	vld [tilespmem:s16+$0xE860];
	(pc) =	sbr.rel @p0 .LBB2_4-.Ltmp1, $4  }
0x145: {  	v36 =	vadd.f32 v51, v36;
	v50 =	vld [tilespmem:s16+$0xE870]  }
0x146: {  	v37 =	vadd.f32 v52, v37;
	v49 =	vld [tilespmem:s16+$0xEC00]  }
0x147: {  	v38 =	vadd.f32 v53, v38;
	v51 =	vld [tilespmem:s16+$0xEC10]  }
0x148: {  	s18 =	sshrl.u32 s17, $0x3;
	s17 =	sadd.s32 $0x1, s17;
	v41 =	vadd.f32 v54, v41;
	v52 =	vld [tilespmem:s16+$0xEC20]  }
0x149: {  	s17 =	smul.u32 $0x6000, s18  }
0x14a: {  	s15 =	sadd.s32 $0x80, s15  }
0x14b: {  	s15 =	sand.u32 $0x380, s15;
	s17 =	sshra.s32 s17, $0x2  }
0x14c: {  	s17 =	sor.u32 s15, s17  }
0x14d: {  	v62 =	vld [tilespmem:s17+$0xD840];
	_ =	sdelay $0x4  }
0x14e: {  	[tilespmem:$0x1F900] =	vst v62;
	v62 =	vld [tilespmem:s17+$0xD860];
	_ =	sdelay $0x4  }
0x14f: {  	[tilespmem:$0x1F910] =	vst v62;
	v62 =	vld [tilespmem:s17+$0xD870];
	_ =	sdelay $0x4  }
0x150: {  	[tilespmem:$0x1F920] =	vst v62;
	v62 =	vld [tilespmem:s17+$0xDC00];
	_ =	sdelay $0x4  }
0x151: {  	[tilespmem:$0x1F930] =	vst v62;
	v62 =	vld [tilespmem:s17+$0xDC10];
	_ =	sdelay $0x4  }
0x152: {  	[tilespmem:$0x1F940] =	vst v62;
	v62 =	vld [tilespmem:s17+$0xDC20];
	_ =	sdelay $0x4  }
0x153: {  	[tilespmem:$0x1F950] =	vst v62;
	v62 =	vld [tilespmem:s17+$0xDC30];
	_ =	sdelay $0x4  }
0x154: {  	[tilespmem:$0x1F960] =	vst v62;
	v62 =	vld [tilespmem:s17+$0xDC40];
	_ =	sdelay $0x4  }
0x155: {  	[tilespmem:$0x1F970] =	vst v62;
	v62 =	vld [tilespmem:s17+$0xDC50];
	_ =	sdelay $0x4  }
0x156: {  	[tilespmem:$0x1F980] =	vst v62;
	v62 =	vld [tilespmem:s17+$0xDC60];
	_ =	sdelay $0x4  }
0x157: {  	[tilespmem:$0x1F990] =	vst v62;
	v62 =	vld [tilespmem:s17+$0xDC70];
	_ =	sdelay $0x4  }
0x158: {  	[tilespmem:$0x1F9A0] =	vst v62;
	v62 =	vld [tilespmem:s17+$0xE000];
	_ =	sdelay $0x4  }
0x159: {  	[tilespmem:$0x1F9B0] =	vst v62;
	v62 =	vld [tilespmem:s17+$0xE010];
	_ =	sdelay $0x4  }
0x15a: {  	[tilespmem:$0x1F9C0] =	vst v62;
	v62 =	vld [tilespmem:s17+$0xE020];
	_ =	sdelay $0x4  }
0x15b: {  	[tilespmem:$0x1F9D0] =	vst v62;
	v62 =	vld [tilespmem:s17+$0xE030];
	_ =	sdelay $0x4  }
0x15c: {  	[tilespmem:$0x1F9E0] =	vst v62;
	v62 =	vld [tilespmem:s17+$0xE040];
	_ =	sdelay $0x4  }
0x15d: {  	[tilespmem:$0x1F9F0] =	vst v62;
	v62 =	vld [tilespmem:s17+$0xE050];
	_ =	sdelay $0x4  }
0x15e: {  	[tilespmem:$0x1FA00] =	vst v62;
	v62 =	vld [tilespmem:s17+$0xE060];
	_ =	sdelay $0x4  }
0x15f: {  	[tilespmem:$0x1FA10] =	vst v62;
	v62 =	vld [tilespmem:s17+$0xE070];
	_ =	sdelay $0x4  }
0x160: {  	[tilespmem:$0x1FA20] =	vst v62;
	v62 =	vld [tilespmem:s17+$0xE400];
	_ =	sdelay $0x4  }
0x161: {  	[tilespmem:$0x1FA30] =	vst v62;
	v62 =	vld [tilespmem:s17+$0xE410];
	_ =	sdelay $0x4  }
0x162: {  	[tilespmem:$0x1FA40] =	vst v62;
	v62 =	vld [tilespmem:s17+$0xE420];
	_ =	sdelay $0x4  }
0x163: {  	[tilespmem:$0x1FA50] =	vst v62;
	v62 =	vld [tilespmem:s17+$0xE430];
	_ =	sdelay $0x4  }
0x164: {  	[tilespmem:$0x1FA60] =	vst v62;
	v62 =	vld [tilespmem:s17+$0xE440];
	_ =	sdelay $0x4  }
0x165: {  	[tilespmem:$0x1FA70] =	vst v62;
	v62 =	vld [tilespmem:s17+$0xE450];
	_ =	sdelay $0x4  }
0x166: {  	[tilespmem:$0x1FA80] =	vst v62;
	v62 =	vld [tilespmem:s17+$0xE460];
	_ =	sdelay $0x4  }
0x167: {  	[tilespmem:$0x1FA90] =	vst v62;
	v62 =	vld [tilespmem:s17+$0xE470];
	_ =	sdelay $0x4  }
0x168: {  	[tilespmem:$0x1FAA0] =	vst v62;
	v62 =	vld [tilespmem:s17+$0xE800];
	_ =	sdelay $0x4  }
0x169: {  	[tilespmem:$0x1FAB0] =	vst v62;
	v62 =	vld [tilespmem:s17+$0xE810];
	_ =	sdelay $0x4  }
0x16a: {  	[tilespmem:$0x1FAC0] =	vst v62;
	v62 =	vld [tilespmem:s17+$0xE820];
	_ =	sdelay $0x4  }
0x16b: {  	[tilespmem:$0x1FAD0] =	vst v62;
	v62 =	vld [tilespmem:s17+$0xE830];
	_ =	sdelay $0x4  }
0x16c: {  	[tilespmem:$0x1FAE0] =	vst v62;
	v62 =	vld [tilespmem:s17+$0xE840];
	_ =	sdelay $0x4  }
0x16d: {  	[tilespmem:$0x1FAF0] =	vst v62;
	v62 =	vld [tilespmem:s17+$0xE850];
	_ =	sdelay $0x4  }
0x16e: {  	[tilespmem:$0x1FB00] =	vst v62;
	v62 =	vld [tilespmem:s17+$0xE860];
	_ =	sdelay $0x4  }
0x16f: {  	[tilespmem:$0x1FB10] =	vst v62;
	v62 =	vld [tilespmem:s17+$0xE870];
	_ =	sdelay $0x4  }
0x170: {  	[tilespmem:$0x1FB20] =	vst v62;
	v62 =	vld [tilespmem:s17+$0xEC00];
	_ =	sdelay $0x4  }
0x171: {  	[tilespmem:$0x1FB30] =	vst v62;
	v62 =	vld [tilespmem:s17+$0xEC10];
	_ =	sdelay $0x4  }
0x172: {  	[tilespmem:$0x1FB40] =	vst v62;
	v62 =	vld [tilespmem:s17+$0xEC20];
	_ =	sdelay $0x4  }
0x173: {  	[tilespmem:$0x1FB50] =	vst v62;
	v62 =	vld [tilespmem:s17+$0xEC30];
	_ =	sdelay $0x4  }
0x174: {  	[tilespmem:$0x1FB70] =	vst v62;
	v62 =	vld [tilespmem:s17+$0xEC40];
	_ =	sdelay $0x2  }
0x175: {  	v53 =	vld [tilespmem:s16+$0xEC30]  }
0x176: {  	v54 =	vld [tilespmem:s16+$0xEC40]  }
0x177: {  	[tilespmem:$0x1FB90] =	vst v62;
	v62 =	vld [tilespmem:s17+$0xEC50]  }
0x178: {  	v55 =	vld [tilespmem:s16+$0xEC50]  }
0x179: {  	v56 =	vld [tilespmem:s16+$0xEC60]  }
0x17a: {  	v57 =	vld [tilespmem:s17+$0xEC70]  }
0x17b: {  	v58 =	vld [tilespmem:s17+$0xD800]  }
0x17c: {  	[tilespmem:$0x1FBA0] =	vst v62;
	v62 =	vld [tilespmem:s17+$0xEC60]  }
0x17d: {  	v59 =	vld [tilespmem:s17+$0xD810]  }
0x17e: {  	v60 =	vld [tilespmem:s17+$0xD820]  }
0x17f: {  	s15 =	simm.s32 $0x0;
	v61 =	vld [tilespmem:s17+$0xD830]  }
0x180: {  	v63 =	vld [tilespmem:s17+$0xD850];
	[tilespmem:s10], [sflag:$0x2] =	stream.linear.gather [hbm4b:s7+s15], $0xD800, $0x38  }
0x181: {  	[tilespmem:$0x1FBB0] =	vst v62  }
0x182: {  	_ =	swait.ge [sflag:s4], $0xD800  }
0x183: {  	v62 =	vld [tilespmem:$0x1F980];
	_ =	sdelay $0x4  }
0x184: {  	v42 =	vadd.f32 v48, v42;
	v48 =	vadd.f32 v62, v15;
	v15 =	vld [tilespmem:$0x1F990];
	_ =	sdelay $0x3  }
0x185: {  	v39 =	vadd.f32 v54, v39;
	v54 =	vld [tilespmem:$0x1F900]  }
0x186: {  	v44 =	vadd.f32 v49, v44;
	v49 =	vadd.f32 v15, v16;
	v15 =	vld [tilespmem:$0x1F9A0]  }
0x187: {  	v40 =	vadd.f32 v55, v40;
	v55 =	vld [tilespmem:$0x1F910]  }
0x188: {  	v0 =	vadd.f32 v56, v0;
	v56 =	vld [tilespmem:$0x1F920]  }
0x189: {  	v1 =	vadd.f32 v57, v1;
	v57 =	vld [tilespmem:$0x1F930]  }
0x18a: {  	s30 =	simm.s32 $0x0;
	v2 =	vadd.f32 v58, v2;
	v58 =	vld [tilespmem:$0x1F940]  }
0x18b: {  	s16 =	smul.u32 $0x6000, s30;
	v3 =	vadd.f32 v59, v3;
	v59 =	vld [tilespmem:$0x1F950];
	v15 =	vadd.f32 v15, v17  }
0x18c: {  	v4 =	vadd.f32 v60, v4;
	v60 =	vld [tilespmem:$0x1F960]  }
0x18d: {  	s16 =	sshra.s32 s16, $0x2;
	s31 =	sand.u32 $0x380, s15;
	[sflag:s4] =	ssyncset.done $0x0;
	[tilespmem:$0x1FBC0] =	vst v15;
	v15 =	vld [tilespmem:$0x1F9B0]  }
0x18e: {  	s16 =	sor.u32 s31, s16;
	v5 =	vadd.f32 v61, v5;
	v61 =	vld [tilespmem:$0x1F970];
	[sflag:s4] =	ssyncadd.s32 $0xFFFF2800  }
0x18f: {  	v43 =	vadd.f32 v50, v43;
	v50 =	vld [tilespmem:s16+$0x1470]  }
0x190: {  	v45 =	vadd.f32 v51, v45;
	v53 =	vadd.f32 v53, v47;
	v51 =	vld [tilespmem:s16+$0x0]  }
0x191: {  	v46 =	vadd.f32 v52, v46;
	v52 =	vld [tilespmem:s16+$0x10]  }
0x192: {  	[tilespmem:$0x1FB80] =	vst v53;
	v53 =	vld [tilespmem:s16+$0x20];
	v15 =	vadd.f32 v15, v18  }
0x193: {  	v7 =	vadd.f32 v63, v7;
	v63 =	vld [tilespmem:s16+$0x440]  }
0x194: {  	[tilespmem:$0x1FBD0] =	vst v15;
	v15 =	vld [tilespmem:$0x1F9C0]  }
0x195: {  	v6 =	vadd.f32 v54, v6;
	v54 =	vld [tilespmem:s16+$0x30]  }
0x196: {  	v8 =	vadd.f32 v55, v8;
	v55 =	vld [tilespmem:s16+$0x40]  }
0x197: {  	v9 =	vadd.f32 v56, v9;
	v56 =	vld [tilespmem:s16+$0x50]  }
0x198: {  	v10 =	vadd.f32 v57, v10;
	v57 =	vld [tilespmem:s16+$0x60]  }
0x199: {  	v11 =	vadd.f32 v58, v11;
	v58 =	vld [tilespmem:s16+$0x70];
	v15 =	vadd.f32 v15, v19  }
0x19a: {  	v12 =	vadd.f32 v59, v12;
	v59 =	vld [tilespmem:s16+$0x400]  }
0x19b: {  	[tilespmem:$0x1FBE0] =	vst v15;
	v15 =	vld [tilespmem:$0x1F9D0]  }
0x19c: {  	v13 =	vadd.f32 v60, v13;
	v60 =	vld [tilespmem:s16+$0x410]  }
0x19d: {  	v14 =	vadd.f32 v61, v14;
	v61 =	vld [tilespmem:s16+$0x420]  }
0x19e: {  	v62 =	vld [tilespmem:s16+$0x430]  }
0x19f: {  	v1 =	vadd.f32 v50, v1;
	v50 =	vld [tilespmem:s16+$0x870]  }
0x1a0: {  	v2 =	vadd.f32 v51, v2;
	v51 =	vld [tilespmem:s16+$0xC00];
	v15 =	vadd.f32 v15, v20  }
0x1a1: {  	v16 =	vld [tilespmem:$0x1FA70]  }
0x1a2: {  	[tilespmem:$0x1FBF0] =	vst v15;
	v15 =	vld [tilespmem:$0x1F9E0]  }
0x1a3: {  	v3 =	vadd.f32 v52, v3;
	v52 =	vld [tilespmem:s16+$0xC10]  }
0x1a4: {  	v4 =	vadd.f32 v53, v4;
	v53 =	vld [tilespmem:s16+$0xC20]  }
0x1a5: {  	v5 =	vadd.f32 v54, v5;
	v54 =	vld [tilespmem:s16+$0xC30]  }
0x1a6: {  	v6 =	vadd.f32 v55, v6;
	v55 =	vld [tilespmem:s16+$0xC40]  }
0x1a7: {  	v30 =	vadd.f32 v16, v30;
	v16 =	vld [tilespmem:$0x1FA80];
	v15 =	vadd.f32 v15, v21  }
0x1a8: {  	v17 =	vld [tilespmem:$0x1FA90]  }
0x1a9: {  	[tilespmem:$0x1FC00] =	vst v15;
	v15 =	vld [tilespmem:$0x1F9F0]  }
0x1aa: {  	v7 =	vadd.f32 v56, v7;
	v56 =	vld [tilespmem:s16+$0xC50]  }
0x1ab: {  	v8 =	vadd.f32 v57, v8;
	v57 =	vld [tilespmem:s16+$0xC70]  }
0x1ac: {  	v31 =	vadd.f32 v16, v31;
	v16 =	vld [tilespmem:s16+$0x460]  }
0x1ad: {  	v32 =	vadd.f32 v17, v32;
	v17 =	vld [tilespmem:$0x1FAA0]  }
0x1ae: {  	v18 =	vld [tilespmem:$0x1FAB0];
	v15 =	vadd.f32 v15, v22  }
0x1af: {  	v19 =	vld [tilespmem:$0x1FAD0]  }
0x1b0: {  	[tilespmem:$0x1FC10] =	vst v15;
	v15 =	vld [tilespmem:$0x1FA00]  }
0x1b1: {  	v14 =	vadd.f32 v63, v14;
	v63 =	vld [tilespmem:$0x1FBC0]  }
0x1b2: {  	v33 =	vadd.f32 v17, v33;
	v17 =	vld [tilespmem:s16+$0x470]  }
0x1b3: {  	v34 =	vadd.f32 v18, v34;
	v18 =	vld [tilespmem:$0x1FAC0]  }
0x1b4: {  	v16 =	vadd.f32 v16, v49;
	v49 =	vld [tilespmem:$0x1FBD0]  }
0x1b5: {  	v36 =	vadd.f32 v19, v36;
	v19 =	vld [tilespmem:$0x1FAE0];
	v15 =	vadd.f32 v15, v23  }
0x1b6: {  	v20 =	vld [tilespmem:$0x1FAF0]  }
0x1b7: {  	[tilespmem:$0x1FC20] =	vst v15;
	v15 =	vld [tilespmem:$0x1FA10]  }
0x1b8: {  	v35 =	vadd.f32 v18, v35;
	v18 =	vld [tilespmem:s16+$0x800]  }
0x1b9: {  	v9 =	vadd.f32 v58, v9;
	v58 =	vld [tilespmem:$0x1FBE0]  }
0x1ba: {  	v37 =	vadd.f32 v19, v37;
	v19 =	vld [tilespmem:s16+$0x810]  }
0x1bb: {  	v38 =	vadd.f32 v20, v38;
	v20 =	vld [tilespmem:$0x1FB00]  }
0x1bc: {  	v10 =	vadd.f32 v59, v10;
	v59 =	vld [tilespmem:$0x1FBF0];
	v15 =	vadd.f32 v15, v24  }
0x1bd: {  	v21 =	vld [tilespmem:$0x1FB10]  }
0x1be: {  	[tilespmem:$0x1FC30] =	vst v15;
	v15 =	vld [tilespmem:$0x1FA20]  }
0x1bf: {  	v19 =	vadd.f32 v19, v58;
	v58 =	vld [tilespmem:s16+$0x1000]  }
0x1c0: {  	v20 =	vadd.f32 v20, v41;
	v41 =	vld [tilespmem:$0x1FBB0]  }
0x1c1: {  	v11 =	vadd.f32 v60, v11;
	v60 =	vld [tilespmem:$0x1FC00]  }
0x1c2: {  	v23 =	vld [tilespmem:$0x1FB50]  }
0x1c3: {  	[tilespmem:$0x1FB60] =	vst v46;
	v25 =	vadd.f32 v15, v25;
	v15 =	vld [tilespmem:$0x1FA30]  }
0x1c4: {  	v24 =	vld [tilespmem:$0x1FB60]  }
0x1c5: {  	[tilespmem:$0x1FC40] =	vst v20;
	v20 =	vld [tilespmem:s16+$0x820]  }
0x1c6: {  	v46 =	vadd.f32 v21, v42;
	v21 =	vld [tilespmem:$0x1FB20]  }
0x1c7: {  	v22 =	vld [tilespmem:$0x1FB30]  }
0x1c8: {  	v26 =	vadd.f32 v15, v26;
	v15 =	vld [tilespmem:$0x1FA40]  }
0x1c9: {  	v42 =	vadd.f32 v23, v24;
	v23 =	vld [tilespmem:$0x1FB70]  }
0x1ca: {  	v24 =	vld [tilespmem:$0x1FB80]  }
0x1cb: {  	v0 =	vadd.f32 v41, v0;
	v41 =	vld [tilespmem:s16+$0x1030]  }
0x1cc: {  	v47 =	vadd.f32 v21, v43;
	v21 =	vld [tilespmem:s16+$0x830]  }
0x1cd: {  	v27 =	vadd.f32 v15, v27;
	v15 =	vld [tilespmem:$0x1FA50]  }
0x1ce: {  	v44 =	vadd.f32 v22, v44;
	v22 =	vld [tilespmem:$0x1FB40]  }
0x1cf: {  	v43 =	vadd.f32 v23, v24;
	v24 =	vld [tilespmem:$0x1FB90]  }
0x1d0: {  	v20 =	vadd.f32 v20, v59;
	v59 =	vld [tilespmem:s16+$0x1010]  }
0x1d1: {  	v12 =	vadd.f32 v61, v12;
	v61 =	vld [tilespmem:$0x1FC10]  }
0x1d2: {  	v28 =	vadd.f32 v15, v28;
	v15 =	vld [tilespmem:$0x1FA60]  }
0x1d3: {  	v45 =	vadd.f32 v22, v45;
	v22 =	vld [tilespmem:s16+$0x840]  }
0x1d4: {  	v39 =	vadd.f32 v24, v39;
	v24 =	vld [tilespmem:$0x1FBA0]  }
0x1d5: {  	v13 =	vadd.f32 v62, v13;
	v62 =	vld [tilespmem:$0x1FC20]  }
0x1d6: {  	v17 =	vadd.f32 v17, v63;
	v63 =	vld [tilespmem:$0x1FC30]  }
0x1d7: {  	v29 =	vadd.f32 v15, v29;
	v15 =	vld [tilespmem:s16+$0x450]  }
0x1d8: {  	v23 =	vld [tilespmem:s16+$0x850]  }
0x1d9: {  	v30 =	vadd.f32 v55, v30;
	v40 =	vadd.f32 v24, v40;
	v24 =	vld [tilespmem:s16+$0x860]  }
0x1da: {  	v31 =	vadd.f32 v56, v31;
	v21 =	vadd.f32 v21, v60;
	v60 =	vld [tilespmem:s16+$0x1020]  }
0x1db: {  	v33 =	vadd.f32 v57, v33;
	v22 =	vadd.f32 v22, v61;
	v61 =	vld [tilespmem:s16+$0x1040]  }
0x1dc: {  	v18 =	vadd.f32 v18, v49;
	v15 =	vadd.f32 v15, v48;
	v48 =	vld [tilespmem:s16+$0xC60]  }
0x1dd: {  	v34 =	vadd.f32 v58, v34;
	v23 =	vadd.f32 v23, v62;
	v62 =	vld [tilespmem:s16+$0x1050]  }
0x1de: {  	v37 =	vadd.f32 v41, v37;
	v24 =	vadd.f32 v24, v63;
	v63 =	vld [tilespmem:$0x1FC40]  }
0x1df: {  	v49 =	vld [tilespmem:s16+$0x1060];
	v35 =	vadd.f32 v59, v35;
	v36 =	vadd.f32 v60, v36  }
0x1e0: {  	v38 =	vadd.f32 v61, v38;
	v26 =	vadd.f32 v51, v26;
	v51 =	vld [tilespmem:s16+$0x1070]  }
0x1e1: {  	v25 =	vadd.f32 v50, v25;
	v32 =	vadd.f32 v48, v32;
	v48 =	vld [tilespmem:s16+$0x1400]  }
0x1e2: {  	v50 =	vld [tilespmem:s16+$0x1410];
	v27 =	vadd.f32 v52, v27;
	v28 =	vadd.f32 v53, v28  }
0x1e3: {  	s18 =	simm.s32 $0x0;
	s17 =	simm.s32 $0x2;
	v52 =	vld [tilespmem:s16+$0x1420];
	v29 =	vadd.f32 v54, v29;
	v41 =	vadd.f32 v62, v63  }
.LBB2_6:
0x1e4: {  	p0 =	sne.s32 s17, $0x47;
	s18 =	smul.u32 $0x6000, s18;
	v46 =	vadd.f32 v49, v46;
	v49 =	vld [tilespmem:s16+$0x1430]  }
0x1e5: {  	s15 =	sadd.s32 $0x80, s15;
	v47 =	vadd.f32 v51, v47;
	v51 =	vld [tilespmem:s16+$0x1440]  }
0x1e6: {  	s19 =	sand.u32 $0x380, s15;
	s18 =	sshra.s32 s18, $0x2;
	v44 =	vadd.f32 v48, v44;
	v48 =	vld [tilespmem:s16+$0x1450]  }
0x1e7: {  	v45 =	vadd.f32 v50, v45;
	v50 =	vld [tilespmem:s16+$0x1460];
	s16 =	sor.u32 s19, s18  }
0x1e8: {  	v53 =	vld [tilespmem:s16+$0x1470];
	v42 =	vadd.f32 v52, v42  }
0x1e9: {  	v52 =	vld [tilespmem:s16+$0x0];
	v43 =	vadd.f32 v49, v43  }
0x1ea: {  	v49 =	vld [tilespmem:s16+$0x10];
	v39 =	vadd.f32 v51, v39  }
0x1eb: {  	v51 =	vld [tilespmem:s16+$0x20];
	v40 =	vadd.f32 v48, v40  }
0x1ec: {  	v48 =	vld [tilespmem:s16+$0x30];
	v0 =	vadd.f32 v50, v0  }
0x1ed: {  	v50 =	vld [tilespmem:s16+$0x40];
	v1 =	vadd.f32 v53, v1  }
0x1ee: {  	v2 =	vadd.f32 v52, v2;
	v52 =	vld [tilespmem:s16+$0x50]  }
0x1ef: {  	v3 =	vadd.f32 v49, v3;
	v49 =	vld [tilespmem:s16+$0x60]  }
0x1f0: {  	v4 =	vadd.f32 v51, v4;
	v51 =	vld [tilespmem:s16+$0x70]  }
0x1f1: {  	v5 =	vadd.f32 v48, v5;
	v48 =	vld [tilespmem:s16+$0x400]  }
0x1f2: {  	v6 =	vadd.f32 v50, v6;
	v50 =	vld [tilespmem:s16+$0x410]  }
0x1f3: {  	v7 =	vadd.f32 v52, v7;
	v52 =	vld [tilespmem:s16+$0x420]  }
0x1f4: {  	v8 =	vadd.f32 v49, v8;
	v49 =	vld [tilespmem:s16+$0x430]  }
0x1f5: {  	v9 =	vadd.f32 v51, v9;
	v51 =	vld [tilespmem:s16+$0x440]  }
0x1f6: {  	v10 =	vadd.f32 v48, v10;
	v48 =	vld [tilespmem:s16+$0x450]  }
0x1f7: {  	v11 =	vadd.f32 v50, v11;
	v50 =	vld [tilespmem:s16+$0x460]  }
0x1f8: {  	v12 =	vadd.f32 v52, v12;
	v52 =	vld [tilespmem:s16+$0x470]  }
0x1f9: {  	v13 =	vadd.f32 v49, v13;
	v49 =	vld [tilespmem:s16+$0x800]  }
0x1fa: {  	v14 =	vadd.f32 v51, v14;
	v51 =	vld [tilespmem:s16+$0x810]  }
0x1fb: {  	v15 =	vadd.f32 v48, v15;
	v48 =	vld [tilespmem:s16+$0x820]  }
0x1fc: {  	v16 =	vadd.f32 v50, v16;
	v50 =	vld [tilespmem:s16+$0x830]  }
0x1fd: {  	v17 =	vadd.f32 v52, v17;
	v52 =	vld [tilespmem:s16+$0x840]  }
0x1fe: {  	v18 =	vadd.f32 v49, v18;
	v49 =	vld [tilespmem:s16+$0x850]  }
0x1ff: {  	v19 =	vadd.f32 v51, v19;
	v51 =	vld [tilespmem:s16+$0x860]  }
0x200: {  	v20 =	vadd.f32 v48, v20;
	v48 =	vld [tilespmem:s16+$0x870]  }
0x201: {  	v21 =	vadd.f32 v50, v21;
	v50 =	vld [tilespmem:s16+$0xC00]  }
0x202: {  	v22 =	vadd.f32 v52, v22;
	v52 =	vld [tilespmem:s16+$0xC10]  }
0x203: {  	v23 =	vadd.f32 v49, v23;
	v49 =	vld [tilespmem:s16+$0xC20]  }
0x204: {  	v24 =	vadd.f32 v51, v24;
	v51 =	vld [tilespmem:s16+$0xC30]  }
0x205: {  	v25 =	vadd.f32 v48, v25;
	v48 =	vld [tilespmem:s16+$0xC40]  }
0x206: {  	v26 =	vadd.f32 v50, v26;
	v50 =	vld [tilespmem:s16+$0xC50]  }
0x207: {  	v27 =	vadd.f32 v52, v27;
	v52 =	vld [tilespmem:s16+$0xC60]  }
0x208: {  	v28 =	vadd.f32 v49, v28;
	v49 =	vld [tilespmem:s16+$0xC70]  }
0x209: {  	v29 =	vadd.f32 v51, v29;
	v51 =	vld [tilespmem:s16+$0x1000]  }
0x20a: {  	v30 =	vadd.f32 v48, v30;
	v48 =	vld [tilespmem:s16+$0x1010]  }
0x20b: {  	v31 =	vadd.f32 v50, v31;
	v50 =	vld [tilespmem:s16+$0x1020]  }
0x20c: {  	v32 =	vadd.f32 v52, v32;
	v52 =	vld [tilespmem:s16+$0x1030]  }
0x20d: {  	v33 =	vadd.f32 v49, v33;
	v53 =	vld [tilespmem:s16+$0x1040]  }
0x20e: {  	v34 =	vadd.f32 v51, v34;
	v54 =	vld [tilespmem:s16+$0x1050]  }
.Ltmp2:
0x20f: {  	v35 =	vadd.f32 v48, v35;
	v49 =	vld [tilespmem:s16+$0x1060];
	(pc) =	sbr.rel @p0 .LBB2_6-.Ltmp2, $4  }
0x210: {  	v36 =	vadd.f32 v50, v36;
	v51 =	vld [tilespmem:s16+$0x1070]  }
0x211: {  	v37 =	vadd.f32 v52, v37;
	v48 =	vld [tilespmem:s16+$0x1400]  }
0x212: {  	v38 =	vadd.f32 v53, v38;
	v50 =	vld [tilespmem:s16+$0x1410]  }
0x213: {  	s18 =	sshrl.u32 s17, $0x3;
	s17 =	sadd.s32 $0x1, s17;
	v41 =	vadd.f32 v54, v41;
	v52 =	vld [tilespmem:s16+$0x1420]  }
0x214: {  	s17 =	smul.u32 $0x6000, s18  }
0x215: {  	s15 =	sadd.s32 $0x80, s15  }
0x216: {  	s15 =	sand.u32 $0x380, s15;
	s17 =	sshra.s32 s17, $0x2  }
0x217: {  	s15 =	sor.u32 s15, s17  }
0x218: {  	v62 =	vld [tilespmem:s15+$0x40];
	_ =	sdelay $0x4  }
0x219: {  	[tilespmem:$0x1F4D0] =	vst v62;
	v62 =	vld [tilespmem:s15+$0x60];
	_ =	sdelay $0x4  }
0x21a: {  	[tilespmem:$0x1F4E0] =	vst v62;
	v62 =	vld [tilespmem:s15+$0x70];
	_ =	sdelay $0x4  }
0x21b: {  	[tilespmem:$0x1F4F0] =	vst v62;
	v62 =	vld [tilespmem:s15+$0x400];
	_ =	sdelay $0x4  }
0x21c: {  	[tilespmem:$0x1F500] =	vst v62;
	v62 =	vld [tilespmem:s15+$0x410];
	_ =	sdelay $0x4  }
0x21d: {  	[tilespmem:$0x1F510] =	vst v62;
	v62 =	vld [tilespmem:s15+$0x420];
	_ =	sdelay $0x4  }
0x21e: {  	[tilespmem:$0x1F520] =	vst v62;
	v62 =	vld [tilespmem:s15+$0x430];
	_ =	sdelay $0x4  }
0x21f: {  	[tilespmem:$0x1F530] =	vst v62;
	v62 =	vld [tilespmem:s15+$0x440];
	_ =	sdelay $0x4  }
0x220: {  	[tilespmem:$0x1F540] =	vst v62;
	v62 =	vld [tilespmem:s15+$0x450];
	_ =	sdelay $0x4  }
0x221: {  	[tilespmem:$0x1F550] =	vst v62;
	v62 =	vld [tilespmem:s15+$0x460];
	_ =	sdelay $0x4  }
0x222: {  	[tilespmem:$0x1F560] =	vst v62;
	v62 =	vld [tilespmem:s15+$0x470];
	_ =	sdelay $0x4  }
0x223: {  	[tilespmem:$0x1F570] =	vst v62;
	v62 =	vld [tilespmem:s15+$0x800];
	_ =	sdelay $0x4  }
0x224: {  	[tilespmem:$0x1F580] =	vst v62;
	v62 =	vld [tilespmem:s15+$0x810];
	_ =	sdelay $0x4  }
0x225: {  	[tilespmem:$0x1F590] =	vst v62;
	v62 =	vld [tilespmem:s15+$0x820];
	_ =	sdelay $0x4  }
0x226: {  	[tilespmem:$0x1F5A0] =	vst v62;
	v62 =	vld [tilespmem:s15+$0x830];
	_ =	sdelay $0x4  }
0x227: {  	[tilespmem:$0x1F5B0] =	vst v62;
	v62 =	vld [tilespmem:s15+$0x840];
	_ =	sdelay $0x4  }
0x228: {  	[tilespmem:$0x1F5C0] =	vst v62;
	v62 =	vld [tilespmem:s15+$0x850];
	_ =	sdelay $0x4  }
0x229: {  	[tilespmem:$0x1F5D0] =	vst v62;
	v62 =	vld [tilespmem:s15+$0x860];
	_ =	sdelay $0x4  }
0x22a: {  	[tilespmem:$0x1F5E0] =	vst v62;
	v62 =	vld [tilespmem:s15+$0x870];
	_ =	sdelay $0x4  }
0x22b: {  	[tilespmem:$0x1F5F0] =	vst v62;
	v62 =	vld [tilespmem:s15+$0xC00];
	_ =	sdelay $0x4  }
0x22c: {  	[tilespmem:$0x1F600] =	vst v62;
	v62 =	vld [tilespmem:s15+$0xC10];
	_ =	sdelay $0x4  }
0x22d: {  	[tilespmem:$0x1F610] =	vst v62;
	v62 =	vld [tilespmem:s15+$0xC20];
	_ =	sdelay $0x4  }
0x22e: {  	[tilespmem:$0x1F620] =	vst v62;
	v62 =	vld [tilespmem:s15+$0xC30];
	_ =	sdelay $0x4  }
0x22f: {  	[tilespmem:$0x1F630] =	vst v62;
	v62 =	vld [tilespmem:s15+$0xC40];
	_ =	sdelay $0x4  }
0x230: {  	[tilespmem:$0x1F640] =	vst v62;
	v62 =	vld [tilespmem:s15+$0xC50];
	_ =	sdelay $0x4  }
0x231: {  	[tilespmem:$0x1F650] =	vst v62;
	v62 =	vld [tilespmem:s15+$0xC60];
	_ =	sdelay $0x4  }
0x232: {  	[tilespmem:$0x1F660] =	vst v62;
	v62 =	vld [tilespmem:s15+$0xC70];
	_ =	sdelay $0x4  }
0x233: {  	[tilespmem:$0x1F670] =	vst v62;
	v62 =	vld [tilespmem:s15+$0x1000];
	_ =	sdelay $0x4  }
0x234: {  	[tilespmem:$0x1F680] =	vst v62;
	v62 =	vld [tilespmem:s15+$0x1010];
	_ =	sdelay $0x4  }
0x235: {  	[tilespmem:$0x1F690] =	vst v62;
	v62 =	vld [tilespmem:s15+$0x1020];
	_ =	sdelay $0x4  }
0x236: {  	[tilespmem:$0x1F6A0] =	vst v62;
	v62 =	vld [tilespmem:s15+$0x1030];
	_ =	sdelay $0x4  }
0x237: {  	[tilespmem:$0x1F6B0] =	vst v62;
	v62 =	vld [tilespmem:s15+$0x1040];
	_ =	sdelay $0x4  }
0x238: {  	[tilespmem:$0x1F6C0] =	vst v62;
	v62 =	vld [tilespmem:s15+$0x1050];
	_ =	sdelay $0x4  }
0x239: {  	[tilespmem:$0x1F6D0] =	vst v62;
	v62 =	vld [tilespmem:s15+$0x1060];
	_ =	sdelay $0x4  }
0x23a: {  	[tilespmem:$0x1F6E0] =	vst v62;
	v62 =	vld [tilespmem:s15+$0x1070];
	_ =	sdelay $0x4  }
0x23b: {  	[tilespmem:$0x1F700] =	vst v62;
	v62 =	vld [tilespmem:s15+$0x1400];
	_ =	sdelay $0x4  }
0x23c: {  	[tilespmem:$0x1F720] =	vst v62;
	v62 =	vld [tilespmem:s15+$0x1410];
	_ =	sdelay $0x4  }
0x23d: {  	[tilespmem:$0x1F740] =	vst v62;
	v62 =	vld [tilespmem:s15+$0x1420];
	_ =	sdelay $0x4  }
0x23e: {  	[tilespmem:$0x1F750] =	vst v62;
	v62 =	vld [tilespmem:s15+$0x1430];
	_ =	sdelay $0x3  }
0x23f: {  	v53 =	vld [tilespmem:s16+$0x1430]  }
0x240: {  	[tilespmem:$0x1F760] =	vst v62;
	v62 =	vld [tilespmem:s15+$0x1440]  }
0x241: {  	v54 =	vld [tilespmem:s16+$0x1440]  }
0x242: {  	v55 =	vld [tilespmem:s16+$0x1450]  }
0x243: {  	v56 =	vld [tilespmem:s16+$0x1460]  }
0x244: {  	v46 =	vadd.f32 v49, v46;
	v49 =	vadd.f32 v51, v47;
	v51 =	vld [tilespmem:s15+$0x1460]  }
0x245: {  	[tilespmem:$0x1F770] =	vst v62;
	v62 =	vld [tilespmem:s15+$0x1450]  }
0x246: {  	[tilespmem:$0x1F6F0] =	vst v46;
	v44 =	vadd.f32 v48, v44;
	v57 =	vld [tilespmem:s15+$0x1470]  }
0x247: {  	[tilespmem:$0x1F710] =	vst v49;
	v58 =	vld [tilespmem:s15+$0x0]  }
0x248: {  	v59 =	vld [tilespmem:s15+$0x10];
	[tilespmem:$0x1F730] =	vst v44  }
0x249: {  	v60 =	vld [tilespmem:s15+$0x20];
	[tilespmem:$0x1F790] =	vst v51  }
0x24a: {  	v61 =	vld [tilespmem:s15+$0x30];
	[tilespmem:$0x1F780] =	vst v62  }
0x24b: {  	v63 =	vld [tilespmem:s15+$0x50];
	_ =	swait.ge [sflag:s11], $0xD800  }
0x24c: {  	v48 =	vadd.f32 v57, v1;
	v1 =	vld [tilespmem:$0x1F4D0];
	_ =	sdelay $0x4  }
0x24d: {  	v57 =	vadd.f32 v1, v6;
	v1 =	vld [tilespmem:$0x1F4E0];
	_ =	sdelay $0x2  }
0x24e: {  	v47 =	vadd.f32 v50, v45  }
0x24f: {  	v45 =	vadd.f32 v53, v43;
	v43 =	vadd.f32 v54, v39  }
0x250: {  	v54 =	vadd.f32 v60, v4;
	v60 =	vadd.f32 v1, v8;
	v1 =	vld [tilespmem:$0x1F4F0];
	_ =	sdelay $0x3  }
0x251: {  	v44 =	vadd.f32 v55, v40  }
0x252: {  	v55 =	vadd.f32 v61, v5;
	v61 =	vadd.f32 v1, v9;
	v1 =	vld [tilespmem:$0x1F500];
	_ =	sdelay $0x4  }
0x253: {  	v1 =	vadd.f32 v1, v10;
	_ =	sdelay $0x1  }
0x254: {  	[tilespmem:$0x1F7A0] =	vst v1;
	v1 =	vld [tilespmem:$0x1F510];
	_ =	sdelay $0x4  }
0x255: {  	v49 =	vadd.f32 v1, v11;
	v1 =	vld [tilespmem:$0x1F520];
	_ =	sdelay $0x4  }
0x256: {  	v1 =	vadd.f32 v1, v12;
	_ =	sdelay $0x1  }
0x257: {  	[tilespmem:$0x1F7B0] =	vst v1;
	v1 =	vld [tilespmem:$0x1F530];
	_ =	sdelay $0x4  }
0x258: {  	v1 =	vadd.f32 v1, v13;
	_ =	sdelay $0x1  }
0x259: {  	[tilespmem:$0x1F7C0] =	vst v1;
	v1 =	vld [tilespmem:$0x1F540];
	_ =	sdelay $0x4  }
0x25a: {  	v1 =	vadd.f32 v1, v14;
	_ =	sdelay $0x1  }
0x25b: {  	[tilespmem:$0x1F7D0] =	vst v1;
	v1 =	vld [tilespmem:$0x1F550];
	_ =	sdelay $0x4  }
0x25c: {  	v1 =	vadd.f32 v1, v15;
	_ =	sdelay $0x1  }
0x25d: {  	[tilespmem:$0x1F7E0] =	vst v1;
	v1 =	vld [tilespmem:$0x1F560];
	_ =	sdelay $0x4  }
0x25e: {  	v1 =	vadd.f32 v1, v16;
	_ =	sdelay $0x1  }
0x25f: {  	[tilespmem:$0x1F7F0] =	vst v1;
	v1 =	vld [tilespmem:$0x1F570];
	_ =	sdelay $0x4  }
0x260: {  	v1 =	vadd.f32 v1, v17;
	_ =	sdelay $0x1  }
0x261: {  	[tilespmem:$0x1F800] =	vst v1;
	v1 =	vld [tilespmem:$0x1F580];
	_ =	sdelay $0x4  }
0x262: {  	v18 =	vadd.f32 v1, v18;
	v1 =	vld [tilespmem:$0x1F590];
	_ =	sdelay $0x4  }
0x263: {  	v19 =	vadd.f32 v1, v19;
	v1 =	vld [tilespmem:$0x1F5A0];
	_ =	sdelay $0x4  }
0x264: {  	v20 =	vadd.f32 v1, v20;
	v1 =	vld [tilespmem:$0x1F5B0];
	_ =	sdelay $0x4  }
0x265: {  	v21 =	vadd.f32 v1, v21;
	v1 =	vld [tilespmem:$0x1F5C0];
	_ =	sdelay $0x4  }
0x266: {  	v22 =	vadd.f32 v1, v22;
	v1 =	vld [tilespmem:$0x1F5D0];
	_ =	sdelay $0x4  }
0x267: {  	v23 =	vadd.f32 v1, v23;
	v1 =	vld [tilespmem:$0x1F5E0];
	_ =	sdelay $0x4  }
0x268: {  	v24 =	vadd.f32 v1, v24;
	v1 =	vld [tilespmem:$0x1F5F0];
	_ =	sdelay $0x4  }
0x269: {  	v1 =	vadd.f32 v1, v25;
	_ =	sdelay $0x1  }
0x26a: {  	[tilespmem:$0x1F810] =	vst v1;
	v1 =	vld [tilespmem:$0x1F600];
	_ =	sdelay $0x4  }
0x26b: {  	v1 =	vadd.f32 v1, v26;
	_ =	sdelay $0x1  }
0x26c: {  	[tilespmem:$0x1F820] =	vst v1;
	v1 =	vld [tilespmem:$0x1F610];
	_ =	sdelay $0x4  }
0x26d: {  	v1 =	vadd.f32 v1, v27;
	_ =	sdelay $0x1  }
0x26e: {  	[tilespmem:$0x1F830] =	vst v1;
	v1 =	vld [tilespmem:$0x1F620];
	_ =	sdelay $0x4  }
0x26f: {  	v1 =	vadd.f32 v1, v28;
	_ =	sdelay $0x1  }
0x270: {  	[tilespmem:$0x1F840] =	vst v1;
	v1 =	vld [tilespmem:$0x1F630];
	_ =	sdelay $0x4  }
0x271: {  	v1 =	vadd.f32 v1, v29;
	_ =	sdelay $0x1  }
0x272: {  	[tilespmem:$0x1F850] =	vst v1;
	v1 =	vld [tilespmem:$0x1F640];
	_ =	sdelay $0x4  }
0x273: {  	v1 =	vadd.f32 v1, v30;
	_ =	sdelay $0x1  }
0x274: {  	[tilespmem:$0x1F860] =	vst v1;
	v1 =	vld [tilespmem:$0x1F650];
	_ =	sdelay $0x4  }
0x275: {  	v1 =	vadd.f32 v1, v31;
	_ =	sdelay $0x1  }
0x276: {  	[tilespmem:$0x1F870] =	vst v1;
	v1 =	vld [tilespmem:$0x1F660];
	_ =	sdelay $0x4  }
0x277: {  	v1 =	vadd.f32 v1, v32;
	_ =	sdelay $0x1  }
0x278: {  	[tilespmem:$0x1F880] =	vst v1;
	v1 =	vld [tilespmem:$0x1F670];
	_ =	sdelay $0x4  }
0x279: {  	v1 =	vadd.f32 v1, v33;
	_ =	sdelay $0x1  }
0x27a: {  	[tilespmem:$0x1F890] =	vst v1;
	v1 =	vld [tilespmem:$0x1F680];
	_ =	sdelay $0x4  }
0x27b: {  	v1 =	vadd.f32 v1, v34;
	_ =	sdelay $0x1  }
0x27c: {  	[tilespmem:$0x1F8A0] =	vst v1;
	v1 =	vld [tilespmem:$0x1F690];
	_ =	sdelay $0x4  }
0x27d: {  	v1 =	vadd.f32 v1, v35;
	_ =	sdelay $0x1  }
0x27e: {  	[tilespmem:$0x1F8B0] =	vst v1;
	v1 =	vld [tilespmem:$0x1F6A0];
	_ =	sdelay $0x4  }
0x27f: {  	v1 =	vadd.f32 v1, v36;
	_ =	sdelay $0x1  }
0x280: {  	[tilespmem:$0x1F8C0] =	vst v1;
	v1 =	vld [tilespmem:$0x1F6B0];
	_ =	sdelay $0x4  }
0x281: {  	v1 =	vadd.f32 v1, v37;
	_ =	sdelay $0x1  }
0x282: {  	[tilespmem:$0x1F8D0] =	vst v1;
	v1 =	vld [tilespmem:$0x1F6C0];
	_ =	sdelay $0x4  }
0x283: {  	v1 =	vadd.f32 v1, v38;
	_ =	sdelay $0x1  }
0x284: {  	[tilespmem:$0x1F8E0] =	vst v1;
	v1 =	vld [tilespmem:$0x1F6D0];
	_ =	sdelay $0x4  }
0x285: {  	v1 =	vadd.f32 v1, v41  }
0x286: {  	v51 =	vadd.f32 v58, v2;
	v2 =	vld [tilespmem:$0x1F6F0]  }
0x287: {  	[tilespmem:$0x1F8F0] =	vst v1;
	v1 =	vld [tilespmem:$0x1F6E0];
	_ =	sdelay $0x4  }
0x288: {  	v9 =	vadd.f32 v1, v2;
	v1 =	vld [tilespmem:$0x1F700]  }
0x289: {  	v2 =	vld [tilespmem:$0x1F710];
	_ =	sdelay $0x4  }
0x28a: {  	v8 =	vadd.f32 v1, v2;
	v1 =	vld [tilespmem:$0x1F720]  }
0x28b: {  	v2 =	vld [tilespmem:$0x1F730];
	_ =	sdelay $0x4  }
0x28c: {  	v58 =	vadd.f32 v63, v7;
	v7 =	vadd.f32 v1, v2;
	v1 =	vld [tilespmem:$0x1F740];
	_ =	sdelay $0x3  }
0x28d: {  	s30 =	simm.s32 $0x0  }
0x28e: {  	s16 =	smul.u32 $0x6000, s30;
	v6 =	vadd.f32 v1, v47;
	v1 =	vld [tilespmem:$0x1F750]  }
0x28f: {  	s15 =	simm.s32 $0x0  }
0x290: {  	s16 =	sshra.s32 s16, $0x2;
	s31 =	sand.u32 $0x380, s15;
	[sflag:s11] =	ssyncset.done $0x0  }
0x291: {  	v46 =	vadd.f32 v52, v42;
	s16 =	sor.u32 s31, s16;
	[sflag:s11] =	ssyncadd.s32 $0xFFFF2800  }
0x292: {  	v50 =	vld [tilespmem:s16+$0xEC70]  }
0x293: {  	v5 =	vadd.f32 v1, v46;
	v1 =	vld [tilespmem:$0x1F760]  }
0x294: {  	v52 =	vadd.f32 v59, v3;
	v59 =	vld [tilespmem:s16+$0xD820]  }
0x295: {  	v62 =	vld [tilespmem:s16+$0xD830]  }
0x296: {  	v63 =	vld [tilespmem:s16+$0xD840]  }
0x297: {  	v42 =	vld [tilespmem:s16+$0xD850]  }
0x298: {  	v4 =	vadd.f32 v1, v45;
	v1 =	vld [tilespmem:$0x1F770]  }
0x299: {  	v40 =	vld [tilespmem:s16+$0xD860]  }
0x29a: {  	v12 =	vld [tilespmem:s16+$0xE040]  }
0x29b: {  	v17 =	vld [tilespmem:s16+$0xDC00]  }
0x29c: {  	v46 =	vadd.f32 v59, v54;
	v59 =	vld [tilespmem:$0x1F7A0]  }
0x29d: {  	v3 =	vadd.f32 v1, v43;
	v1 =	vld [tilespmem:$0x1F780]  }
0x29e: {  	v15 =	vld [tilespmem:s16+$0xDC20]  }
0x29f: {  	v30 =	vld [tilespmem:s16+$0xE000]  }
0x2a0: {  	v28 =	vld [tilespmem:s16+$0xE020];
	v41 =	vadd.f32 v42, v58  }
0x2a1: {  	v42 =	vadd.f32 v40, v60;
	v40 =	vadd.f32 v17, v59;
	v17 =	vld [tilespmem:$0x1F7B0]  }
0x2a2: {  	v2 =	vadd.f32 v1, v44;
	v1 =	vld [tilespmem:$0x1F790]  }
0x2a3: {  	v10 =	vld [tilespmem:s16+$0xE060]  }
0x2a4: {  	v0 =	vadd.f32 v56, v0;
	v26 =	vld [tilespmem:s16+$0xDC40];
	v32 =	vadd.f32 v30, v18  }
0x2a5: {  	v30 =	vadd.f32 v28, v20;
	v28 =	vadd.f32 v12, v22;
	v12 =	vld [tilespmem:$0x1F820]  }
0x2a6: {  	v38 =	vadd.f32 v15, v17;
	v17 =	vld [tilespmem:$0x1F7D0]  }
0x2a7: {  	v1 =	vadd.f32 v1, v0;
	v0 =	vadd.f32 v50, v48;
	v50 =	vld [tilespmem:s16+$0xE400]  }
0x2a8: {  	v13 =	vld [tilespmem:s16+$0xE030]  }
0x2a9: {  	v27 =	vld [tilespmem:s16+$0xDC50]  }
0x2aa: {  	v43 =	vadd.f32 v62, v55;
	v62 =	vld [tilespmem:s16+$0xE410]  }
0x2ab: {  	v36 =	vadd.f32 v26, v17;
	v17 =	vld [tilespmem:$0x1F7E0]  }
0x2ac: {  	v26 =	vadd.f32 v10, v24;
	v24 =	vadd.f32 v50, v12;
	v12 =	vld [tilespmem:$0x1F830]  }
0x2ad: {  	v14 =	vld [tilespmem:s16+$0xE010]  }
0x2ae: {  	v31 =	vld [tilespmem:s16+$0xDC60]  }
0x2af: {  	v44 =	vadd.f32 v63, v57;
	v57 =	vld [tilespmem:s16+$0xE420]  }
0x2b0: {  	v33 =	vadd.f32 v27, v17;
	v17 =	vld [tilespmem:$0x1F7F0]  }
0x2b1: {  	v27 =	vadd.f32 v13, v21;
	v21 =	vadd.f32 v62, v12;
	v12 =	vld [tilespmem:$0x1F840]  }
0x2b2: {  	v16 =	vld [tilespmem:s16+$0xDC10]  }
0x2b3: {  	v29 =	vld [tilespmem:s16+$0xDC70]  }
0x2b4: {  	v58 =	vld [tilespmem:s16+$0xE430]  }
0x2b5: {  	v34 =	vadd.f32 v31, v17;
	v17 =	vld [tilespmem:$0x1F800]  }
0x2b6: {  	v22 =	vadd.f32 v57, v12;
	v12 =	vld [tilespmem:$0x1F850];
	_ =	sdelay $0x1  }
0x2b7: {  	v25 =	vld [tilespmem:s16+$0xDC30]  }
0x2b8: {  	v37 =	vadd.f32 v16, v49;
	v16 =	vld [tilespmem:s16+$0xE440]  }
0x2b9: {  	v15 =	vld [tilespmem:$0x1F7C0];
	v31 =	vadd.f32 v29, v17  }
0x2ba: {  	v29 =	vadd.f32 v14, v19;
	v19 =	vadd.f32 v58, v12;
	v12 =	vld [tilespmem:$0x1F860];
	_ =	sdelay $0x3  }
0x2bb: {  	v35 =	vadd.f32 v25, v15;
	v15 =	vld [tilespmem:s16+$0xE450]  }
0x2bc: {  	v20 =	vadd.f32 v16, v12;
	v12 =	vld [tilespmem:$0x1F870];
	_ =	sdelay $0x2  }
0x2bd: {  	v39 =	vld [tilespmem:s16+$0xD870]  }
0x2be: {  	v60 =	vld [tilespmem:s16+$0xE460]  }
0x2bf: {  	v17 =	vadd.f32 v15, v12;
	v12 =	vld [tilespmem:$0x1F880];
	_ =	sdelay $0x3  }
0x2c0: {  	v39 =	vadd.f32 v39, v61;
	v61 =	vld [tilespmem:s16+$0xE470]  }
0x2c1: {  	v18 =	vadd.f32 v60, v12;
	v12 =	vld [tilespmem:$0x1F890];
	_ =	sdelay $0x3  }
0x2c2: {  	v14 =	vld [tilespmem:s16+$0xE800]  }
0x2c3: {  	v15 =	vadd.f32 v61, v12;
	v12 =	vld [tilespmem:$0x1F8A0];
	_ =	sdelay $0x1  }
0x2c4: {  	v11 =	vld [tilespmem:s16+$0xE050];
	_ =	sdelay $0x1  }
0x2c5: {  	v13 =	vld [tilespmem:s16+$0xE810]  }
0x2c6: {  	v16 =	vadd.f32 v14, v12;
	v12 =	vld [tilespmem:$0x1F8B0];
	_ =	sdelay $0x1  }
0x2c7: {  	v25 =	vadd.f32 v11, v23;
	v11 =	vld [tilespmem:s16+$0xE820]  }
0x2c8: {  	v10 =	vld [tilespmem:$0x1F810]  }
0x2c9: {  	v48 =	vld [tilespmem:s16+$0xE070]  }
0x2ca: {  	v13 =	vadd.f32 v13, v12;
	v12 =	vld [tilespmem:$0x1F8C0];
	_ =	sdelay $0x3  }
0x2cb: {  	v23 =	vadd.f32 v48, v10;
	v10 =	vld [tilespmem:s16+$0xE830]  }
0x2cc: {  	v14 =	vadd.f32 v11, v12;
	v11 =	vld [tilespmem:$0x1F8D0]  }
0x2cd: {  	v53 =	vld [tilespmem:s16+$0xD800]  }
0x2ce: {  	v56 =	vld [tilespmem:s16+$0xD810]  }
0x2cf: {  	v63 =	vld [tilespmem:s16+$0xE850]  }
0x2d0: {  	v62 =	vld [tilespmem:s16+$0xE840]  }
0x2d1: {  	v12 =	vadd.f32 v10, v11;
	v10 =	vld [tilespmem:$0x1F8E0]  }
0x2d2: {  	v11 =	vld [tilespmem:$0x1F8F0]  }
0x2d3: {  	v47 =	vadd.f32 v53, v51;
	v51 =	vld [tilespmem:s16+$0xE860]  }
0x2d4: {  	v45 =	vadd.f32 v56, v52;
	v52 =	vld [tilespmem:s16+$0xE870]  }
0x2d5: {  	v48 =	vld [tilespmem:s16+$0xEC00]  }
0x2d6: {  	v49 =	vld [tilespmem:s16+$0xEC10]  }
0x2d7: {  	s18 =	simm.s32 $0x0;
	s17 =	simm.s32 $0x2;
	v50 =	vld [tilespmem:s16+$0xEC20];
	v10 =	vadd.f32 v62, v10;
	v11 =	vadd.f32 v63, v11  }
.LBB2_8:
0x2d8: {  	p0 =	sne.s32 s17, $0x47;
	s18 =	smul.u32 $0x6000, s18;
	v9 =	vadd.f32 v51, v9;
	v51 =	vld [tilespmem:s16+$0xEC30]  }
0x2d9: {  	s15 =	sadd.s32 $0x80, s15;
	v8 =	vadd.f32 v52, v8;
	v52 =	vld [tilespmem:s16+$0xEC40]  }
0x2da: {  	s19 =	sand.u32 $0x380, s15;
	s18 =	sshra.s32 s18, $0x2;
	v7 =	vadd.f32 v48, v7;
	v48 =	vld [tilespmem:s16+$0xEC50]  }
0x2db: {  	v6 =	vadd.f32 v49, v6;
	v49 =	vld [tilespmem:s16+$0xEC60];
	s16 =	sor.u32 s19, s18  }
0x2dc: {  	v53 =	vld [tilespmem:s16+$0xEC70];
	v5 =	vadd.f32 v50, v5  }
0x2dd: {  	v50 =	vld [tilespmem:s16+$0xD800];
	v4 =	vadd.f32 v51, v4  }
0x2de: {  	v51 =	vld [tilespmem:s16+$0xD810];
	v3 =	vadd.f32 v52, v3  }
0x2df: {  	v52 =	vld [tilespmem:s16+$0xD820];
	v2 =	vadd.f32 v48, v2  }
0x2e0: {  	v48 =	vld [tilespmem:s16+$0xD830];
	v1 =	vadd.f32 v49, v1  }
0x2e1: {  	v49 =	vld [tilespmem:s16+$0xD840];
	v0 =	vadd.f32 v53, v0  }
0x2e2: {  	v47 =	vadd.f32 v50, v47;
	v50 =	vld [tilespmem:s16+$0xD850]  }
0x2e3: {  	v45 =	vadd.f32 v51, v45;
	v51 =	vld [tilespmem:s16+$0xD860]  }
0x2e4: {  	v46 =	vadd.f32 v52, v46;
	v52 =	vld [tilespmem:s16+$0xD870]  }
0x2e5: {  	v43 =	vadd.f32 v48, v43;
	v48 =	vld [tilespmem:s16+$0xDC00]  }
0x2e6: {  	v44 =	vadd.f32 v49, v44;
	v49 =	vld [tilespmem:s16+$0xDC10]  }
0x2e7: {  	v41 =	vadd.f32 v50, v41;
	v50 =	vld [tilespmem:s16+$0xDC20]  }
0x2e8: {  	v42 =	vadd.f32 v51, v42;
	v51 =	vld [tilespmem:s16+$0xDC30]  }
0x2e9: {  	v39 =	vadd.f32 v52, v39;
	v52 =	vld [tilespmem:s16+$0xDC40]  }
0x2ea: {  	v40 =	vadd.f32 v48, v40;
	v48 =	vld [tilespmem:s16+$0xDC50]  }
0x2eb: {  	v37 =	vadd.f32 v49, v37;
	v49 =	vld [tilespmem:s16+$0xDC60]  }
0x2ec: {  	v38 =	vadd.f32 v50, v38;
	v50 =	vld [tilespmem:s16+$0xDC70]  }
0x2ed: {  	v35 =	vadd.f32 v51, v35;
	v51 =	vld [tilespmem:s16+$0xE000]  }
0x2ee: {  	v36 =	vadd.f32 v52, v36;
	v52 =	vld [tilespmem:s16+$0xE010]  }
0x2ef: {  	v33 =	vadd.f32 v48, v33;
	v48 =	vld [tilespmem:s16+$0xE020]  }
0x2f0: {  	v34 =	vadd.f32 v49, v34;
	v49 =	vld [tilespmem:s16+$0xE030]  }
0x2f1: {  	v31 =	vadd.f32 v50, v31;
	v50 =	vld [tilespmem:s16+$0xE040]  }
0x2f2: {  	v32 =	vadd.f32 v51, v32;
	v51 =	vld [tilespmem:s16+$0xE050]  }
0x2f3: {  	v29 =	vadd.f32 v52, v29;
	v52 =	vld [tilespmem:s16+$0xE060]  }
0x2f4: {  	v30 =	vadd.f32 v48, v30;
	v48 =	vld [tilespmem:s16+$0xE070]  }
0x2f5: {  	v27 =	vadd.f32 v49, v27;
	v49 =	vld [tilespmem:s16+$0xE400]  }
0x2f6: {  	v28 =	vadd.f32 v50, v28;
	v50 =	vld [tilespmem:s16+$0xE410]  }
0x2f7: {  	v25 =	vadd.f32 v51, v25;
	v51 =	vld [tilespmem:s16+$0xE420]  }
0x2f8: {  	v26 =	vadd.f32 v52, v26;
	v52 =	vld [tilespmem:s16+$0xE430]  }
0x2f9: {  	v23 =	vadd.f32 v48, v23;
	v48 =	vld [tilespmem:s16+$0xE440]  }
0x2fa: {  	v24 =	vadd.f32 v49, v24;
	v49 =	vld [tilespmem:s16+$0xE450]  }
0x2fb: {  	v21 =	vadd.f32 v50, v21;
	v50 =	vld [tilespmem:s16+$0xE460]  }
0x2fc: {  	v22 =	vadd.f32 v51, v22;
	v51 =	vld [tilespmem:s16+$0xE470]  }
0x2fd: {  	v19 =	vadd.f32 v52, v19;
	v52 =	vld [tilespmem:s16+$0xE800]  }
0x2fe: {  	v20 =	vadd.f32 v48, v20;
	v48 =	vld [tilespmem:s16+$0xE810]  }
0x2ff: {  	v17 =	vadd.f32 v49, v17;
	v49 =	vld [tilespmem:s16+$0xE820]  }
0x300: {  	v18 =	vadd.f32 v50, v18;
	v50 =	vld [tilespmem:s16+$0xE830]  }
0x301: {  	v15 =	vadd.f32 v51, v15;
	v53 =	vld [tilespmem:s16+$0xE840]  }
0x302: {  	v16 =	vadd.f32 v52, v16;
	v54 =	vld [tilespmem:s16+$0xE850]  }
.Ltmp3:
0x303: {  	v13 =	vadd.f32 v48, v13;
	v51 =	vld [tilespmem:s16+$0xE860];
	(pc) =	sbr.rel @p0 .LBB2_8-.Ltmp3, $4  }
0x304: {  	v14 =	vadd.f32 v49, v14;
	v52 =	vld [tilespmem:s16+$0xE870]  }
0x305: {  	v12 =	vadd.f32 v50, v12;
	v48 =	vld [tilespmem:s16+$0xEC00]  }
0x306: {  	v10 =	vadd.f32 v53, v10;
	v49 =	vld [tilespmem:s16+$0xEC10]  }
0x307: {  	s18 =	sshrl.u32 s17, $0x3;
	s17 =	sadd.s32 $0x1, s17;
	v11 =	vadd.f32 v54, v11;
	v50 =	vld [tilespmem:s16+$0xEC20]  }
0x308: {  	s17 =	smul.u32 $0x6000, s18  }
0x309: {  	s15 =	sadd.s32 $0x80, s15  }
0x30a: {  	s15 =	sand.u32 $0x380, s15;
	s17 =	sshra.s32 s17, $0x2  }
0x30b: {  	s15 =	sor.u32 s15, s17  }
0x30c: {  	v57 =	vld [tilespmem:s15+$0xDC20];
	_ =	sdelay $0x4  }
0x30d: {  	[tilespmem:$0x1F250] =	vst v57;
	v57 =	vld [tilespmem:s15+$0xDC30];
	_ =	sdelay $0x4  }
0x30e: {  	[tilespmem:$0x1F260] =	vst v57;
	v57 =	vld [tilespmem:s15+$0xDC40];
	_ =	sdelay $0x4  }
0x30f: {  	[tilespmem:$0x1F270] =	vst v57;
	v57 =	vld [tilespmem:s15+$0xDC50];
	_ =	sdelay $0x4  }
0x310: {  	[tilespmem:$0x1F280] =	vst v57;
	v57 =	vld [tilespmem:s15+$0xDC60];
	_ =	sdelay $0x4  }
0x311: {  	[tilespmem:$0x1F290] =	vst v57;
	v57 =	vld [tilespmem:s15+$0xDC70];
	_ =	sdelay $0x4  }
0x312: {  	[tilespmem:$0x1F2A0] =	vst v57;
	v57 =	vld [tilespmem:s15+$0xE000];
	_ =	sdelay $0x4  }
0x313: {  	[tilespmem:$0x1F2B0] =	vst v57;
	v57 =	vld [tilespmem:s15+$0xE010];
	_ =	sdelay $0x4  }
0x314: {  	[tilespmem:$0x1F2C0] =	vst v57;
	v57 =	vld [tilespmem:s15+$0xE020];
	_ =	sdelay $0x4  }
0x315: {  	[tilespmem:$0x1F2D0] =	vst v57;
	v57 =	vld [tilespmem:s15+$0xE030];
	_ =	sdelay $0x4  }
0x316: {  	[tilespmem:$0x1F2E0] =	vst v57;
	v57 =	vld [tilespmem:s15+$0xE040];
	_ =	sdelay $0x4  }
0x317: {  	[tilespmem:$0x1F2F0] =	vst v57;
	v57 =	vld [tilespmem:s15+$0xE050];
	_ =	sdelay $0x4  }
0x318: {  	[tilespmem:$0x1F300] =	vst v57;
	v57 =	vld [tilespmem:s15+$0xE060];
	_ =	sdelay $0x4  }
0x319: {  	[tilespmem:$0x1F310] =	vst v57;
	v57 =	vld [tilespmem:s15+$0xE070];
	_ =	sdelay $0x4  }
0x31a: {  	[tilespmem:$0x1F320] =	vst v57;
	v57 =	vld [tilespmem:s15+$0xE400];
	_ =	sdelay $0x4  }
0x31b: {  	[tilespmem:$0x1F330] =	vst v57;
	v57 =	vld [tilespmem:s15+$0xE410];
	_ =	sdelay $0x4  }
0x31c: {  	[tilespmem:$0x1F340] =	vst v57;
	v57 =	vld [tilespmem:s15+$0xE420];
	_ =	sdelay $0x4  }
0x31d: {  	[tilespmem:$0x1F350] =	vst v57;
	v57 =	vld [tilespmem:s15+$0xE430];
	_ =	sdelay $0x4  }
0x31e: {  	[tilespmem:$0x1F360] =	vst v57;
	v57 =	vld [tilespmem:s15+$0xE440];
	_ =	sdelay $0x4  }
0x31f: {  	[tilespmem:$0x1F370] =	vst v57;
	v57 =	vld [tilespmem:s15+$0xE450];
	_ =	sdelay $0x4  }
0x320: {  	[tilespmem:$0x1F380] =	vst v57;
	v57 =	vld [tilespmem:s15+$0xE460];
	_ =	sdelay $0x4  }
0x321: {  	[tilespmem:$0x1F390] =	vst v57;
	v57 =	vld [tilespmem:s15+$0xE470];
	_ =	sdelay $0x4  }
0x322: {  	[tilespmem:$0x1F3A0] =	vst v57;
	v57 =	vld [tilespmem:s15+$0xE800];
	_ =	sdelay $0x4  }
0x323: {  	[tilespmem:$0x1F3B0] =	vst v57;
	v57 =	vld [tilespmem:s15+$0xE810];
	_ =	sdelay $0x4  }
0x324: {  	[tilespmem:$0x1F3C0] =	vst v57;
	v57 =	vld [tilespmem:s15+$0xE820];
	_ =	sdelay $0x4  }
0x325: {  	[tilespmem:$0x1F3D0] =	vst v57;
	v57 =	vld [tilespmem:s15+$0xE830];
	_ =	sdelay $0x4  }
0x326: {  	[tilespmem:$0x1F3E0] =	vst v57;
	v57 =	vld [tilespmem:s15+$0xE840];
	_ =	sdelay $0x4  }
0x327: {  	[tilespmem:$0x1F3F0] =	vst v57;
	v57 =	vld [tilespmem:s15+$0xE850];
	_ =	sdelay $0x4  }
0x328: {  	[tilespmem:$0x1F400] =	vst v57;
	v57 =	vld [tilespmem:s15+$0xE860];
	_ =	sdelay $0x4  }
0x329: {  	[tilespmem:$0x1F410] =	vst v57;
	v57 =	vld [tilespmem:s15+$0xE870];
	_ =	sdelay $0x3  }
0x32a: {  	v53 =	vld [tilespmem:s16+$0xEC30]  }
0x32b: {  	[tilespmem:$0x1F420] =	vst v57;
	v57 =	vld [tilespmem:s15+$0xEC00]  }
0x32c: {  	v60 =	vld [tilespmem:s16+$0xEC40]  }
0x32d: {  	v61 =	vld [tilespmem:s16+$0xEC50]  }
0x32e: {  	v62 =	vld [tilespmem:s16+$0xEC60]  }
0x32f: {  	v63 =	vld [tilespmem:s15+$0xEC70]  }
0x330: {  	[tilespmem:$0x1F430] =	vst v57;
	v57 =	vld [tilespmem:s15+$0xEC10]  }
0x331: {  	v58 =	vld [tilespmem:s15+$0xD800]  }
0x332: {  	v59 =	vld [tilespmem:s15+$0xD810]  }
0x333: {  	v54 =	vld [tilespmem:s15+$0xD870]  }
0x334: {  	v55 =	vld [tilespmem:s15+$0xDC00]  }
0x335: {  	[tilespmem:$0x1F450] =	vst v57;
	v57 =	vld [tilespmem:s15+$0xEC20]  }
0x336: {  	v56 =	vld [tilespmem:s15+$0xDC10]  }
0x337: {  	[tilespmem:$0x1F460] =	vst v60;
	v60 =	vld [tilespmem:s15+$0xD820]  }
0x338: {  	[tilespmem:$0x1F480] =	vst v61;
	v61 =	vld [tilespmem:s15+$0xD830]  }
0x339: {  	[tilespmem:$0x1F440] =	vst v53;
	v53 =	vld [tilespmem:s15+$0xD860]  }
0x33a: {  	[tilespmem:$0x1F470] =	vst v57;
	v57 =	vld [tilespmem:s15+$0xEC30]  }
0x33b: {  	[tilespmem:$0x1F4A0] =	vst v62;
	v62 =	vld [tilespmem:s15+$0xD840]  }
0x33c: {  	[tilespmem:$0x1F4C0] =	vst v63;
	v63 =	vld [tilespmem:s15+$0xD850]  }
0x33d: {  	v47 =	vadd.f32 v58, v47;
	v58 =	vld [tilespmem:s15+$0xEC50]  }
0x33e: {  	v42 =	vadd.f32 v53, v42;
	v53 =	vld [tilespmem:$0x1F280]  }
0x33f: {  	v45 =	vadd.f32 v59, v45;
	v59 =	vld [tilespmem:s15+$0xEC60];
	[tilespmem:$0x1F490] =	vst v57  }
0x340: {  	v46 =	vadd.f32 v60, v46;
	v57 =	vld [tilespmem:s15+$0xEC40];
	[tilespmem:$0x1B000] =	vst v47  }
0x341: {  	v43 =	vadd.f32 v61, v43;
	[tilespmem:$0x1B010] =	vst v45  }
0x342: {  	v39 =	vadd.f32 v54, v39;
	v44 =	vadd.f32 v62, v44;
	v54 =	vld [tilespmem:$0x1F290];
	[tilespmem:$0x1B020] =	vst v46  }
0x343: {  	v41 =	vadd.f32 v63, v41;
	v33 =	vadd.f32 v53, v33;
	v53 =	vld [tilespmem:$0x1F440];
	[tilespmem:$0x1B030] =	vst v43  }
0x344: {  	v61 =	vld [tilespmem:$0x1F2E0];
	[tilespmem:$0x1B040] =	vst v44  }
0x345: {  	v40 =	vadd.f32 v55, v40;
	v55 =	vld [tilespmem:$0x1F2A0];
	[tilespmem:$0x1B050] =	vst v41  }
0x346: {  	v37 =	vadd.f32 v56, v37;
	v56 =	vld [tilespmem:$0x1F2B0];
	[tilespmem:$0x1B060] =	vst v42  }
0x347: {  	v60 =	vld [tilespmem:$0x1F2D0];
	[tilespmem:$0x1B070] =	vst v39  }
0x348: {  	v62 =	vld [tilespmem:$0x1F2F0];
	[tilespmem:$0x1B080] =	vst v40  }
0x349: {  	v34 =	vadd.f32 v54, v34;
	v27 =	vadd.f32 v61, v27;
	v61 =	vld [tilespmem:$0x1F4A0];
	[tilespmem:$0x1B090] =	vst v37  }
0x34a: {  	v31 =	vadd.f32 v55, v31;
	v63 =	vld [tilespmem:$0x1F300];
	[tilespmem:$0x1B0D0] =	vst v33  }
0x34b: {  	v7 =	vadd.f32 v48, v7;
	v32 =	vadd.f32 v56, v32;
	v48 =	vld [tilespmem:$0x1F410];
	[tilespmem:$0x1B0E0] =	vst v34  }
0x34c: {  	v9 =	vadd.f32 v51, v9;
	v30 =	vadd.f32 v60, v30;
	v51 =	vld [tilespmem:$0x1F420];
	[tilespmem:$0x1B0F0] =	vst v31  }
0x34d: {  	v8 =	vadd.f32 v52, v8;
	v52 =	vld [tilespmem:$0x1F430];
	[tilespmem:$0x1B100] =	vst v32  }
0x34e: {  	v28 =	vadd.f32 v62, v28;
	v54 =	vld [tilespmem:$0x1F450];
	[tilespmem:$0x1B120] =	vst v30  }
0x34f: {  	v55 =	vld [tilespmem:$0x1F460];
	v25 =	vadd.f32 v63, v25;
	[tilespmem:$0x1B130] =	vst v27  }
0x350: {  	v63 =	vld [tilespmem:$0x1F4C0];
	v9 =	vadd.f32 v48, v9;
	[tilespmem:$0x1B140] =	vst v28  }
0x351: {  	v6 =	vadd.f32 v49, v6;
	v8 =	vadd.f32 v51, v8;
	v56 =	vld [tilespmem:$0x1F470];
	[tilespmem:$0x1B150] =	vst v25  }
0x352: {  	v1 =	vadd.f32 v61, v1;
	v7 =	vadd.f32 v52, v7;
	v45 =	vld [tilespmem:$0x1F250];
	[tilespmem:$0x1B260] =	vst v9  }
0x353: {  	v6 =	vadd.f32 v54, v6;
	v46 =	vld [tilespmem:$0x1F260];
	[tilespmem:$0x1B270] =	vst v8  }
0x354: {  	v5 =	vadd.f32 v50, v5;
	v1 =	vadd.f32 v59, v1;
	v47 =	vld [tilespmem:$0x1F270];
	[tilespmem:$0x1B280] =	vst v7  }
0x355: {  	v0 =	vadd.f32 v63, v0;
	v32 =	vld [tilespmem:$0x1F310];
	[tilespmem:$0x1B290] =	vst v6  }
0x356: {  	v33 =	vld [tilespmem:$0x1F320];
	[tilespmem:$0x1B2E0] =	vst v1;
	v5 =	vadd.f32 v56, v5  }
0x357: {  	v34 =	vld [tilespmem:$0x1F330];
	[tilespmem:$0x1B2F0] =	vst v0  }
0x358: {  	v37 =	vld [tilespmem:$0x1F360];
	[tilespmem:$0x1B2A0] =	vst v5;
	v38 =	vadd.f32 v45, v38  }
0x359: {  	v39 =	vld [tilespmem:$0x1F380];
	[tilespmem:$0x1F4B0] =	vst v57;
	v35 =	vadd.f32 v46, v35  }
0x35a: {  	v40 =	vld [tilespmem:$0x1F390];
	v36 =	vadd.f32 v47, v36;
	[tilespmem:$0x1B0A0] =	vst v38  }
0x35b: {  	v41 =	vld [tilespmem:$0x1F3A0];
	v26 =	vadd.f32 v32, v26;
	[tilespmem:$0x1B0B0] =	vst v35  }
0x35c: {  	v42 =	vld [tilespmem:$0x1F3B0];
	v23 =	vadd.f32 v33, v23;
	[tilespmem:$0x1B0C0] =	vst v36  }
0x35d: {  	v43 =	vld [tilespmem:$0x1F3C0];
	v24 =	vadd.f32 v34, v24;
	[tilespmem:$0x1B160] =	vst v26  }
0x35e: {  	v44 =	vld [tilespmem:$0x1F3D0];
	v19 =	vadd.f32 v37, v19;
	[tilespmem:$0x1B170] =	vst v23  }
0x35f: {  	v60 =	vld [tilespmem:$0x1F490];
	v17 =	vadd.f32 v39, v17;
	[tilespmem:$0x1B180] =	vst v24  }
0x360: {  	v57 =	vld [tilespmem:$0x1F2C0];
	v18 =	vadd.f32 v40, v18;
	[tilespmem:$0x1B1B0] =	vst v19  }
0x361: {  	v15 =	vadd.f32 v41, v15;
	v45 =	vld [tilespmem:$0x1F3E0];
	[tilespmem:$0x1B1D0] =	vst v17  }
0x362: {  	v16 =	vadd.f32 v42, v16;
	v46 =	vld [tilespmem:$0x1F3F0];
	[tilespmem:$0x1B1E0] =	vst v18  }
0x363: {  	v4 =	vadd.f32 v53, v4;
	v13 =	vadd.f32 v43, v13;
	v47 =	vld [tilespmem:$0x1F400];
	[tilespmem:$0x1B1F0] =	vst v15  }
0x364: {  	v14 =	vadd.f32 v44, v14;
	v62 =	vld [tilespmem:$0x1F4B0];
	[tilespmem:$0x1B200] =	vst v16  }
0x365: {  	v4 =	vadd.f32 v60, v4;
	v35 =	vld [tilespmem:$0x1F340];
	[tilespmem:$0x1B210] =	vst v13  }
0x366: {  	v36 =	vld [tilespmem:$0x1F350];
	[tilespmem:$0x1B220] =	vst v14;
	v29 =	vadd.f32 v57, v29  }
0x367: {  	[tilespmem:$0x1B2B0] =	vst v4;
	v12 =	vadd.f32 v45, v12;
	v57 =	vld [tilespmem:$0x1F480]  }
0x368: {  	v3 =	vadd.f32 v55, v3;
	v38 =	vld [tilespmem:$0x1F370];
	v10 =	vadd.f32 v46, v10;
	[tilespmem:$0x1B110] =	vst v29  }
0x369: {  	v11 =	vadd.f32 v47, v11;
	[tilespmem:$0x1B230] =	vst v12  }
0x36a: {  	v3 =	vadd.f32 v62, v3;
	[tilespmem:$0x1B240] =	vst v10  }
0x36b: {  	v21 =	vadd.f32 v35, v21;
	[tilespmem:$0x1B250] =	vst v11  }
0x36c: {  	v22 =	vadd.f32 v36, v22;
	[tilespmem:$0x1B2C0] =	vst v3;
	v2 =	vadd.f32 v57, v2  }
0x36d: {  	v20 =	vadd.f32 v38, v20;
	[tilespmem:$0x1B190] =	vst v21  }
0x36e: {  	s14 =	sadd.s32 $0x1, s14;
	[tilespmem:$0x1B1A0] =	vst v22;
	v2 =	vadd.f32 v58, v2  }
0x36f: {  	p0 =	sne.s32 s14, s9;
	[tilespmem:$0x1B1C0] =	vst v20  }
.Ltmp4:
0x370: {  	[tilespmem:$0x1B2D0] =	vst v2;
	(pc) =	sbr.rel @p0 .LBB2_1-.Ltmp4, $4  }
0x371: {  	[hbm4b:s8+s2] =	stream.linear.scatter [tilespmem:s12], [sflag:$0x3], $0x400, $0x38;
	[tilespmem:$0x1B400] =	vst v63  }
0x372: {  	_ =	swait.ge [sflag:s13], $0x400  }
0x373: {  	[sflag:s13] =	ssyncset.done $0x0  }
0x374: {  	[sflag:s13] =	ssyncadd.s32 $0xFFFFFC00  }
0x375: {  	_ =	sfence.sel $0x180000  }
0x376: {  	[bflag:$0x0] =	sbarrier.arrive $0xFFFF  }
0x377: {  	p0 =	sne.s32 s0, $0x0;
	_ =	strace $0x90000047  }
0x378: {  	s0 =	sadd.s32 @!p0 $0x100000, s1;
	[bflag:$0x2] =	sbarrier.arrive $0xFFFF  }
0x379: {  	[sflag:s0] =	ssyncadd.tile.s32 @!p0 $0x1;
	_ =	shalt  }
.Lfunc_end2:
_tile_overlayer_lowered:
.L_overlay_start_2:
0x37a: {  	(tag) =	ssettag $0x2  }
0x37b: {  	s0 =	rddreg [dreg:$0x0];
	s2 =	stileid.u32  }
0x37c: {  	s1 =	rddreg [dreg:$0x1];
	p0 =	sne.s32 s2, $0x0  }
0x37d: {  	s3 =	rddreg [dreg:$0x2];
	[bflag:$0x3] =	sbarrier.arrive $0xFFFF;
	s2 =	simm.s32 @!p0 $0x1C03  }
0x37e: {  	[timem:s3], [sflag:s2] =	dma.local @!p0 [hbm:s0], s1  }
0x37f: {  	s0 =	simm.s32 @!p0 $0x3  }
0x380: {  	_ =	swait.ge @!p0 [sflag:s0], s1  }
0x381: {  	s1 =	ssub.s32 @!p0 $0x0, s1;
	[sflag:s0] =	ssyncset.done @!p0 $0x0  }
0x382: {  	[sflag:s0] =	ssyncadd.s32 @!p0 s1  }
0x383: {  	[bflag:$0x3] =	sbarrier.arrive $0xFFFF  }
0x384: {  	_ =	shalt  }

</sc_bundles>
